<compile_context>
chip_gen: v7x
topology: tpu7x:2x2x1
jax: 0.10.2.dev20260603
libtpu: 0.0.44.dev20260713+nightly
codegen_flags: <defaults>
</compile_context>

<pallas_src>
import functools

import jax
import jax.numpy as jnp
from jax import lax
from jax.experimental import pallas as pl
from jax.experimental.pallas import tpu as pltpu
from jax.experimental.pallas import tpu_sc as plsc

N = 10000
D = 128
E = 320000

NC = 2
NS = 16
NW = NC * NS
K = 128
EPT = 10240
EP = NW * EPT
CH = EPT // K
NACC = 10240
RPT = NACC // NS
RZ = 128


SB = 32


def _make_sc_agg(cha=CH, chb=CH):
    assert cha % SB == 0 and chb % SB == 0 and cha + chb == 2 * CH
    mesh = plsc.VectorSubcoreMesh(core_axis_name="c", subcore_axis_name="s")

    def body(feat, src2, dst2, out_p, src_l, dst_l, rows0, rows1, acc_sh,
             sem0, sem1):
        c = lax.axis_index("c")
        s = lax.axis_index("s")

        zero16 = jnp.zeros((16,), jnp.float32)
        nst = jnp.where(c == 0, cha // SB, chb // SB)
        base0 = jnp.where(c == 0, s * cha, NS * cha + s * chb)

        def zrow(i, carry):
            for j in range(D // 16):
                rows0[i, pl.ds(j * 16, 16)] = zero16
            return carry
        lax.fori_loop(0, K, zrow, 0)
        for t in range(RPT // K):
            pltpu.sync_copy(rows0, acc_sh.at[pl.ds(s * RPT + t * K, K)])
        plsc.subcore_barrier()

        def drain(buf, sem):
            pltpu.make_async_copy(feat.at[pl.ds(0, K)], buf, sem).wait()

        def stage(t, carry):
            base = pl.multiple_of(base0 + t * SB, 8)
            pltpu.sync_copy(src2.at[pl.ds(base, SB)], src_l)
            pltpu.sync_copy(dst2.at[pl.ds(base, SB)], dst_l)
            pltpu.async_copy(feat.at[src_l.at[0]], rows0, sem0)
            pltpu.async_copy(feat.at[src_l.at[1]], rows1, sem1)

            def step2(jj, carry2):
                j = jj * 2
                drain(rows0, sem0)
                pltpu.sync_copy(rows0, acc_sh.at[dst_l.at[j]], add=True)
                pltpu.async_copy(feat.at[src_l.at[lax.rem(j + 2, SB)]],
                                 rows0, sem0)
                drain(rows1, sem1)
                pltpu.sync_copy(rows1, acc_sh.at[dst_l.at[j + 1]], add=True)
                pltpu.async_copy(feat.at[src_l.at[lax.rem(j + 3, SB)]],
                                 rows1, sem1)
                return carry2
            lax.fori_loop(0, SB // 2, step2, 0)
            drain(rows0, sem0)
            drain(rows1, sem1)
            return carry
        lax.fori_loop(0, nst, stage, 0)

        plsc.subcore_barrier()
        row0 = pl.multiple_of(c * NACC + s * RPT, RPT)
        pltpu.sync_copy(acc_sh.at[pl.ds(s * RPT, RPT)],
                        out_p.at[pl.ds(row0, RPT)])

    return pl.kernel(
        body,
        mesh=mesh,
        out_type=[jax.ShapeDtypeStruct((NC * NACC, D), jnp.float32)],
        scratch_types=[
            pltpu.VMEM((SB, K), jnp.int32),
            pltpu.VMEM((SB, K), jnp.int32),
            pltpu.VMEM((K, D), jnp.float32),
            pltpu.VMEM((K, D), jnp.float32),
            pltpu.VMEM_SHARED((NACC, D), jnp.float32),
            pltpu.SemaphoreType.DMA,
            pltpu.SemaphoreType.DMA,
        ],
    )


DW = 128


def _make_sc_deg(dw=DW, scatter=True):
    mesh = plsc.VectorSubcoreMesh(core_axis_name="c", subcore_axis_name="s")

    def body(dst2, out_d, dst_l, ones_v, deg_sh, sem):
        c = lax.axis_index("c")
        s = lax.axis_index("s")

        zero16 = jnp.zeros((16,), jnp.float32)
        ones16 = jnp.ones((16,), jnp.float32)

        w = c * NS + s
        pltpu.sync_copy(dst2.at[pl.ds(pl.multiple_of(w * CH, CH), CH)], dst_l)

        def fill(v):
            def f(i, carry):
                for q in range(dw // 16):
                    ones_v[i, pl.ds(q * 16, 16)] = v
                return carry
            lax.fori_loop(0, K, f, 0)
        fill(zero16)
        for t in range(RPT // K):
            pltpu.sync_copy(ones_v, deg_sh.at[pl.ds(s * RPT + t * K, K)])
        fill(ones16)
        plsc.subcore_barrier()

        if scatter:
            def step(jj, carry):
                j = jj * 4
                for q in range(4):
                    pltpu.async_copy(ones_v, deg_sh.at[dst_l.at[j + q]],
                                     sem, add=True)
                for q in range(4):
                    pltpu.make_async_copy(
                        ones_v, deg_sh.at[pl.ds(0, K)], sem).wait()
                return carry
            lax.fori_loop(0, CH // 4, step, 0)

        plsc.subcore_barrier()
        row0 = pl.multiple_of(c * NACC + s * RPT, RPT)
        pltpu.sync_copy(deg_sh.at[pl.ds(s * RPT, RPT)],
                        out_d.at[pl.ds(row0, RPT)])

    return pl.kernel(
        body,
        mesh=mesh,
        out_type=[jax.ShapeDtypeStruct((NC * NACC, dw), jnp.float32)],
        scratch_types=[
            pltpu.VMEM((CH, K), jnp.int32),
            pltpu.VMEM((K, dw), jnp.float32),
            pltpu.VMEM_SHARED((NACC, dw), jnp.float32),
            pltpu.SemaphoreType.DMA,
        ],
    )


_sc_agg = _make_sc_agg(128, 32)
_sc_deg = _make_sc_deg()


def _combine_body(relu, p_ref, dg_ref, x_ref, wl_ref, wr_ref, b_ref, o_ref):
    deg = dg_ref[0, :, 0:1] + dg_ref[1, :, 0:1]
    inv = 1.0 / jnp.maximum(deg, 1.0)
    agg = (p_ref[0] + p_ref[1]) * inv
    r = jnp.dot(agg, wl_ref[...], preferred_element_type=jnp.float32)
    r = r + b_ref[...]
    r = r + jnp.dot(x_ref[...], wr_ref[...], preferred_element_type=jnp.float32)
    o_ref[...] = jnp.maximum(r, 0.0) if relu else r


def _combine(p, dg, xin, W_l, W_r, b, relu):
    B = 1000
    return pl.pallas_call(
        functools.partial(_combine_body, relu),
        grid=(N // B,),
        in_specs=[
            pl.BlockSpec((NC, B, D), lambda i: (0, i, 0)),
            pl.BlockSpec((NC, B, DW), lambda i: (0, i, 0)),
            pl.BlockSpec((B, D), lambda i: (i, 0)),
            pl.BlockSpec((D, D), lambda i: (0, 0)),
            pl.BlockSpec((D, D), lambda i: (0, 0)),
            pl.BlockSpec((1, D), lambda i: (0, 0)),
        ],
        out_specs=pl.BlockSpec((B, D), lambda i: (i, 0)),
        out_shape=jax.ShapeDtypeStruct((N, D), jnp.float32),
    )(p, dg, xin, W_l, W_r, b)


def kernel(x, edge_index, W1_l, W1_r, b1, W2_l, W2_r, b2):
    ei = edge_index.astype(jnp.int32)
    pad = EP - E
    srcp = jnp.concatenate([ei[0], jnp.zeros((pad,), jnp.int32)])
    dstp = jnp.concatenate([ei[1], jnp.full((pad,), N, jnp.int32)])
    src2 = srcp.reshape(NW * CH, K)
    dst2 = dstp.reshape(NW * CH, K)

    d1f, = _sc_deg(dst2)
    d1 = d1f.reshape(NC, NACC, DW)[:, :N]

    p1f, = _sc_agg(x, src2, dst2)
    p1 = p1f.reshape(NC, NACC, D)[:, :N]
    h = _combine(p1, d1, x, W1_l, W1_r, b1.reshape(1, D), relu=True)

    p2f, = _sc_agg(h, src2, dst2)
    p2 = p2f.reshape(NC, NACC, D)[:, :N]
    out = _combine(p2, d1, h, W2_l, W2_r, b2.reshape(1, D), relu=False)
    return out

# --- scband reference (transcript-rebuilt; emitter-appended) ---
"""Pipeline reference for scband-gnn-71270687310162 (READ-ONLY COPY).

The authoritative reference and input builder live on the scoring server;
editing this copy changes nothing except your own understanding.
"""

import jax, jax.numpy as jnp
import numpy as np

N = 10000
E = 320000
D_IN = 128
D_HID = 128
D_OUT = 128


def setup_inputs(seed: int = 0) -> dict:
    key = jax.random.key(seed)
    ks = jax.random.split(key, 8)
    x = jax.random.normal(ks[0], (N, D_IN), dtype=jnp.float32)
    edge_index = jax.random.randint(ks[1], (2, E), 0, N, dtype=jnp.int64)
    s = 1.0 / np.sqrt(D_IN)
    W1_l = jax.random.uniform(ks[2], (D_IN, D_HID), dtype=jnp.float32, minval=-s, maxval=s)
    W1_r = jax.random.uniform(ks[3], (D_IN, D_HID), dtype=jnp.float32, minval=-s, maxval=s)
    b1 = jnp.zeros((D_HID,), dtype=jnp.float32)
    s2 = 1.0 / np.sqrt(D_HID)
    W2_l = jax.random.uniform(ks[4], (D_HID, D_OUT), dtype=jnp.float32, minval=-s2, maxval=s2)
    W2_r = jax.random.uniform(ks[5], (D_HID, D_OUT), dtype=jnp.float32, minval=-s2, maxval=s2)
    b2 = jnp.zeros((D_OUT,), dtype=jnp.float32)
    return {"x": x, "edge_index": edge_index, "W1_l": W1_l, "W1_r": W1_r, "b1": b1, "W2_l": W2_l, "W2_r": W2_r, "b2": b2}


def _sage_conv(x, edge_index, W_l, W_r, b):
    # PyG SAGEConv with mean aggregation: out = lin_l(mean_j x_j) + lin_r(x)
    src = edge_index[0]
    dst = edge_index[1]
    msgs = jnp.take(x, src, axis=0)
    agg = jax.ops.segment_sum(msgs, dst, num_segments=x.shape[0])
    deg = jax.ops.segment_sum(jnp.ones((edge_index.shape[1],), dtype=x.dtype), dst, num_segments=x.shape[0])
    agg = agg / jnp.maximum(deg, 1.0)[:, None]
    return agg @ W_l + b + x @ W_r


def reference(x, edge_index, W1_l, W1_r, b1, W2_l, W2_r, b2):
    h = jax.nn.relu(_sage_conv(x, edge_index, W1_l, W1_r, b1))
    out = _sage_conv(h, edge_index, W2_l, W2_r, b2)
    return out

if __name__ == "__main__":
    import jax
    _d = setup_inputs()
    print(jax.jit(kernel)(*tuple(_d.values())))

</pallas_src>

<mosaic_0001>
#map = affine_map<(d0, d1) -> (0, 0)>
module attributes {stable_mosaic.version = 14 : i64} {
  func.func @body(%arg0: i32, %arg1: i32, %arg2: memref<10000x128xf32, #tpu.memory_space<hbm>>, %arg3: memref<2560x128xi32, #tpu.memory_space<hbm>>, %arg4: memref<2560x128xi32, #tpu.memory_space<hbm>>, %arg5: memref<20480x128xf32, #tpu.memory_space<hbm>>, %arg6: memref<32x128xi32, #tpu.memory_space<vmem>>, %arg7: memref<32x128xi32, #tpu.memory_space<vmem>>, %arg8: memref<128x128xf32, #tpu.memory_space<vmem>>, %arg9: memref<128x128xf32, #tpu.memory_space<vmem>>, %arg10: memref<10240x128xf32, #tpu.memory_space<vmem_shared>>, %arg11: memref<!tpu.dma_semaphore, #tpu.memory_space<semaphore_mem>>, %arg12: memref<!tpu.dma_semaphore, #tpu.memory_space<semaphore_mem>>) attributes {dimension_semantics = [#tpu.dimension_semantics<core_parallel>, #tpu.dimension_semantics<subcore_parallel>], iteration_bounds = array<i64: 2, 16>, scalar_prefetch = 0 : i64, scratch_operands = 7 : i64, tpu.core_type = #tpu.core_type<sc_vector_subcore>, window_params = [{transform_indices = #map}, {transform_indices = #map}, {transform_indices = #map}, {transform_indices = #map}]} {
    %broadcast_in_dim3A = arith.constant 0.000000e+00 : f32
    %broadcast_in_dim3A_0 = vector.broadcast %broadcast_in_dim3A : f32 to vector<16xf32>
    %eq3A = arith.constant 0 : i32
    %eq3A_1 = arith.cmpi eq, %arg0, %eq3A : i32
    %jit3A = arith.constant 4 : i32
    %jit3A_2 = arith.constant 1 : i32
    %select_n3A = arith.select %eq3A_1, %jit3A, %jit3A_2 : i32
    %eq3A_3 = arith.constant 0 : i32
    %eq3A_4 = arith.cmpi eq, %arg0, %eq3A_3 : i32
    %mul3A = arith.constant 128 : i32
    %mul3A_5 = arith.muli %arg1, %mul3A : i32
    %mul3A_6 = arith.constant 32 : i32
    %mul3A_7 = arith.muli %arg1, %mul3A_6 : i32
    %add3A = arith.constant 2048 : i32
    %add3A_8 = arith.addi %add3A, %mul3A_7 : i32
    %select_n3A_9 = arith.select %eq3A_4, %mul3A_5, %add3A_8 : i32
    %scan3A = arith.constant 0 : i32
    %scan3A_10 = arith.constant 0 : i32
    %scan3A_11 = arith.constant 128 : i32
    %scan3A_12 = arith.addi %scan3A_10, %scan3A_11 : i32
    %scan3A_13 = arith.constant 1 : i32
    scf.for %scan3A_52 = %scan3A_10 to %scan3A_12 step %scan3A_13  : i32 {
      %swap3A = arith.index_cast %scan3A_52 : i32 to index
      %swap3A_53 = arith.constant 0 : index
      %swap3A_54 = tpu.vector_load %arg8[%swap3A, %swap3A_53] {strides = array<i32>} : memref<128x128xf32, #tpu.memory_space<vmem>>, vector<1x16xf32>,
      %swap3A_55 = vector.shape_cast %swap3A_54 : vector<1x16xf32> to vector<16xf32>
      %swap3A_56 = vector.shape_cast %broadcast_in_dim3A_0 : vector<16xf32> to vector<1x16xf32>
      tpu.vector_store %arg8[%swap3A, %swap3A_53], %swap3A_56 {strides = array<i32>} : memref<128x128xf32, #tpu.memory_space<vmem>>, vector<1x16xf32>,
      %swap3A_57 = arith.index_cast %scan3A_52 : i32 to index
      %swap3A_58 = arith.constant 16 : index
      %swap3A_59 = tpu.vector_load %arg8[%swap3A_57, %swap3A_58] {strides = array<i32>} : memref<128x128xf32, #tpu.memory_space<vmem>>, vector<1x16xf32>,
      %swap3A_60 = vector.shape_cast %swap3A_59 : vector<1x16xf32> to vector<16xf32>
      %swap3A_61 = vector.shape_cast %broadcast_in_dim3A_0 : vector<16xf32> to vector<1x16xf32>
      tpu.vector_store %arg8[%swap3A_57, %swap3A_58], %swap3A_61 {strides = array<i32>} : memref<128x128xf32, #tpu.memory_space<vmem>>, vector<1x16xf32>,
      %swap3A_62 = arith.index_cast %scan3A_52 : i32 to index
      %swap3A_63 = arith.constant 32 : index
      %swap3A_64 = tpu.vector_load %arg8[%swap3A_62, %swap3A_63] {strides = array<i32>} : memref<128x128xf32, #tpu.memory_space<vmem>>, vector<1x16xf32>,
      %swap3A_65 = vector.shape_cast %swap3A_64 : vector<1x16xf32> to vector<16xf32>
      %swap3A_66 = vector.shape_cast %broadcast_in_dim3A_0 : vector<16xf32> to vector<1x16xf32>
      tpu.vector_store %arg8[%swap3A_62, %swap3A_63], %swap3A_66 {strides = array<i32>} : memref<128x128xf32, #tpu.memory_space<vmem>>, vector<1x16xf32>,
      %swap3A_67 = arith.index_cast %scan3A_52 : i32 to index
      %swap3A_68 = arith.constant 48 : index
      %swap3A_69 = tpu.vector_load %arg8[%swap3A_67, %swap3A_68] {strides = array<i32>} : memref<128x128xf32, #tpu.memory_space<vmem>>, vector<1x16xf32>,
      %swap3A_70 = vector.shape_cast %swap3A_69 : vector<1x16xf32> to vector<16xf32>
      %swap3A_71 = vector.shape_cast %broadcast_in_dim3A_0 : vector<16xf32> to vector<1x16xf32>
      tpu.vector_store %arg8[%swap3A_67, %swap3A_68], %swap3A_71 {strides = array<i32>} : memref<128x128xf32, #tpu.memory_space<vmem>>, vector<1x16xf32>,
      %swap3A_72 = arith.index_cast %scan3A_52 : i32 to index
      %swap3A_73 = arith.constant 64 : index
      %swap3A_74 = tpu.vector_load %arg8[%swap3A_72, %swap3A_73] {strides = array<i32>} : memref<128x128xf32, #tpu.memory_space<vmem>>, vector<1x16xf32>,
      %swap3A_75 = vector.shape_cast %swap3A_74 : vector<1x16xf32> to vector<16xf32>
      %swap3A_76 = vector.shape_cast %broadcast_in_dim3A_0 : vector<16xf32> to vector<1x16xf32>
      tpu.vector_store %arg8[%swap3A_72, %swap3A_73], %swap3A_76 {strides = array<i32>} : memref<128x128xf32, #tpu.memory_space<vmem>>, vector<1x16xf32>,
      %swap3A_77 = arith.index_cast %scan3A_52 : i32 to index
      %swap3A_78 = arith.constant 80 : index
      %swap3A_79 = tpu.vector_load %arg8[%swap3A_77, %swap3A_78] {strides = array<i32>} : memref<128x128xf32, #tpu.memory_space<vmem>>, vector<1x16xf32>,
      %swap3A_80 = vector.shape_cast %swap3A_79 : vector<1x16xf32> to vector<16xf32>
      %swap3A_81 = vector.shape_cast %broadcast_in_dim3A_0 : vector<16xf32> to vector<1x16xf32>
      tpu.vector_store %arg8[%swap3A_77, %swap3A_78], %swap3A_81 {strides = array<i32>} : memref<128x128xf32, #tpu.memory_space<vmem>>, vector<1x16xf32>,
      %swap3A_82 = arith.index_cast %scan3A_52 : i32 to index
      %swap3A_83 = arith.constant 96 : index
      %swap3A_84 = tpu.vector_load %arg8[%swap3A_82, %swap3A_83] {strides = array<i32>} : memref<128x128xf32, #tpu.memory_space<vmem>>, vector<1x16xf32>,
      %swap3A_85 = vector.shape_cast %swap3A_84 : vector<1x16xf32> to vector<16xf32>
      %swap3A_86 = vector.shape_cast %broadcast_in_dim3A_0 : vector<16xf32> to vector<1x16xf32>
      tpu.vector_store %arg8[%swap3A_82, %swap3A_83], %swap3A_86 {strides = array<i32>} : memref<128x128xf32, #tpu.memory_space<vmem>>, vector<1x16xf32>,
      %swap3A_87 = arith.index_cast %scan3A_52 : i32 to index
      %swap3A_88 = arith.constant 112 : index
      %swap3A_89 = tpu.vector_load %arg8[%swap3A_87, %swap3A_88] {strides = array<i32>} : memref<128x128xf32, #tpu.memory_space<vmem>>, vector<1x16xf32>,
      %swap3A_90 = vector.shape_cast %swap3A_89 : vector<1x16xf32> to vector<16xf32>
      %swap3A_91 = vector.shape_cast %broadcast_in_dim3A_0 : vector<16xf32> to vector<1x16xf32>
      tpu.vector_store %arg8[%swap3A_87, %swap3A_88], %swap3A_91 {strides = array<i32>} : memref<128x128xf32, #tpu.memory_space<vmem>>, vector<1x16xf32>,
    }
    %scan3A_14 = arith.constant 128 : i32
    %mul3A_15 = arith.constant 640 : i32
    %mul3A_16 = arith.muli %arg1, %mul3A_15 : i32
    %add3A_17 = arith.constant 0 : i32
    %add3A_18 = arith.addi %mul3A_16, %add3A_17 : i32
    "tpu.region"() ({
      %run_scoped3A = tpu.sem_alloc : memref<!tpu.dma_semaphore, #tpu.memory_space<semaphore_mem>>
      %dma_start3A = arith.constant 0 : i32
      %dma_start3A_52 = tpu.memref_slice %arg10[%add3A_18, %dma_start3A] : memref<10240x128xf32, #tpu.memory_space<vmem_shared>> -> memref<128x128xf32, #tpu.memory_space<vmem_shared>>
      %dma_start3A_53 = arith.constant 0 : i32
      %dma_start3A_54 = tpu.memref_slice %arg10[%add3A_18, %dma_start3A_53] : memref<10240x128xf32, #tpu.memory_space<vmem_shared>> -> memref<128x128xf32, #tpu.memory_space<vmem_shared>>
      tpu.enqueue_dma source(%arg8 : memref<128x128xf32, #tpu.memory_space<vmem>>) target(%dma_start3A_54 : memref<128x128xf32, #tpu.memory_space<vmem_shared>>) target_semaphore(%run_scoped3A : memref<!tpu.dma_semaphore, #tpu.memory_space<semaphore_mem>>)
      %dma_wait3A = arith.constant 0 : i32
      %dma_wait3A_55 = tpu.memref_slice %arg10[%add3A_18, %dma_wait3A] : memref<10240x128xf32, #tpu.memory_space<vmem_shared>> -> memref<128x128xf32, #tpu.memory_space<vmem_shared>>
      %dma_wait3A_56 = arith.constant 0 : i32
      %dma_wait3A_57 = tpu.memref_slice %arg10[%add3A_18, %dma_wait3A_56] : memref<10240x128xf32, #tpu.memory_space<vmem_shared>> -> memref<128x128xf32, #tpu.memory_space<vmem_shared>>
      tpu.wait_dma2 semaphore(%run_scoped3A : memref<!tpu.dma_semaphore, #tpu.memory_space<semaphore_mem>>) src(%arg8 : memref<128x128xf32, #tpu.memory_space<vmem>>) dst(%dma_wait3A_57 : memref<128x128xf32, #tpu.memory_space<vmem_shared>>)
      tpu.yield
    }) : () -> ()
    %mul3A_19 = arith.constant 640 : i32
    %mul3A_20 = arith.muli %arg1, %mul3A_19 : i32
    %add3A_21 = arith.constant 128 : i32
    %add3A_22 = arith.addi %mul3A_20, %add3A_21 : i32
    "tpu.region"() ({
      %run_scoped3A = tpu.sem_alloc : memref<!tpu.dma_semaphore, #tpu.memory_space<semaphore_mem>>
      %dma_start3A = arith.constant 0 : i32
      %dma_start3A_52 = tpu.memref_slice %arg10[%add3A_22, %dma_start3A] : memref<10240x128xf32, #tpu.memory_space<vmem_shared>> -> memref<128x128xf32, #tpu.memory_space<vmem_shared>>
      %dma_start3A_53 = arith.constant 0 : i32
      %dma_start3A_54 = tpu.memref_slice %arg10[%add3A_22, %dma_start3A_53] : memref<10240x128xf32, #tpu.memory_space<vmem_shared>> -> memref<128x128xf32, #tpu.memory_space<vmem_shared>>
      tpu.enqueue_dma source(%arg8 : memref<128x128xf32, #tpu.memory_space<vmem>>) target(%dma_start3A_54 : memref<128x128xf32, #tpu.memory_space<vmem_shared>>) target_semaphore(%run_scoped3A : memref<!tpu.dma_semaphore, #tpu.memory_space<semaphore_mem>>)
      %dma_wait3A = arith.constant 0 : i32
      %dma_wait3A_55 = tpu.memref_slice %arg10[%add3A_22, %dma_wait3A] : memref<10240x128xf32, #tpu.memory_space<vmem_shared>> -> memref<128x128xf32, #tpu.memory_space<vmem_shared>>
      %dma_wait3A_56 = arith.constant 0 : i32
      %dma_wait3A_57 = tpu.memref_slice %arg10[%add3A_22, %dma_wait3A_56] : memref<10240x128xf32, #tpu.memory_space<vmem_shared>> -> memref<128x128xf32, #tpu.memory_space<vmem_shared>>
      tpu.wait_dma2 semaphore(%run_scoped3A : memref<!tpu.dma_semaphore, #tpu.memory_space<semaphore_mem>>) src(%arg8 : memref<128x128xf32, #tpu.memory_space<vmem>>) dst(%dma_wait3A_57 : memref<128x128xf32, #tpu.memory_space<vmem_shared>>)
      tpu.yield
    }) : () -> ()
    %mul3A_23 = arith.constant 640 : i32
    %mul3A_24 = arith.muli %arg1, %mul3A_23 : i32
    %add3A_25 = arith.constant 256 : i32
    %add3A_26 = arith.addi %mul3A_24, %add3A_25 : i32
    "tpu.region"() ({
      %run_scoped3A = tpu.sem_alloc : memref<!tpu.dma_semaphore, #tpu.memory_space<semaphore_mem>>
      %dma_start3A = arith.constant 0 : i32
      %dma_start3A_52 = tpu.memref_slice %arg10[%add3A_26, %dma_start3A] : memref<10240x128xf32, #tpu.memory_space<vmem_shared>> -> memref<128x128xf32, #tpu.memory_space<vmem_shared>>
      %dma_start3A_53 = arith.constant 0 : i32
      %dma_start3A_54 = tpu.memref_slice %arg10[%add3A_26, %dma_start3A_53] : memref<10240x128xf32, #tpu.memory_space<vmem_shared>> -> memref<128x128xf32, #tpu.memory_space<vmem_shared>>
      tpu.enqueue_dma source(%arg8 : memref<128x128xf32, #tpu.memory_space<vmem>>) target(%dma_start3A_54 : memref<128x128xf32, #tpu.memory_space<vmem_shared>>) target_semaphore(%run_scoped3A : memref<!tpu.dma_semaphore, #tpu.memory_space<semaphore_mem>>)
      %dma_wait3A = arith.constant 0 : i32
      %dma_wait3A_55 = tpu.memref_slice %arg10[%add3A_26, %dma_wait3A] : memref<10240x128xf32, #tpu.memory_space<vmem_shared>> -> memref<128x128xf32, #tpu.memory_space<vmem_shared>>
      %dma_wait3A_56 = arith.constant 0 : i32
      %dma_wait3A_57 = tpu.memref_slice %arg10[%add3A_26, %dma_wait3A_56] : memref<10240x128xf32, #tpu.memory_space<vmem_shared>> -> memref<128x128xf32, #tpu.memory_space<vmem_shared>>
      tpu.wait_dma2 semaphore(%run_scoped3A : memref<!tpu.dma_semaphore, #tpu.memory_space<semaphore_mem>>) src(%arg8 : memref<128x128xf32, #tpu.memory_space<vmem>>) dst(%dma_wait3A_57 : memref<128x128xf32, #tpu.memory_space<vmem_shared>>)
      tpu.yield
    }) : () -> ()
    %mul3A_27 = arith.constant 640 : i32
    %mul3A_28 = arith.muli %arg1, %mul3A_27 : i32
    %add3A_29 = arith.constant 384 : i32
    %add3A_30 = arith.addi %mul3A_28, %add3A_29 : i32
    "tpu.region"() ({
      %run_scoped3A = tpu.sem_alloc : memref<!tpu.dma_semaphore, #tpu.memory_space<semaphore_mem>>
      %dma_start3A = arith.constant 0 : i32
      %dma_start3A_52 = tpu.memref_slice %arg10[%add3A_30, %dma_start3A] : memref<10240x128xf32, #tpu.memory_space<vmem_shared>> -> memref<128x128xf32, #tpu.memory_space<vmem_shared>>
      %dma_start3A_53 = arith.constant 0 : i32
      %dma_start3A_54 = tpu.memref_slice %arg10[%add3A_30, %dma_start3A_53] : memref<10240x128xf32, #tpu.memory_space<vmem_shared>> -> memref<128x128xf32, #tpu.memory_space<vmem_shared>>
      tpu.enqueue_dma source(%arg8 : memref<128x128xf32, #tpu.memory_space<vmem>>) target(%dma_start3A_54 : memref<128x128xf32, #tpu.memory_space<vmem_shared>>) target_semaphore(%run_scoped3A : memref<!tpu.dma_semaphore, #tpu.memory_space<semaphore_mem>>)
      %dma_wait3A = arith.constant 0 : i32
      %dma_wait3A_55 = tpu.memref_slice %arg10[%add3A_30, %dma_wait3A] : memref<10240x128xf32, #tpu.memory_space<vmem_shared>> -> memref<128x128xf32, #tpu.memory_space<vmem_shared>>
      %dma_wait3A_56 = arith.constant 0 : i32
      %dma_wait3A_57 = tpu.memref_slice %arg10[%add3A_30, %dma_wait3A_56] : memref<10240x128xf32, #tpu.memory_space<vmem_shared>> -> memref<128x128xf32, #tpu.memory_space<vmem_shared>>
      tpu.wait_dma2 semaphore(%run_scoped3A : memref<!tpu.dma_semaphore, #tpu.memory_space<semaphore_mem>>) src(%arg8 : memref<128x128xf32, #tpu.memory_space<vmem>>) dst(%dma_wait3A_57 : memref<128x128xf32, #tpu.memory_space<vmem_shared>>)
      tpu.yield
    }) : () -> ()
    %mul3A_31 = arith.constant 640 : i32
    %mul3A_32 = arith.muli %arg1, %mul3A_31 : i32
    %add3A_33 = arith.constant 512 : i32
    %add3A_34 = arith.addi %mul3A_32, %add3A_33 : i32
    "tpu.region"() ({
      %run_scoped3A = tpu.sem_alloc : memref<!tpu.dma_semaphore, #tpu.memory_space<semaphore_mem>>
      %dma_start3A = arith.constant 0 : i32
      %dma_start3A_52 = tpu.memref_slice %arg10[%add3A_34, %dma_start3A] : memref<10240x128xf32, #tpu.memory_space<vmem_shared>> -> memref<128x128xf32, #tpu.memory_space<vmem_shared>>
      %dma_start3A_53 = arith.constant 0 : i32
      %dma_start3A_54 = tpu.memref_slice %arg10[%add3A_34, %dma_start3A_53] : memref<10240x128xf32, #tpu.memory_space<vmem_shared>> -> memref<128x128xf32, #tpu.memory_space<vmem_shared>>
      tpu.enqueue_dma source(%arg8 : memref<128x128xf32, #tpu.memory_space<vmem>>) target(%dma_start3A_54 : memref<128x128xf32, #tpu.memory_space<vmem_shared>>) target_semaphore(%run_scoped3A : memref<!tpu.dma_semaphore, #tpu.memory_space<semaphore_mem>>)
      %dma_wait3A = arith.constant 0 : i32
      %dma_wait3A_55 = tpu.memref_slice %arg10[%add3A_34, %dma_wait3A] : memref<10240x128xf32, #tpu.memory_space<vmem_shared>> -> memref<128x128xf32, #tpu.memory_space<vmem_shared>>
      %dma_wait3A_56 = arith.constant 0 : i32
      %dma_wait3A_57 = tpu.memref_slice %arg10[%add3A_34, %dma_wait3A_56] : memref<10240x128xf32, #tpu.memory_space<vmem_shared>> -> memref<128x128xf32, #tpu.memory_space<vmem_shared>>
      tpu.wait_dma2 semaphore(%run_scoped3A : memref<!tpu.dma_semaphore, #tpu.memory_space<semaphore_mem>>) src(%arg8 : memref<128x128xf32, #tpu.memory_space<vmem>>) dst(%dma_wait3A_57 : memref<128x128xf32, #tpu.memory_space<vmem_shared>>)
      tpu.yield
    }) : () -> ()
    %barrier3A = arith.constant 0 : index
    tpu.barrier barrier_id(%barrier3A)
    %while3A = arith.constant 0 : i32
    %while3A_35 = arith.constant 0 : i32
    %while3A_36 = arith.subi %select_n3A, %while3A_35 : i32
    %while3A_37 = arith.addi %while3A_35, %while3A_36 : i32
    %while3A_38 = arith.constant 1 : i32
    %while3A_39 = arith.divsi %while3A_36, %while3A_38 : i32
    %while3A_40 = arith.muli %while3A_39, %while3A_38 : i32
    %while3A_41 = arith.addi %while3A_35, %while3A_40 : i32
    %while3A_42 = arith.constant 1 : i32
    scf.for %while3A_52 = %while3A_35 to %while3A_41 step %while3A_42  : i32 {
      %mul3A_53 = arith.constant 32 : i32
      %mul3A_54 = arith.muli %while3A_52, %mul3A_53 : i32
      %add3A_55 = arith.addi %select_n3A_9, %mul3A_54 : i32
      %multiple_of3A_56 = tpu.assume_multiple %add3A_55, 8 : i32
      "tpu.region"() ({
        %run_scoped3A = tpu.sem_alloc : memref<!tpu.dma_semaphore, #tpu.memory_space<semaphore_mem>>
        %dma_start3A_87 = arith.constant 0 : i32
        %dma_start3A_88 = tpu.memref_slice %arg3[%multiple_of3A_56, %dma_start3A_87] : memref<2560x128xi32, #tpu.memory_space<hbm>> -> memref<32x128xi32, #tpu.memory_space<hbm>>
        %dma_start3A_89 = arith.constant 0 : i32
        %dma_start3A_90 = tpu.memref_slice %arg3[%multiple_of3A_56, %dma_start3A_89] : memref<2560x128xi32, #tpu.memory_space<hbm>> -> memref<32x128xi32, #tpu.memory_space<hbm>>
        tpu.enqueue_dma source(%dma_start3A_90 : memref<32x128xi32, #tpu.memory_space<hbm>>) target(%arg6 : memref<32x128xi32, #tpu.memory_space<vmem>>) target_semaphore(%run_scoped3A : memref<!tpu.dma_semaphore, #tpu.memory_space<semaphore_mem>>)
        %dma_wait3A_91 = arith.constant 0 : i32
        %dma_wait3A_92 = tpu.memref_slice %arg3[%multiple_of3A_56, %dma_wait3A_91] : memref<2560x128xi32, #tpu.memory_space<hbm>> -> memref<32x128xi32, #tpu.memory_space<hbm>>
        %dma_wait3A_93 = arith.constant 0 : i32
        %dma_wait3A_94 = tpu.memref_slice %arg3[%multiple_of3A_56, %dma_wait3A_93] : memref<2560x128xi32, #tpu.memory_space<hbm>> -> memref<32x128xi32, #tpu.memory_space<hbm>>
        tpu.wait_dma2 semaphore(%run_scoped3A : memref<!tpu.dma_semaphore, #tpu.memory_space<semaphore_mem>>) src(%dma_wait3A_94 : memref<32x128xi32, #tpu.memory_space<hbm>>) dst(%arg6 : memref<32x128xi32, #tpu.memory_space<vmem>>)
        tpu.yield
      }) : () -> ()
      "tpu.region"() ({
        %run_scoped3A = tpu.sem_alloc : memref<!tpu.dma_semaphore, #tpu.memory_space<semaphore_mem>>
        %dma_start3A_87 = arith.constant 0 : i32
        %dma_start3A_88 = tpu.memref_slice %arg4[%multiple_of3A_56, %dma_start3A_87] : memref<2560x128xi32, #tpu.memory_space<hbm>> -> memref<32x128xi32, #tpu.memory_space<hbm>>
        %dma_start3A_89 = arith.constant 0 : i32
        %dma_start3A_90 = tpu.memref_slice %arg4[%multiple_of3A_56, %dma_start3A_89] : memref<2560x128xi32, #tpu.memory_space<hbm>> -> memref<32x128xi32, #tpu.memory_space<hbm>>
        tpu.enqueue_dma source(%dma_start3A_90 : memref<32x128xi32, #tpu.memory_space<hbm>>) target(%arg7 : memref<32x128xi32, #tpu.memory_space<vmem>>) target_semaphore(%run_scoped3A : memref<!tpu.dma_semaphore, #tpu.memory_space<semaphore_mem>>)
        %dma_wait3A_91 = arith.constant 0 : i32
        %dma_wait3A_92 = tpu.memref_slice %arg4[%multiple_of3A_56, %dma_wait3A_91] : memref<2560x128xi32, #tpu.memory_space<hbm>> -> memref<32x128xi32, #tpu.memory_space<hbm>>
        %dma_wait3A_93 = arith.constant 0 : i32
        %dma_wait3A_94 = tpu.memref_slice %arg4[%multiple_of3A_56, %dma_wait3A_93] : memref<2560x128xi32, #tpu.memory_space<hbm>> -> memref<32x128xi32, #tpu.memory_space<hbm>>
        tpu.wait_dma2 semaphore(%run_scoped3A : memref<!tpu.dma_semaphore, #tpu.memory_space<semaphore_mem>>) src(%dma_wait3A_94 : memref<32x128xi32, #tpu.memory_space<hbm>>) dst(%arg7 : memref<32x128xi32, #tpu.memory_space<vmem>>)
        tpu.yield
      }) : () -> ()
      %dma_start3A = arith.constant 0 : i32
      %dma_start3A_57 = arith.constant 0 : i32
      %dma_start3A_58 = tpu.memref_slice %arg6[%dma_start3A, %dma_start3A_57] : memref<32x128xi32, #tpu.memory_space<vmem>> -> memref<1x128xi32, #tpu.memory_space<vmem>>
      %dma_start3A_59 = tpu.memref_squeeze %dma_start3A_58 : memref<1x128xi32, #tpu.memory_space<vmem>> -> memref<128xi32, #tpu.memory_space<vmem>>
      %dma_start3A_60 = arith.constant 0 : i32
      %dma_start3A_61 = arith.constant 0 : i32
      %dma_start3A_62 = tpu.memref_slice %arg2[%dma_start3A_60, %dma_start3A_61] : memref<10000x128xf32, #tpu.memory_space<hbm>> -> memref<10000x128xf32, #tpu.memory_space<hbm>>
      tpu.enqueue_indirect_dma source(%dma_start3A_62 : memref<10000x128xf32, #tpu.memory_space<hbm>>) target(%arg8 : memref<128x128xf32, #tpu.memory_space<vmem>>) offsets(%dma_start3A_59 : memref<128xi32, #tpu.memory_space<vmem>>) semaphore(%arg11 : memref<!tpu.dma_semaphore, #tpu.memory_space<semaphore_mem>>)
      %dma_start3A_63 = arith.constant 1 : i32
      %dma_start3A_64 = arith.constant 0 : i32
      %dma_start3A_65 = tpu.memref_slice %arg6[%dma_start3A_63, %dma_start3A_64] : memref<32x128xi32, #tpu.memory_space<vmem>> -> memref<1x128xi32, #tpu.memory_space<vmem>>
      %dma_start3A_66 = tpu.memref_squeeze %dma_start3A_65 : memref<1x128xi32, #tpu.memory_space<vmem>> -> memref<128xi32, #tpu.memory_space<vmem>>
      %dma_start3A_67 = arith.constant 0 : i32
      %dma_start3A_68 = arith.constant 0 : i32
      %dma_start3A_69 = tpu.memref_slice %arg2[%dma_start3A_67, %dma_start3A_68] : memref<10000x128xf32, #tpu.memory_space<hbm>> -> memref<10000x128xf32, #tpu.memory_space<hbm>>
      tpu.enqueue_indirect_dma source(%dma_start3A_69 : memref<10000x128xf32, #tpu.memory_space<hbm>>) target(%arg9 : memref<128x128xf32, #tpu.memory_space<vmem>>) offsets(%dma_start3A_66 : memref<128xi32, #tpu.memory_space<vmem>>) semaphore(%arg12 : memref<!tpu.dma_semaphore, #tpu.memory_space<semaphore_mem>>)
      %scan3A_70 = arith.constant 0 : i32
      %scan3A_71 = arith.constant 0 : i32
      %scan3A_72 = arith.constant 16 : i32
      %scan3A_73 = arith.addi %scan3A_71, %scan3A_72 : i32
      %scan3A_74 = arith.constant 1 : i32
      scf.for %scan3A_87 = %scan3A_71 to %scan3A_73 step %scan3A_74  : i32 {
        %mul3A_88 = arith.constant 2 : i32
        %mul3A_89 = arith.muli %scan3A_87, %mul3A_88 : i32
        %dma_wait3A_90 = arith.constant 0 : i32
        %dma_wait3A_91 = arith.constant 0 : i32
        %dma_wait3A_92 = tpu.memref_slice %arg2[%dma_wait3A_90, %dma_wait3A_91] : memref<10000x128xf32, #tpu.memory_space<hbm>> -> memref<128x128xf32, #tpu.memory_space<hbm>>
        %dma_wait3A_93 = arith.constant 0 : i32
        %dma_wait3A_94 = arith.constant 0 : i32
        %dma_wait3A_95 = tpu.memref_slice %arg2[%dma_wait3A_93, %dma_wait3A_94] : memref<10000x128xf32, #tpu.memory_space<hbm>> -> memref<128x128xf32, #tpu.memory_space<hbm>>
        tpu.wait_dma2 semaphore(%arg11 : memref<!tpu.dma_semaphore, #tpu.memory_space<semaphore_mem>>) src(%dma_wait3A_95 : memref<128x128xf32, #tpu.memory_space<hbm>>) dst(%arg8 : memref<128x128xf32, #tpu.memory_space<vmem>>)
        "tpu.region"() ({
          %run_scoped3A = tpu.sem_alloc : memref<!tpu.dma_semaphore, #tpu.memory_space<semaphore_mem>>
          %dma_start3A_123 = arith.constant 0 : i32
          %dma_start3A_124 = tpu.memref_slice %arg7[%mul3A_89, %dma_start3A_123] : memref<32x128xi32, #tpu.memory_space<vmem>> -> memref<1x128xi32, #tpu.memory_space<vmem>>
          %dma_start3A_125 = tpu.memref_squeeze %dma_start3A_124 : memref<1x128xi32, #tpu.memory_space<vmem>> -> memref<128xi32, #tpu.memory_space<vmem>>
          %dma_start3A_126 = arith.constant 0 : i32
          %dma_start3A_127 = arith.constant 0 : i32
          %dma_start3A_128 = tpu.memref_slice %arg10[%dma_start3A_126, %dma_start3A_127] : memref<10240x128xf32, #tpu.memory_space<vmem_shared>> -> memref<10240x128xf32, #tpu.memory_space<vmem_shared>>
          tpu.enqueue_indirect_dma source(%arg8 : memref<128x128xf32, #tpu.memory_space<vmem>>) target(%dma_start3A_128 : memref<10240x128xf32, #tpu.memory_space<vmem_shared>>) offsets(%dma_start3A_125 : memref<128xi32, #tpu.memory_space<vmem>>) semaphore(%run_scoped3A : memref<!tpu.dma_semaphore, #tpu.memory_space<semaphore_mem>>) {add = true}
          %dma_wait3A_129 = arith.constant 0 : i32
          %dma_wait3A_130 = tpu.memref_slice %arg7[%mul3A_89, %dma_wait3A_129] : memref<32x128xi32, #tpu.memory_space<vmem>> -> memref<1x128xi32, #tpu.memory_space<vmem>>
          %dma_wait3A_131 = tpu.memref_squeeze %dma_wait3A_130 : memref<1x128xi32, #tpu.memory_space<vmem>> -> memref<128xi32, #tpu.memory_space<vmem>>
          %dma_wait3A_132 = arith.constant 0 : i32
          %dma_wait3A_133 = arith.constant 0 : i32
          %dma_wait3A_134 = tpu.memref_slice %arg10[%dma_wait3A_132, %dma_wait3A_133] : memref<10240x128xf32, #tpu.memory_space<vmem_shared>> -> memref<10240x128xf32, #tpu.memory_space<vmem_shared>>
          tpu.wait_indirect_dma semaphore(%run_scoped3A : memref<!tpu.dma_semaphore, #tpu.memory_space<semaphore_mem>>) src(%arg8 : memref<128x128xf32, #tpu.memory_space<vmem>>) dst(%dma_wait3A_134 : memref<10240x128xf32, #tpu.memory_space<vmem_shared>>)
          tpu.yield
        }) : () -> ()
        %add3A_96 = arith.constant 2 : i32
        %add3A_97 = arith.addi %mul3A_89, %add3A_96 : i32
        %rem3A = arith.constant 32 : i32
        %rem3A_98 = arith.remsi %add3A_97, %rem3A : i32
        %dma_start3A_99 = arith.constant 0 : i32
        %dma_start3A_100 = tpu.memref_slice %arg6[%rem3A_98, %dma_start3A_99] : memref<32x128xi32, #tpu.memory_space<vmem>> -> memref<1x128xi32, #tpu.memory_space<vmem>>
        %dma_start3A_101 = tpu.memref_squeeze %dma_start3A_100 : memref<1x128xi32, #tpu.memory_space<vmem>> -> memref<128xi32, #tpu.memory_space<vmem>>
        %dma_start3A_102 = arith.constant 0 : i32
        %dma_start3A_103 = arith.constant 0 : i32
        %dma_start3A_104 = tpu.memref_slice %arg2[%dma_start3A_102, %dma_start3A_103] : memref<10000x128xf32, #tpu.memory_space<hbm>> -> memref<10000x128xf32, #tpu.memory_space<hbm>>
        tpu.enqueue_indirect_dma source(%dma_start3A_104 : memref<10000x128xf32, #tpu.memory_space<hbm>>) target(%arg8 : memref<128x128xf32, #tpu.memory_space<vmem>>) offsets(%dma_start3A_101 : memref<128xi32, #tpu.memory_space<vmem>>) semaphore(%arg11 : memref<!tpu.dma_semaphore, #tpu.memory_space<semaphore_mem>>)
        %dma_wait3A_105 = arith.constant 0 : i32
        %dma_wait3A_106 = arith.constant 0 : i32
        %dma_wait3A_107 = tpu.memref_slice %arg2[%dma_wait3A_105, %dma_wait3A_106] : memref<10000x128xf32, #tpu.memory_space<hbm>> -> memref<128x128xf32, #tpu.memory_space<hbm>>
        %dma_wait3A_108 = arith.constant 0 : i32
        %dma_wait3A_109 = arith.constant 0 : i32
        %dma_wait3A_110 = tpu.memref_slice %arg2[%dma_wait3A_108, %dma_wait3A_109] : memref<10000x128xf32, #tpu.memory_space<hbm>> -> memref<128x128xf32, #tpu.memory_space<hbm>>
        tpu.wait_dma2 semaphore(%arg12 : memref<!tpu.dma_semaphore, #tpu.memory_space<semaphore_mem>>) src(%dma_wait3A_110 : memref<128x128xf32, #tpu.memory_space<hbm>>) dst(%arg9 : memref<128x128xf32, #tpu.memory_space<vmem>>)
        %add3A_111 = arith.constant 1 : i32
        %add3A_112 = arith.addi %mul3A_89, %add3A_111 : i32
        "tpu.region"() ({
          %run_scoped3A = tpu.sem_alloc : memref<!tpu.dma_semaphore, #tpu.memory_space<semaphore_mem>>
          %dma_start3A_123 = arith.constant 0 : i32
          %dma_start3A_124 = tpu.memref_slice %arg7[%add3A_112, %dma_start3A_123] : memref<32x128xi32, #tpu.memory_space<vmem>> -> memref<1x128xi32, #tpu.memory_space<vmem>>
          %dma_start3A_125 = tpu.memref_squeeze %dma_start3A_124 : memref<1x128xi32, #tpu.memory_space<vmem>> -> memref<128xi32, #tpu.memory_space<vmem>>
          %dma_start3A_126 = arith.constant 0 : i32
          %dma_start3A_127 = arith.constant 0 : i32
          %dma_start3A_128 = tpu.memref_slice %arg10[%dma_start3A_126, %dma_start3A_127] : memref<10240x128xf32, #tpu.memory_space<vmem_shared>> -> memref<10240x128xf32, #tpu.memory_space<vmem_shared>>
          tpu.enqueue_indirect_dma source(%arg9 : memref<128x128xf32, #tpu.memory_space<vmem>>) target(%dma_start3A_128 : memref<10240x128xf32, #tpu.memory_space<vmem_shared>>) offsets(%dma_start3A_125 : memref<128xi32, #tpu.memory_space<vmem>>) semaphore(%run_scoped3A : memref<!tpu.dma_semaphore, #tpu.memory_space<semaphore_mem>>) {add = true}
          %dma_wait3A_129 = arith.constant 0 : i32
          %dma_wait3A_130 = tpu.memref_slice %arg7[%add3A_112, %dma_wait3A_129] : memref<32x128xi32, #tpu.memory_space<vmem>> -> memref<1x128xi32, #tpu.memory_space<vmem>>
          %dma_wait3A_131 = tpu.memref_squeeze %dma_wait3A_130 : memref<1x128xi32, #tpu.memory_space<vmem>> -> memref<128xi32, #tpu.memory_space<vmem>>
          %dma_wait3A_132 = arith.constant 0 : i32
          %dma_wait3A_133 = arith.constant 0 : i32
          %dma_wait3A_134 = tpu.memref_slice %arg10[%dma_wait3A_132, %dma_wait3A_133] : memref<10240x128xf32, #tpu.memory_space<vmem_shared>> -> memref<10240x128xf32, #tpu.memory_space<vmem_shared>>
          tpu.wait_indirect_dma semaphore(%run_scoped3A : memref<!tpu.dma_semaphore, #tpu.memory_space<semaphore_mem>>) src(%arg9 : memref<128x128xf32, #tpu.memory_space<vmem>>) dst(%dma_wait3A_134 : memref<10240x128xf32, #tpu.memory_space<vmem_shared>>)
          tpu.yield
        }) : () -> ()
        %add3A_113 = arith.constant 3 : i32
        %add3A_114 = arith.addi %mul3A_89, %add3A_113 : i32
        %rem3A_115 = arith.constant 32 : i32
        %rem3A_116 = arith.remsi %add3A_114, %rem3A_115 : i32
        %dma_start3A_117 = arith.constant 0 : i32
        %dma_start3A_118 = tpu.memref_slice %arg6[%rem3A_116, %dma_start3A_117] : memref<32x128xi32, #tpu.memory_space<vmem>> -> memref<1x128xi32, #tpu.memory_space<vmem>>
        %dma_start3A_119 = tpu.memref_squeeze %dma_start3A_118 : memref<1x128xi32, #tpu.memory_space<vmem>> -> memref<128xi32, #tpu.memory_space<vmem>>
        %dma_start3A_120 = arith.constant 0 : i32
        %dma_start3A_121 = arith.constant 0 : i32
        %dma_start3A_122 = tpu.memref_slice %arg2[%dma_start3A_120, %dma_start3A_121] : memref<10000x128xf32, #tpu.memory_space<hbm>> -> memref<10000x128xf32, #tpu.memory_space<hbm>>
        tpu.enqueue_indirect_dma source(%dma_start3A_122 : memref<10000x128xf32, #tpu.memory_space<hbm>>) target(%arg9 : memref<128x128xf32, #tpu.memory_space<vmem>>) offsets(%dma_start3A_119 : memref<128xi32, #tpu.memory_space<vmem>>) semaphore(%arg12 : memref<!tpu.dma_semaphore, #tpu.memory_space<semaphore_mem>>)
      }
      %scan3A_75 = arith.constant 16 : i32
      %dma_wait3A = arith.constant 0 : i32
      %dma_wait3A_76 = arith.constant 0 : i32
      %dma_wait3A_77 = tpu.memref_slice %arg2[%dma_wait3A, %dma_wait3A_76] : memref<10000x128xf32, #tpu.memory_space<hbm>> -> memref<128x128xf32, #tpu.memory_space<hbm>>
      %dma_wait3A_78 = arith.constant 0 : i32
      %dma_wait3A_79 = arith.constant 0 : i32
      %dma_wait3A_80 = tpu.memref_slice %arg2[%dma_wait3A_78, %dma_wait3A_79] : memref<10000x128xf32, #tpu.memory_space<hbm>> -> memref<128x128xf32, #tpu.memory_space<hbm>>
      tpu.wait_dma2 semaphore(%arg11 : memref<!tpu.dma_semaphore, #tpu.memory_space<semaphore_mem>>) src(%dma_wait3A_80 : memref<128x128xf32, #tpu.memory_space<hbm>>) dst(%arg8 : memref<128x128xf32, #tpu.memory_space<vmem>>)
      %dma_wait3A_81 = arith.constant 0 : i32
      %dma_wait3A_82 = arith.constant 0 : i32
      %dma_wait3A_83 = tpu.memref_slice %arg2[%dma_wait3A_81, %dma_wait3A_82] : memref<10000x128xf32, #tpu.memory_space<hbm>> -> memref<128x128xf32, #tpu.memory_space<hbm>>
      %dma_wait3A_84 = arith.constant 0 : i32
      %dma_wait3A_85 = arith.constant 0 : i32
      %dma_wait3A_86 = tpu.memref_slice %arg2[%dma_wait3A_84, %dma_wait3A_85] : memref<10000x128xf32, #tpu.memory_space<hbm>> -> memref<128x128xf32, #tpu.memory_space<hbm>>
      tpu.wait_dma2 semaphore(%arg12 : memref<!tpu.dma_semaphore, #tpu.memory_space<semaphore_mem>>) src(%dma_wait3A_86 : memref<128x128xf32, #tpu.memory_space<hbm>>) dst(%arg9 : memref<128x128xf32, #tpu.memory_space<vmem>>)
    }
    %while3A_43 = arith.constant 1 : i32
    scf.for %while3A_52 = %while3A_41 to %while3A_37 step %while3A_43  : i32 {
      %mul3A_53 = arith.constant 32 : i32
      %mul3A_54 = arith.muli %while3A_52, %mul3A_53 : i32
      %add3A_55 = arith.addi %select_n3A_9, %mul3A_54 : i32
      %multiple_of3A_56 = tpu.assume_multiple %add3A_55, 8 : i32
      "tpu.region"() ({
        %run_scoped3A = tpu.sem_alloc : memref<!tpu.dma_semaphore, #tpu.memory_space<semaphore_mem>>
        %dma_start3A_87 = arith.constant 0 : i32
        %dma_start3A_88 = tpu.memref_slice %arg3[%multiple_of3A_56, %dma_start3A_87] : memref<2560x128xi32, #tpu.memory_space<hbm>> -> memref<32x128xi32, #tpu.memory_space<hbm>>
        %dma_start3A_89 = arith.constant 0 : i32
        %dma_start3A_90 = tpu.memref_slice %arg3[%multiple_of3A_56, %dma_start3A_89] : memref<2560x128xi32, #tpu.memory_space<hbm>> -> memref<32x128xi32, #tpu.memory_space<hbm>>
        tpu.enqueue_dma source(%dma_start3A_90 : memref<32x128xi32, #tpu.memory_space<hbm>>) target(%arg6 : memref<32x128xi32, #tpu.memory_space<vmem>>) target_semaphore(%run_scoped3A : memref<!tpu.dma_semaphore, #tpu.memory_space<semaphore_mem>>)
        %dma_wait3A_91 = arith.constant 0 : i32
        %dma_wait3A_92 = tpu.memref_slice %arg3[%multiple_of3A_56, %dma_wait3A_91] : memref<2560x128xi32, #tpu.memory_space<hbm>> -> memref<32x128xi32, #tpu.memory_space<hbm>>
        %dma_wait3A_93 = arith.constant 0 : i32
        %dma_wait3A_94 = tpu.memref_slice %arg3[%multiple_of3A_56, %dma_wait3A_93] : memref<2560x128xi32, #tpu.memory_space<hbm>> -> memref<32x128xi32, #tpu.memory_space<hbm>>
        tpu.wait_dma2 semaphore(%run_scoped3A : memref<!tpu.dma_semaphore, #tpu.memory_space<semaphore_mem>>) src(%dma_wait3A_94 : memref<32x128xi32, #tpu.memory_space<hbm>>) dst(%arg6 : memref<32x128xi32, #tpu.memory_space<vmem>>)
        tpu.yield
      }) : () -> ()
      "tpu.region"() ({
        %run_scoped3A = tpu.sem_alloc : memref<!tpu.dma_semaphore, #tpu.memory_space<semaphore_mem>>
        %dma_start3A_87 = arith.constant 0 : i32
        %dma_start3A_88 = tpu.memref_slice %arg4[%multiple_of3A_56, %dma_start3A_87] : memref<2560x128xi32, #tpu.memory_space<hbm>> -> memref<32x128xi32, #tpu.memory_space<hbm>>
        %dma_start3A_89 = arith.constant 0 : i32
        %dma_start3A_90 = tpu.memref_slice %arg4[%multiple_of3A_56, %dma_start3A_89] : memref<2560x128xi32, #tpu.memory_space<hbm>> -> memref<32x128xi32, #tpu.memory_space<hbm>>
        tpu.enqueue_dma source(%dma_start3A_90 : memref<32x128xi32, #tpu.memory_space<hbm>>) target(%arg7 : memref<32x128xi32, #tpu.memory_space<vmem>>) target_semaphore(%run_scoped3A : memref<!tpu.dma_semaphore, #tpu.memory_space<semaphore_mem>>)
        %dma_wait3A_91 = arith.constant 0 : i32
        %dma_wait3A_92 = tpu.memref_slice %arg4[%multiple_of3A_56, %dma_wait3A_91] : memref<2560x128xi32, #tpu.memory_space<hbm>> -> memref<32x128xi32, #tpu.memory_space<hbm>>
        %dma_wait3A_93 = arith.constant 0 : i32
        %dma_wait3A_94 = tpu.memref_slice %arg4[%multiple_of3A_56, %dma_wait3A_93] : memref<2560x128xi32, #tpu.memory_space<hbm>> -> memref<32x128xi32, #tpu.memory_space<hbm>>
        tpu.wait_dma2 semaphore(%run_scoped3A : memref<!tpu.dma_semaphore, #tpu.memory_space<semaphore_mem>>) src(%dma_wait3A_94 : memref<32x128xi32, #tpu.memory_space<hbm>>) dst(%arg7 : memref<32x128xi32, #tpu.memory_space<vmem>>)
        tpu.yield
      }) : () -> ()
      %dma_start3A = arith.constant 0 : i32
      %dma_start3A_57 = arith.constant 0 : i32
      %dma_start3A_58 = tpu.memref_slice %arg6[%dma_start3A, %dma_start3A_57] : memref<32x128xi32, #tpu.memory_space<vmem>> -> memref<1x128xi32, #tpu.memory_space<vmem>>
      %dma_start3A_59 = tpu.memref_squeeze %dma_start3A_58 : memref<1x128xi32, #tpu.memory_space<vmem>> -> memref<128xi32, #tpu.memory_space<vmem>>
      %dma_start3A_60 = arith.constant 0 : i32
      %dma_start3A_61 = arith.constant 0 : i32
      %dma_start3A_62 = tpu.memref_slice %arg2[%dma_start3A_60, %dma_start3A_61] : memref<10000x128xf32, #tpu.memory_space<hbm>> -> memref<10000x128xf32, #tpu.memory_space<hbm>>
      tpu.enqueue_indirect_dma source(%dma_start3A_62 : memref<10000x128xf32, #tpu.memory_space<hbm>>) target(%arg8 : memref<128x128xf32, #tpu.memory_space<vmem>>) offsets(%dma_start3A_59 : memref<128xi32, #tpu.memory_space<vmem>>) semaphore(%arg11 : memref<!tpu.dma_semaphore, #tpu.memory_space<semaphore_mem>>)
      %dma_start3A_63 = arith.constant 1 : i32
      %dma_start3A_64 = arith.constant 0 : i32
      %dma_start3A_65 = tpu.memref_slice %arg6[%dma_start3A_63, %dma_start3A_64] : memref<32x128xi32, #tpu.memory_space<vmem>> -> memref<1x128xi32, #tpu.memory_space<vmem>>
      %dma_start3A_66 = tpu.memref_squeeze %dma_start3A_65 : memref<1x128xi32, #tpu.memory_space<vmem>> -> memref<128xi32, #tpu.memory_space<vmem>>
      %dma_start3A_67 = arith.constant 0 : i32
      %dma_start3A_68 = arith.constant 0 : i32
      %dma_start3A_69 = tpu.memref_slice %arg2[%dma_start3A_67, %dma_start3A_68] : memref<10000x128xf32, #tpu.memory_space<hbm>> -> memref<10000x128xf32, #tpu.memory_space<hbm>>
      tpu.enqueue_indirect_dma source(%dma_start3A_69 : memref<10000x128xf32, #tpu.memory_space<hbm>>) target(%arg9 : memref<128x128xf32, #tpu.memory_space<vmem>>) offsets(%dma_start3A_66 : memref<128xi32, #tpu.memory_space<vmem>>) semaphore(%arg12 : memref<!tpu.dma_semaphore, #tpu.memory_space<semaphore_mem>>)
      %scan3A_70 = arith.constant 0 : i32
      %scan3A_71 = arith.constant 0 : i32
      %scan3A_72 = arith.constant 16 : i32
      %scan3A_73 = arith.addi %scan3A_71, %scan3A_72 : i32
      %scan3A_74 = arith.constant 1 : i32
      scf.for %scan3A_87 = %scan3A_71 to %scan3A_73 step %scan3A_74  : i32 {
        %mul3A_88 = arith.constant 2 : i32
        %mul3A_89 = arith.muli %scan3A_87, %mul3A_88 : i32
        %dma_wait3A_90 = arith.constant 0 : i32
        %dma_wait3A_91 = arith.constant 0 : i32
        %dma_wait3A_92 = tpu.memref_slice %arg2[%dma_wait3A_90, %dma_wait3A_91] : memref<10000x128xf32, #tpu.memory_space<hbm>> -> memref<128x128xf32, #tpu.memory_space<hbm>>
        %dma_wait3A_93 = arith.constant 0 : i32
        %dma_wait3A_94 = arith.constant 0 : i32
        %dma_wait3A_95 = tpu.memref_slice %arg2[%dma_wait3A_93, %dma_wait3A_94] : memref<10000x128xf32, #tpu.memory_space<hbm>> -> memref<128x128xf32, #tpu.memory_space<hbm>>
        tpu.wait_dma2 semaphore(%arg11 : memref<!tpu.dma_semaphore, #tpu.memory_space<semaphore_mem>>) src(%dma_wait3A_95 : memref<128x128xf32, #tpu.memory_space<hbm>>) dst(%arg8 : memref<128x128xf32, #tpu.memory_space<vmem>>)
        "tpu.region"() ({
          %run_scoped3A = tpu.sem_alloc : memref<!tpu.dma_semaphore, #tpu.memory_space<semaphore_mem>>
          %dma_start3A_123 = arith.constant 0 : i32
          %dma_start3A_124 = tpu.memref_slice %arg7[%mul3A_89, %dma_start3A_123] : memref<32x128xi32, #tpu.memory_space<vmem>> -> memref<1x128xi32, #tpu.memory_space<vmem>>
          %dma_start3A_125 = tpu.memref_squeeze %dma_start3A_124 : memref<1x128xi32, #tpu.memory_space<vmem>> -> memref<128xi32, #tpu.memory_space<vmem>>
          %dma_start3A_126 = arith.constant 0 : i32
          %dma_start3A_127 = arith.constant 0 : i32
          %dma_start3A_128 = tpu.memref_slice %arg10[%dma_start3A_126, %dma_start3A_127] : memref<10240x128xf32, #tpu.memory_space<vmem_shared>> -> memref<10240x128xf32, #tpu.memory_space<vmem_shared>>
          tpu.enqueue_indirect_dma source(%arg8 : memref<128x128xf32, #tpu.memory_space<vmem>>) target(%dma_start3A_128 : memref<10240x128xf32, #tpu.memory_space<vmem_shared>>) offsets(%dma_start3A_125 : memref<128xi32, #tpu.memory_space<vmem>>) semaphore(%run_scoped3A : memref<!tpu.dma_semaphore, #tpu.memory_space<semaphore_mem>>) {add = true}
          %dma_wait3A_129 = arith.constant 0 : i32
          %dma_wait3A_130 = tpu.memref_slice %arg7[%mul3A_89, %dma_wait3A_129] : memref<32x128xi32, #tpu.memory_space<vmem>> -> memref<1x128xi32, #tpu.memory_space<vmem>>
          %dma_wait3A_131 = tpu.memref_squeeze %dma_wait3A_130 : memref<1x128xi32, #tpu.memory_space<vmem>> -> memref<128xi32, #tpu.memory_space<vmem>>
          %dma_wait3A_132 = arith.constant 0 : i32
          %dma_wait3A_133 = arith.constant 0 : i32
          %dma_wait3A_134 = tpu.memref_slice %arg10[%dma_wait3A_132, %dma_wait3A_133] : memref<10240x128xf32, #tpu.memory_space<vmem_shared>> -> memref<10240x128xf32, #tpu.memory_space<vmem_shared>>
          tpu.wait_indirect_dma semaphore(%run_scoped3A : memref<!tpu.dma_semaphore, #tpu.memory_space<semaphore_mem>>) src(%arg8 : memref<128x128xf32, #tpu.memory_space<vmem>>) dst(%dma_wait3A_134 : memref<10240x128xf32, #tpu.memory_space<vmem_shared>>)
          tpu.yield
        }) : () -> ()
        %add3A_96 = arith.constant 2 : i32
        %add3A_97 = arith.addi %mul3A_89, %add3A_96 : i32
        %rem3A = arith.constant 32 : i32
        %rem3A_98 = arith.remsi %add3A_97, %rem3A : i32
        %dma_start3A_99 = arith.constant 0 : i32
        %dma_start3A_100 = tpu.memref_slice %arg6[%rem3A_98, %dma_start3A_99] : memref<32x128xi32, #tpu.memory_space<vmem>> -> memref<1x128xi32, #tpu.memory_space<vmem>>
        %dma_start3A_101 = tpu.memref_squeeze %dma_start3A_100 : memref<1x128xi32, #tpu.memory_space<vmem>> -> memref<128xi32, #tpu.memory_space<vmem>>
        %dma_start3A_102 = arith.constant 0 : i32
        %dma_start3A_103 = arith.constant 0 : i32
        %dma_start3A_104 = tpu.memref_slice %arg2[%dma_start3A_102, %dma_start3A_103] : memref<10000x128xf32, #tpu.memory_space<hbm>> -> memref<10000x128xf32, #tpu.memory_space<hbm>>
        tpu.enqueue_indirect_dma source(%dma_start3A_104 : memref<10000x128xf32, #tpu.memory_space<hbm>>) target(%arg8 : memref<128x128xf32, #tpu.memory_space<vmem>>) offsets(%dma_start3A_101 : memref<128xi32, #tpu.memory_space<vmem>>) semaphore(%arg11 : memref<!tpu.dma_semaphore, #tpu.memory_space<semaphore_mem>>)
        %dma_wait3A_105 = arith.constant 0 : i32
        %dma_wait3A_106 = arith.constant 0 : i32
        %dma_wait3A_107 = tpu.memref_slice %arg2[%dma_wait3A_105, %dma_wait3A_106] : memref<10000x128xf32, #tpu.memory_space<hbm>> -> memref<128x128xf32, #tpu.memory_space<hbm>>
        %dma_wait3A_108 = arith.constant 0 : i32
        %dma_wait3A_109 = arith.constant 0 : i32
        %dma_wait3A_110 = tpu.memref_slice %arg2[%dma_wait3A_108, %dma_wait3A_109] : memref<10000x128xf32, #tpu.memory_space<hbm>> -> memref<128x128xf32, #tpu.memory_space<hbm>>
        tpu.wait_dma2 semaphore(%arg12 : memref<!tpu.dma_semaphore, #tpu.memory_space<semaphore_mem>>) src(%dma_wait3A_110 : memref<128x128xf32, #tpu.memory_space<hbm>>) dst(%arg9 : memref<128x128xf32, #tpu.memory_space<vmem>>)
        %add3A_111 = arith.constant 1 : i32
        %add3A_112 = arith.addi %mul3A_89, %add3A_111 : i32
        "tpu.region"() ({
          %run_scoped3A = tpu.sem_alloc : memref<!tpu.dma_semaphore, #tpu.memory_space<semaphore_mem>>
          %dma_start3A_123 = arith.constant 0 : i32
          %dma_start3A_124 = tpu.memref_slice %arg7[%add3A_112, %dma_start3A_123] : memref<32x128xi32, #tpu.memory_space<vmem>> -> memref<1x128xi32, #tpu.memory_space<vmem>>
          %dma_start3A_125 = tpu.memref_squeeze %dma_start3A_124 : memref<1x128xi32, #tpu.memory_space<vmem>> -> memref<128xi32, #tpu.memory_space<vmem>>
          %dma_start3A_126 = arith.constant 0 : i32
          %dma_start3A_127 = arith.constant 0 : i32
          %dma_start3A_128 = tpu.memref_slice %arg10[%dma_start3A_126, %dma_start3A_127] : memref<10240x128xf32, #tpu.memory_space<vmem_shared>> -> memref<10240x128xf32, #tpu.memory_space<vmem_shared>>
          tpu.enqueue_indirect_dma source(%arg9 : memref<128x128xf32, #tpu.memory_space<vmem>>) target(%dma_start3A_128 : memref<10240x128xf32, #tpu.memory_space<vmem_shared>>) offsets(%dma_start3A_125 : memref<128xi32, #tpu.memory_space<vmem>>) semaphore(%run_scoped3A : memref<!tpu.dma_semaphore, #tpu.memory_space<semaphore_mem>>) {add = true}
          %dma_wait3A_129 = arith.constant 0 : i32
          %dma_wait3A_130 = tpu.memref_slice %arg7[%add3A_112, %dma_wait3A_129] : memref<32x128xi32, #tpu.memory_space<vmem>> -> memref<1x128xi32, #tpu.memory_space<vmem>>
          %dma_wait3A_131 = tpu.memref_squeeze %dma_wait3A_130 : memref<1x128xi32, #tpu.memory_space<vmem>> -> memref<128xi32, #tpu.memory_space<vmem>>
          %dma_wait3A_132 = arith.constant 0 : i32
          %dma_wait3A_133 = arith.constant 0 : i32
          %dma_wait3A_134 = tpu.memref_slice %arg10[%dma_wait3A_132, %dma_wait3A_133] : memref<10240x128xf32, #tpu.memory_space<vmem_shared>> -> memref<10240x128xf32, #tpu.memory_space<vmem_shared>>
          tpu.wait_indirect_dma semaphore(%run_scoped3A : memref<!tpu.dma_semaphore, #tpu.memory_space<semaphore_mem>>) src(%arg9 : memref<128x128xf32, #tpu.memory_space<vmem>>) dst(%dma_wait3A_134 : memref<10240x128xf32, #tpu.memory_space<vmem_shared>>)
          tpu.yield
        }) : () -> ()
        %add3A_113 = arith.constant 3 : i32
        %add3A_114 = arith.addi %mul3A_89, %add3A_113 : i32
        %rem3A_115 = arith.constant 32 : i32
        %rem3A_116 = arith.remsi %add3A_114, %rem3A_115 : i32
        %dma_start3A_117 = arith.constant 0 : i32
        %dma_start3A_118 = tpu.memref_slice %arg6[%rem3A_116, %dma_start3A_117] : memref<32x128xi32, #tpu.memory_space<vmem>> -> memref<1x128xi32, #tpu.memory_space<vmem>>
        %dma_start3A_119 = tpu.memref_squeeze %dma_start3A_118 : memref<1x128xi32, #tpu.memory_space<vmem>> -> memref<128xi32, #tpu.memory_space<vmem>>
        %dma_start3A_120 = arith.constant 0 : i32
        %dma_start3A_121 = arith.constant 0 : i32
        %dma_start3A_122 = tpu.memref_slice %arg2[%dma_start3A_120, %dma_start3A_121] : memref<10000x128xf32, #tpu.memory_space<hbm>> -> memref<10000x128xf32, #tpu.memory_space<hbm>>
        tpu.enqueue_indirect_dma source(%dma_start3A_122 : memref<10000x128xf32, #tpu.memory_space<hbm>>) target(%arg9 : memref<128x128xf32, #tpu.memory_space<vmem>>) offsets(%dma_start3A_119 : memref<128xi32, #tpu.memory_space<vmem>>) semaphore(%arg12 : memref<!tpu.dma_semaphore, #tpu.memory_space<semaphore_mem>>)
      }
      %scan3A_75 = arith.constant 16 : i32
      %dma_wait3A = arith.constant 0 : i32
      %dma_wait3A_76 = arith.constant 0 : i32
      %dma_wait3A_77 = tpu.memref_slice %arg2[%dma_wait3A, %dma_wait3A_76] : memref<10000x128xf32, #tpu.memory_space<hbm>> -> memref<128x128xf32, #tpu.memory_space<hbm>>
      %dma_wait3A_78 = arith.constant 0 : i32
      %dma_wait3A_79 = arith.constant 0 : i32
      %dma_wait3A_80 = tpu.memref_slice %arg2[%dma_wait3A_78, %dma_wait3A_79] : memref<10000x128xf32, #tpu.memory_space<hbm>> -> memref<128x128xf32, #tpu.memory_space<hbm>>
      tpu.wait_dma2 semaphore(%arg11 : memref<!tpu.dma_semaphore, #tpu.memory_space<semaphore_mem>>) src(%dma_wait3A_80 : memref<128x128xf32, #tpu.memory_space<hbm>>) dst(%arg8 : memref<128x128xf32, #tpu.memory_space<vmem>>)
      %dma_wait3A_81 = arith.constant 0 : i32
      %dma_wait3A_82 = arith.constant 0 : i32
      %dma_wait3A_83 = tpu.memref_slice %arg2[%dma_wait3A_81, %dma_wait3A_82] : memref<10000x128xf32, #tpu.memory_space<hbm>> -> memref<128x128xf32, #tpu.memory_space<hbm>>
      %dma_wait3A_84 = arith.constant 0 : i32
      %dma_wait3A_85 = arith.constant 0 : i32
      %dma_wait3A_86 = tpu.memref_slice %arg2[%dma_wait3A_84, %dma_wait3A_85] : memref<10000x128xf32, #tpu.memory_space<hbm>> -> memref<128x128xf32, #tpu.memory_space<hbm>>
      tpu.wait_dma2 semaphore(%arg12 : memref<!tpu.dma_semaphore, #tpu.memory_space<semaphore_mem>>) src(%dma_wait3A_86 : memref<128x128xf32, #tpu.memory_space<hbm>>) dst(%arg9 : memref<128x128xf32, #tpu.memory_space<vmem>>)
    }
    %barrier3A_44 = arith.constant 0 : index
    tpu.barrier barrier_id(%barrier3A_44)
    %mul3A_45 = arith.constant 10240 : i32
    %mul3A_46 = arith.muli %arg0, %mul3A_45 : i32
    %mul3A_47 = arith.constant 640 : i32
    %mul3A_48 = arith.muli %arg1, %mul3A_47 : i32
    %add3A_49 = arith.addi %mul3A_46, %mul3A_48 : i32
    %multiple_of3A = tpu.assume_multiple %add3A_49, 640 : i32
    %mul3A_50 = arith.constant 640 : i32
    %mul3A_51 = arith.muli %arg1, %mul3A_50 : i32
    "tpu.region"() ({
      %run_scoped3A = tpu.sem_alloc : memref<!tpu.dma_semaphore, #tpu.memory_space<semaphore_mem>>
      %dma_start3A = arith.constant 0 : i32
      %dma_start3A_52 = tpu.memref_slice %arg5[%multiple_of3A, %dma_start3A] : memref<20480x128xf32, #tpu.memory_space<hbm>> -> memref<640x128xf32, #tpu.memory_space<hbm>>
      %dma_start3A_53 = arith.constant 0 : i32
      %dma_start3A_54 = tpu.memref_slice %arg10[%mul3A_51, %dma_start3A_53] : memref<10240x128xf32, #tpu.memory_space<vmem_shared>> -> memref<640x128xf32, #tpu.memory_space<vmem_shared>>
      tpu.enqueue_dma source(%dma_start3A_54 : memref<640x128xf32, #tpu.memory_space<vmem_shared>>) target(%dma_start3A_52 : memref<640x128xf32, #tpu.memory_space<hbm>>) target_semaphore(%run_scoped3A : memref<!tpu.dma_semaphore, #tpu.memory_space<semaphore_mem>>)
      %dma_wait3A = arith.constant 0 : i32
      %dma_wait3A_55 = tpu.memref_slice %arg5[%multiple_of3A, %dma_wait3A] : memref<20480x128xf32, #tpu.memory_space<hbm>> -> memref<640x128xf32, #tpu.memory_space<hbm>>
      %dma_wait3A_56 = arith.constant 0 : i32
      %dma_wait3A_57 = tpu.memref_slice %arg10[%mul3A_51, %dma_wait3A_56] : memref<10240x128xf32, #tpu.memory_space<vmem_shared>> -> memref<640x128xf32, #tpu.memory_space<vmem_shared>>
      tpu.wait_dma2 semaphore(%run_scoped3A : memref<!tpu.dma_semaphore, #tpu.memory_space<semaphore_mem>>) src(%dma_wait3A_57 : memref<640x128xf32, #tpu.memory_space<vmem_shared>>) dst(%dma_wait3A_55 : memref<640x128xf32, #tpu.memory_space<hbm>>)
      tpu.yield
    }) : () -> ()
    return
  }
}

#map = affine_map<(d0, d1) -> (0, 0)>
module attributes {stable_mosaic.version = 14 : i64} {
  func.func @body(%arg0: i32, %arg1: i32, %arg2: memref<10000x128xf32, #tpu.memory_space<hbm>>, %arg3: memref<2560x128xi32, #tpu.memory_space<hbm>>, %arg4: memref<2560x128xi32, #tpu.memory_space<hbm>>, %arg5: memref<20480x128xf32, #tpu.memory_space<hbm>>, %arg6: memref<32x128xi32, #tpu.memory_space<vmem>>, %arg7: memref<32x128xi32, #tpu.memory_space<vmem>>, %arg8: memref<128x128xf32, #tpu.memory_space<vmem>>, %arg9: memref<128x128xf32, #tpu.memory_space<vmem>>, %arg10: memref<10240x128xf32, #tpu.memory_space<vmem_shared>>, %arg11: memref<!tpu.dma_semaphore, #tpu.memory_space<semaphore_mem>>, %arg12: memref<!tpu.dma_semaphore, #tpu.memory_space<semaphore_mem>>) attributes {dimension_semantics = [#tpu.dimension_semantics<core_parallel>, #tpu.dimension_semantics<subcore_parallel>], iteration_bounds = array<i64: 2, 16>, scalar_prefetch = 0 : i64, scratch_operands = 7 : i64, tpu.core_type = #tpu.core_type<sc_vector_subcore>, window_params = [{transform_indices = #map}, {transform_indices = #map}, {transform_indices = #map}, {transform_indices = #map}]} {
    %broadcast_in_dim3A = arith.constant 0.000000e+00 : f32
    %broadcast_in_dim3A_0 = vector.broadcast %broadcast_in_dim3A : f32 to vector<16xf32>
    %eq3A = arith.constant 0 : i32
    %eq3A_1 = arith.cmpi eq, %arg0, %eq3A : i32
    %jit3A = arith.constant 4 : i32
    %jit3A_2 = arith.constant 1 : i32
    %select_n3A = arith.select %eq3A_1, %jit3A, %jit3A_2 : i32
    %eq3A_3 = arith.constant 0 : i32
    %eq3A_4 = arith.cmpi eq, %arg0, %eq3A_3 : i32
    %mul3A = arith.constant 128 : i32
    %mul3A_5 = arith.muli %arg1, %mul3A : i32
    %mul3A_6 = arith.constant 32 : i32
    %mul3A_7 = arith.muli %arg1, %mul3A_6 : i32
    %add3A = arith.constant 2048 : i32
    %add3A_8 = arith.addi %add3A, %mul3A_7 : i32
    %select_n3A_9 = arith.select %eq3A_4, %mul3A_5, %add3A_8 : i32
    %scan3A = arith.constant 0 : i32
    %scan3A_10 = arith.constant 0 : i32
    %scan3A_11 = arith.constant 128 : i32
    %scan3A_12 = arith.addi %scan3A_10, %scan3A_11 : i32
    %scan3A_13 = arith.constant 1 : i32
    scf.for %scan3A_52 = %scan3A_10 to %scan3A_12 step %scan3A_13  : i32 {
      %swap3A = arith.index_cast %scan3A_52 : i32 to index
      %swap3A_53 = arith.constant 0 : index
      %swap3A_54 = tpu.vector_load %arg8[%swap3A, %swap3A_53] {strides = array<i32>} : memref<128x128xf32, #tpu.memory_space<vmem>>, vector<1x16xf32>,
      %swap3A_55 = vector.shape_cast %swap3A_54 : vector<1x16xf32> to vector<16xf32>
      %swap3A_56 = vector.shape_cast %broadcast_in_dim3A_0 : vector<16xf32> to vector<1x16xf32>
      tpu.vector_store %arg8[%swap3A, %swap3A_53], %swap3A_56 {strides = array<i32>} : memref<128x128xf32, #tpu.memory_space<vmem>>, vector<1x16xf32>,
      %swap3A_57 = arith.index_cast %scan3A_52 : i32 to index
      %swap3A_58 = arith.constant 16 : index
      %swap3A_59 = tpu.vector_load %arg8[%swap3A_57, %swap3A_58] {strides = array<i32>} : memref<128x128xf32, #tpu.memory_space<vmem>>, vector<1x16xf32>,
      %swap3A_60 = vector.shape_cast %swap3A_59 : vector<1x16xf32> to vector<16xf32>
      %swap3A_61 = vector.shape_cast %broadcast_in_dim3A_0 : vector<16xf32> to vector<1x16xf32>
      tpu.vector_store %arg8[%swap3A_57, %swap3A_58], %swap3A_61 {strides = array<i32>} : memref<128x128xf32, #tpu.memory_space<vmem>>, vector<1x16xf32>,
      %swap3A_62 = arith.index_cast %scan3A_52 : i32 to index
      %swap3A_63 = arith.constant 32 : index
      %swap3A_64 = tpu.vector_load %arg8[%swap3A_62, %swap3A_63] {strides = array<i32>} : memref<128x128xf32, #tpu.memory_space<vmem>>, vector<1x16xf32>,
      %swap3A_65 = vector.shape_cast %swap3A_64 : vector<1x16xf32> to vector<16xf32>
      %swap3A_66 = vector.shape_cast %broadcast_in_dim3A_0 : vector<16xf32> to vector<1x16xf32>
      tpu.vector_store %arg8[%swap3A_62, %swap3A_63], %swap3A_66 {strides = array<i32>} : memref<128x128xf32, #tpu.memory_space<vmem>>, vector<1x16xf32>,
      %swap3A_67 = arith.index_cast %scan3A_52 : i32 to index
      %swap3A_68 = arith.constant 48 : index
      %swap3A_69 = tpu.vector_load %arg8[%swap3A_67, %swap3A_68] {strides = array<i32>} : memref<128x128xf32, #tpu.memory_space<vmem>>, vector<1x16xf32>,
      %swap3A_70 = vector.shape_cast %swap3A_69 : vector<1x16xf32> to vector<16xf32>
      %swap3A_71 = vector.shape_cast %broadcast_in_dim3A_0 : vector<16xf32> to vector<1x16xf32>
      tpu.vector_store %arg8[%swap3A_67, %swap3A_68], %swap3A_71 {strides = array<i32>} : memref<128x128xf32, #tpu.memory_space<vmem>>, vector<1x16xf32>,
      %swap3A_72 = arith.index_cast %scan3A_52 : i32 to index
      %swap3A_73 = arith.constant 64 : index
      %swap3A_74 = tpu.vector_load %arg8[%swap3A_72, %swap3A_73] {strides = array<i32>} : memref<128x128xf32, #tpu.memory_space<vmem>>, vector<1x16xf32>,
      %swap3A_75 = vector.shape_cast %swap3A_74 : vector<1x16xf32> to vector<16xf32>
      %swap3A_76 = vector.shape_cast %broadcast_in_dim3A_0 : vector<16xf32> to vector<1x16xf32>
      tpu.vector_store %arg8[%swap3A_72, %swap3A_73], %swap3A_76 {strides = array<i32>} : memref<128x128xf32, #tpu.memory_space<vmem>>, vector<1x16xf32>,
      %swap3A_77 = arith.index_cast %scan3A_52 : i32 to index
      %swap3A_78 = arith.constant 80 : index
      %swap3A_79 = tpu.vector_load %arg8[%swap3A_77, %swap3A_78] {strides = array<i32>} : memref<128x128xf32, #tpu.memory_space<vmem>>, vector<1x16xf32>,
      %swap3A_80 = vector.shape_cast %swap3A_79 : vector<1x16xf32> to vector<16xf32>
      %swap3A_81 = vector.shape_cast %broadcast_in_dim3A_0 : vector<16xf32> to vector<1x16xf32>
      tpu.vector_store %arg8[%swap3A_77, %swap3A_78], %swap3A_81 {strides = array<i32>} : memref<128x128xf32, #tpu.memory_space<vmem>>, vector<1x16xf32>,
      %swap3A_82 = arith.index_cast %scan3A_52 : i32 to index
      %swap3A_83 = arith.constant 96 : index
      %swap3A_84 = tpu.vector_load %arg8[%swap3A_82, %swap3A_83] {strides = array<i32>} : memref<128x128xf32, #tpu.memory_space<vmem>>, vector<1x16xf32>,
      %swap3A_85 = vector.shape_cast %swap3A_84 : vector<1x16xf32> to vector<16xf32>
      %swap3A_86 = vector.shape_cast %broadcast_in_dim3A_0 : vector<16xf32> to vector<1x16xf32>
      tpu.vector_store %arg8[%swap3A_82, %swap3A_83], %swap3A_86 {strides = array<i32>} : memref<128x128xf32, #tpu.memory_space<vmem>>, vector<1x16xf32>,
      %swap3A_87 = arith.index_cast %scan3A_52 : i32 to index
      %swap3A_88 = arith.constant 112 : index
      %swap3A_89 = tpu.vector_load %arg8[%swap3A_87, %swap3A_88] {strides = array<i32>} : memref<128x128xf32, #tpu.memory_space<vmem>>, vector<1x16xf32>,
      %swap3A_90 = vector.shape_cast %swap3A_89 : vector<1x16xf32> to vector<16xf32>
      %swap3A_91 = vector.shape_cast %broadcast_in_dim3A_0 : vector<16xf32> to vector<1x16xf32>
      tpu.vector_store %arg8[%swap3A_87, %swap3A_88], %swap3A_91 {strides = array<i32>} : memref<128x128xf32, #tpu.memory_space<vmem>>, vector<1x16xf32>,
    }
    %scan3A_14 = arith.constant 128 : i32
    %mul3A_15 = arith.constant 640 : i32
    %mul3A_16 = arith.muli %arg1, %mul3A_15 : i32
    %add3A_17 = arith.constant 0 : i32
    %add3A_18 = arith.addi %mul3A_16, %add3A_17 : i32
    "tpu.region"() ({
      %run_scoped3A = tpu.sem_alloc : memref<!tpu.dma_semaphore, #tpu.memory_space<semaphore_mem>>
      %dma_start3A = arith.constant 0 : i32
      %dma_start3A_52 = tpu.memref_slice %arg10[%add3A_18, %dma_start3A] : memref<10240x128xf32, #tpu.memory_space<vmem_shared>> -> memref<128x128xf32, #tpu.memory_space<vmem_shared>>
      %dma_start3A_53 = arith.constant 0 : i32
      %dma_start3A_54 = tpu.memref_slice %arg10[%add3A_18, %dma_start3A_53] : memref<10240x128xf32, #tpu.memory_space<vmem_shared>> -> memref<128x128xf32, #tpu.memory_space<vmem_shared>>
      tpu.enqueue_dma source(%arg8 : memref<128x128xf32, #tpu.memory_space<vmem>>) target(%dma_start3A_54 : memref<128x128xf32, #tpu.memory_space<vmem_shared>>) target_semaphore(%run_scoped3A : memref<!tpu.dma_semaphore, #tpu.memory_space<semaphore_mem>>)
      %dma_wait3A = arith.constant 0 : i32
      %dma_wait3A_55 = tpu.memref_slice %arg10[%add3A_18, %dma_wait3A] : memref<10240x128xf32, #tpu.memory_space<vmem_shared>> -> memref<128x128xf32, #tpu.memory_space<vmem_shared>>
      %dma_wait3A_56 = arith.constant 0 : i32
      %dma_wait3A_57 = tpu.memref_slice %arg10[%add3A_18, %dma_wait3A_56] : memref<10240x128xf32, #tpu.memory_space<vmem_shared>> -> memref<128x128xf32, #tpu.memory_space<vmem_shared>>
      tpu.wait_dma2 semaphore(%run_scoped3A : memref<!tpu.dma_semaphore, #tpu.memory_space<semaphore_mem>>) src(%arg8 : memref<128x128xf32, #tpu.memory_space<vmem>>) dst(%dma_wait3A_57 : memref<128x128xf32, #tpu.memory_space<vmem_shared>>)
      tpu.yield
    }) : () -> ()
    %mul3A_19 = arith.constant 640 : i32
    %mul3A_20 = arith.muli %arg1, %mul3A_19 : i32
    %add3A_21 = arith.constant 128 : i32
    %add3A_22 = arith.addi %mul3A_20, %add3A_21 : i32
    "tpu.region"() ({
      %run_scoped3A = tpu.sem_alloc : memref<!tpu.dma_semaphore, #tpu.memory_space<semaphore_mem>>
      %dma_start3A = arith.constant 0 : i32
      %dma_start3A_52 = tpu.memref_slice %arg10[%add3A_22, %dma_start3A] : memref<10240x128xf32, #tpu.memory_space<vmem_shared>> -> memref<128x128xf32, #tpu.memory_space<vmem_shared>>
      %dma_start3A_53 = arith.constant 0 : i32
      %dma_start3A_54 = tpu.memref_slice %arg10[%add3A_22, %dma_start3A_53] : memref<10240x128xf32, #tpu.memory_space<vmem_shared>> -> memref<128x128xf32, #tpu.memory_space<vmem_shared>>
      tpu.enqueue_dma source(%arg8 : memref<128x128xf32, #tpu.memory_space<vmem>>) target(%dma_start3A_54 : memref<128x128xf32, #tpu.memory_space<vmem_shared>>) target_semaphore(%run_scoped3A : memref<!tpu.dma_semaphore, #tpu.memory_space<semaphore_mem>>)
      %dma_wait3A = arith.constant 0 : i32
      %dma_wait3A_55 = tpu.memref_slice %arg10[%add3A_22, %dma_wait3A] : memref<10240x128xf32, #tpu.memory_space<vmem_shared>> -> memref<128x128xf32, #tpu.memory_space<vmem_shared>>
      %dma_wait3A_56 = arith.constant 0 : i32
      %dma_wait3A_57 = tpu.memref_slice %arg10[%add3A_22, %dma_wait3A_56] : memref<10240x128xf32, #tpu.memory_space<vmem_shared>> -> memref<128x128xf32, #tpu.memory_space<vmem_shared>>
      tpu.wait_dma2 semaphore(%run_scoped3A : memref<!tpu.dma_semaphore, #tpu.memory_space<semaphore_mem>>) src(%arg8 : memref<128x128xf32, #tpu.memory_space<vmem>>) dst(%dma_wait3A_57 : memref<128x128xf32, #tpu.memory_space<vmem_shared>>)
      tpu.yield
    }) : () -> ()
    %mul3A_23 = arith.constant 640 : i32
    %mul3A_24 = arith.muli %arg1, %mul3A_23 : i32
    %add3A_25 = arith.constant 256 : i32
    %add3A_26 = arith.addi %mul3A_24, %add3A_25 : i32
    "tpu.region"() ({
      %run_scoped3A = tpu.sem_alloc : memref<!tpu.dma_semaphore, #tpu.memory_space<semaphore_mem>>
      %dma_start3A = arith.constant 0 : i32
      %dma_start3A_52 = tpu.memref_slice %arg10[%add3A_26, %dma_start3A] : memref<10240x128xf32, #tpu.memory_space<vmem_shared>> -> memref<128x128xf32, #tpu.memory_space<vmem_shared>>
      %dma_start3A_53 = arith.constant 0 : i32
      %dma_start3A_54 = tpu.memref_slice %arg10[%add3A_26, %dma_start3A_53] : memref<10240x128xf32, #tpu.memory_space<vmem_shared>> -> memref<128x128xf32, #tpu.memory_space<vmem_shared>>
      tpu.enqueue_dma source(%arg8 : memref<128x128xf32, #tpu.memory_space<vmem>>) target(%dma_start3A_54 : memref<128x128xf32, #tpu.memory_space<vmem_shared>>) target_semaphore(%run_scoped3A : memref<!tpu.dma_semaphore, #tpu.memory_space<semaphore_mem>>)
      %dma_wait3A = arith.constant 0 : i32
      %dma_wait3A_55 = tpu.memref_slice %arg10[%add3A_26, %dma_wait3A] : memref<10240x128xf32, #tpu.memory_space<vmem_shared>> -> memref<128x128xf32, #tpu.memory_space<vmem_shared>>
      %dma_wait3A_56 = arith.constant 0 : i32
      %dma_wait3A_57 = tpu.memref_slice %arg10[%add3A_26, %dma_wait3A_56] : memref<10240x128xf32, #tpu.memory_space<vmem_shared>> -> memref<128x128xf32, #tpu.memory_space<vmem_shared>>
      tpu.wait_dma2 semaphore(%run_scoped3A : memref<!tpu.dma_semaphore, #tpu.memory_space<semaphore_mem>>) src(%arg8 : memref<128x128xf32, #tpu.memory_space<vmem>>) dst(%dma_wait3A_57 : memref<128x128xf32, #tpu.memory_space<vmem_shared>>)
      tpu.yield
    }) : () -> ()
    %mul3A_27 = arith.constant 640 : i32
    %mul3A_28 = arith.muli %arg1, %mul3A_27 : i32
    %add3A_29 = arith.constant 384 : i32
    %add3A_30 = arith.addi %mul3A_28, %add3A_29 : i32
    "tpu.region"() ({
      %run_scoped3A = tpu.sem_alloc : memref<!tpu.dma_semaphore, #tpu.memory_space<semaphore_mem>>
      %dma_start3A = arith.constant 0 : i32
      %dma_start3A_52 = tpu.memref_slice %arg10[%add3A_30, %dma_start3A] : memref<10240x128xf32, #tpu.memory_space<vmem_shared>> -> memref<128x128xf32, #tpu.memory_space<vmem_shared>>
      %dma_start3A_53 = arith.constant 0 : i32
      %dma_start3A_54 = tpu.memref_slice %arg10[%add3A_30, %dma_start3A_53] : memref<10240x128xf32, #tpu.memory_space<vmem_shared>> -> memref<128x128xf32, #tpu.memory_space<vmem_shared>>
      tpu.enqueue_dma source(%arg8 : memref<128x128xf32, #tpu.memory_space<vmem>>) target(%dma_start3A_54 : memref<128x128xf32, #tpu.memory_space<vmem_shared>>) target_semaphore(%run_scoped3A : memref<!tpu.dma_semaphore, #tpu.memory_space<semaphore_mem>>)
      %dma_wait3A = arith.constant 0 : i32
      %dma_wait3A_55 = tpu.memref_slice %arg10[%add3A_30, %dma_wait3A] : memref<10240x128xf32, #tpu.memory_space<vmem_shared>> -> memref<128x128xf32, #tpu.memory_space<vmem_shared>>
      %dma_wait3A_56 = arith.constant 0 : i32
      %dma_wait3A_57 = tpu.memref_slice %arg10[%add3A_30, %dma_wait3A_56] : memref<10240x128xf32, #tpu.memory_space<vmem_shared>> -> memref<128x128xf32, #tpu.memory_space<vmem_shared>>
      tpu.wait_dma2 semaphore(%run_scoped3A : memref<!tpu.dma_semaphore, #tpu.memory_space<semaphore_mem>>) src(%arg8 : memref<128x128xf32, #tpu.memory_space<vmem>>) dst(%dma_wait3A_57 : memref<128x128xf32, #tpu.memory_space<vmem_shared>>)
      tpu.yield
    }) : () -> ()
    %mul3A_31 = arith.constant 640 : i32
    %mul3A_32 = arith.muli %arg1, %mul3A_31 : i32
    %add3A_33 = arith.constant 512 : i32
    %add3A_34 = arith.addi %mul3A_32, %add3A_33 : i32
    "tpu.region"() ({
      %run_scoped3A = tpu.sem_alloc : memref<!tpu.dma_semaphore, #tpu.memory_space<semaphore_mem>>
      %dma_start3A = arith.constant 0 : i32
      %dma_start3A_52 = tpu.memref_slice %arg10[%add3A_34, %dma_start3A] : memref<10240x128xf32, #tpu.memory_space<vmem_shared>> -> memref<128x128xf32, #tpu.memory_space<vmem_shared>>
      %dma_start3A_53 = arith.constant 0 : i32
      %dma_start3A_54 = tpu.memref_slice %arg10[%add3A_34, %dma_start3A_53] : memref<10240x128xf32, #tpu.memory_space<vmem_shared>> -> memref<128x128xf32, #tpu.memory_space<vmem_shared>>
      tpu.enqueue_dma source(%arg8 : memref<128x128xf32, #tpu.memory_space<vmem>>) target(%dma_start3A_54 : memref<128x128xf32, #tpu.memory_space<vmem_shared>>) target_semaphore(%run_scoped3A : memref<!tpu.dma_semaphore, #tpu.memory_space<semaphore_mem>>)
      %dma_wait3A = arith.constant 0 : i32
      %dma_wait3A_55 = tpu.memref_slice %arg10[%add3A_34, %dma_wait3A] : memref<10240x128xf32, #tpu.memory_space<vmem_shared>> -> memref<128x128xf32, #tpu.memory_space<vmem_shared>>
      %dma_wait3A_56 = arith.constant 0 : i32
      %dma_wait3A_57 = tpu.memref_slice %arg10[%add3A_34, %dma_wait3A_56] : memref<10240x128xf32, #tpu.memory_space<vmem_shared>> -> memref<128x128xf32, #tpu.memory_space<vmem_shared>>
      tpu.wait_dma2 semaphore(%run_scoped3A : memref<!tpu.dma_semaphore, #tpu.memory_space<semaphore_mem>>) src(%arg8 : memref<128x128xf32, #tpu.memory_space<vmem>>) dst(%dma_wait3A_57 : memref<128x128xf32, #tpu.memory_space<vmem_shared>>)
      tpu.yield
    }) : () -> ()
    %barrier3A = arith.constant 0 : index
    tpu.barrier barrier_id(%barrier3A)
    %while3A = arith.constant 0 : i32
    %while3A_35 = arith.constant 0 : i32
    %while3A_36 = arith.subi %select_n3A, %while3A_35 : i32
    %while3A_37 = arith.addi %while3A_35, %while3A_36 : i32
    %while3A_38 = arith.constant 1 : i32
    %while3A_39 = arith.divsi %while3A_36, %while3A_38 : i32
    %while3A_40 = arith.muli %while3A_39, %while3A_38 : i32
    %while3A_41 = arith.addi %while3A_35, %while3A_40 : i32
    %while3A_42 = arith.constant 1 : i32
    scf.for %while3A_52 = %while3A_35 to %while3A_41 step %while3A_42  : i32 {
      %mul3A_53 = arith.constant 32 : i32
      %mul3A_54 = arith.muli %while3A_52, %mul3A_53 : i32
      %add3A_55 = arith.addi %select_n3A_9, %mul3A_54 : i32
      %multiple_of3A_56 = tpu.assume_multiple %add3A_55, 8 : i32
      "tpu.region"() ({
        %run_scoped3A = tpu.sem_alloc : memref<!tpu.dma_semaphore, #tpu.memory_space<semaphore_mem>>
        %dma_start3A_87 = arith.constant 0 : i32
        %dma_start3A_88 = tpu.memref_slice %arg3[%multiple_of3A_56, %dma_start3A_87] : memref<2560x128xi32, #tpu.memory_space<hbm>> -> memref<32x128xi32, #tpu.memory_space<hbm>>
        %dma_start3A_89 = arith.constant 0 : i32
        %dma_start3A_90 = tpu.memref_slice %arg3[%multiple_of3A_56, %dma_start3A_89] : memref<2560x128xi32, #tpu.memory_space<hbm>> -> memref<32x128xi32, #tpu.memory_space<hbm>>
        tpu.enqueue_dma source(%dma_start3A_90 : memref<32x128xi32, #tpu.memory_space<hbm>>) target(%arg6 : memref<32x128xi32, #tpu.memory_space<vmem>>) target_semaphore(%run_scoped3A : memref<!tpu.dma_semaphore, #tpu.memory_space<semaphore_mem>>)
        %dma_wait3A_91 = arith.constant 0 : i32
        %dma_wait3A_92 = tpu.memref_slice %arg3[%multiple_of3A_56, %dma_wait3A_91] : memref<2560x128xi32, #tpu.memory_space<hbm>> -> memref<32x128xi32, #tpu.memory_space<hbm>>
        %dma_wait3A_93 = arith.constant 0 : i32
        %dma_wait3A_94 = tpu.memref_slice %arg3[%multiple_of3A_56, %dma_wait3A_93] : memref<2560x128xi32, #tpu.memory_space<hbm>> -> memref<32x128xi32, #tpu.memory_space<hbm>>
        tpu.wait_dma2 semaphore(%run_scoped3A : memref<!tpu.dma_semaphore, #tpu.memory_space<semaphore_mem>>) src(%dma_wait3A_94 : memref<32x128xi32, #tpu.memory_space<hbm>>) dst(%arg6 : memref<32x128xi32, #tpu.memory_space<vmem>>)
        tpu.yield
      }) : () -> ()
      "tpu.region"() ({
        %run_scoped3A = tpu.sem_alloc : memref<!tpu.dma_semaphore, #tpu.memory_space<semaphore_mem>>
        %dma_start3A_87 = arith.constant 0 : i32
        %dma_start3A_88 = tpu.memref_slice %arg4[%multiple_of3A_56, %dma_start3A_87] : memref<2560x128xi32, #tpu.memory_space<hbm>> -> memref<32x128xi32, #tpu.memory_space<hbm>>
        %dma_start3A_89 = arith.constant 0 : i32
        %dma_start3A_90 = tpu.memref_slice %arg4[%multiple_of3A_56, %dma_start3A_89] : memref<2560x128xi32, #tpu.memory_space<hbm>> -> memref<32x128xi32, #tpu.memory_space<hbm>>
        tpu.enqueue_dma source(%dma_start3A_90 : memref<32x128xi32, #tpu.memory_space<hbm>>) target(%arg7 : memref<32x128xi32, #tpu.memory_space<vmem>>) target_semaphore(%run_scoped3A : memref<!tpu.dma_semaphore, #tpu.memory_space<semaphore_mem>>)
        %dma_wait3A_91 = arith.constant 0 : i32
        %dma_wait3A_92 = tpu.memref_slice %arg4[%multiple_of3A_56, %dma_wait3A_91] : memref<2560x128xi32, #tpu.memory_space<hbm>> -> memref<32x128xi32, #tpu.memory_space<hbm>>
        %dma_wait3A_93 = arith.constant 0 : i32
        %dma_wait3A_94 = tpu.memref_slice %arg4[%multiple_of3A_56, %dma_wait3A_93] : memref<2560x128xi32, #tpu.memory_space<hbm>> -> memref<32x128xi32, #tpu.memory_space<hbm>>
        tpu.wait_dma2 semaphore(%run_scoped3A : memref<!tpu.dma_semaphore, #tpu.memory_space<semaphore_mem>>) src(%dma_wait3A_94 : memref<32x128xi32, #tpu.memory_space<hbm>>) dst(%arg7 : memref<32x128xi32, #tpu.memory_space<vmem>>)
        tpu.yield
      }) : () -> ()
      %dma_start3A = arith.constant 0 : i32
      %dma_start3A_57 = arith.constant 0 : i32
      %dma_start3A_58 = tpu.memref_slice %arg6[%dma_start3A, %dma_start3A_57] : memref<32x128xi32, #tpu.memory_space<vmem>> -> memref<1x128xi32, #tpu.memory_space<vmem>>
      %dma_start3A_59 = tpu.memref_squeeze %dma_start3A_58 : memref<1x128xi32, #tpu.memory_space<vmem>> -> memref<128xi32, #tpu.memory_space<vmem>>
      %dma_start3A_60 = arith.constant 0 : i32
      %dma_start3A_61 = arith.constant 0 : i32
      %dma_start3A_62 = tpu.memref_slice %arg2[%dma_start3A_60, %dma_start3A_61] : memref<10000x128xf32, #tpu.memory_space<hbm>> -> memref<10000x128xf32, #tpu.memory_space<hbm>>
      tpu.enqueue_indirect_dma source(%dma_start3A_62 : memref<10000x128xf32, #tpu.memory_space<hbm>>) target(%arg8 : memref<128x128xf32, #tpu.memory_space<vmem>>) offsets(%dma_start3A_59 : memref<128xi32, #tpu.memory_space<vmem>>) semaphore(%arg11 : memref<!tpu.dma_semaphore, #tpu.memory_space<semaphore_mem>>)
      %dma_start3A_63 = arith.constant 1 : i32
      %dma_start3A_64 = arith.constant 0 : i32
      %dma_start3A_65 = tpu.memref_slice %arg6[%dma_start3A_63, %dma_start3A_64] : memref<32x128xi32, #tpu.memory_space<vmem>> -> memref<1x128xi32, #tpu.memory_space<vmem>>
      %dma_start3A_66 = tpu.memref_squeeze %dma_start3A_65 : memref<1x128xi32, #tpu.memory_space<vmem>> -> memref<128xi32, #tpu.memory_space<vmem>>
      %dma_start3A_67 = arith.constant 0 : i32
      %dma_start3A_68 = arith.constant 0 : i32
      %dma_start3A_69 = tpu.memref_slice %arg2[%dma_start3A_67, %dma_start3A_68] : memref<10000x128xf32, #tpu.memory_space<hbm>> -> memref<10000x128xf32, #tpu.memory_space<hbm>>
      tpu.enqueue_indirect_dma source(%dma_start3A_69 : memref<10000x128xf32, #tpu.memory_space<hbm>>) target(%arg9 : memref<128x128xf32, #tpu.memory_space<vmem>>) offsets(%dma_start3A_66 : memref<128xi32, #tpu.memory_space<vmem>>) semaphore(%arg12 : memref<!tpu.dma_semaphore, #tpu.memory_space<semaphore_mem>>)
      %scan3A_70 = arith.constant 0 : i32
      %scan3A_71 = arith.constant 0 : i32
      %scan3A_72 = arith.constant 16 : i32
      %scan3A_73 = arith.addi %scan3A_71, %scan3A_72 : i32
      %scan3A_74 = arith.constant 1 : i32
      scf.for %scan3A_87 = %scan3A_71 to %scan3A_73 step %scan3A_74  : i32 {
        %mul3A_88 = arith.constant 2 : i32
        %mul3A_89 = arith.muli %scan3A_87, %mul3A_88 : i32
        %dma_wait3A_90 = arith.constant 0 : i32
        %dma_wait3A_91 = arith.constant 0 : i32
        %dma_wait3A_92 = tpu.memref_slice %arg2[%dma_wait3A_90, %dma_wait3A_91] : memref<10000x128xf32, #tpu.memory_space<hbm>> -> memref<128x128xf32, #tpu.memory_space<hbm>>
        %dma_wait3A_93 = arith.constant 0 : i32
        %dma_wait3A_94 = arith.constant 0 : i32
        %dma_wait3A_95 = tpu.memref_slice %arg2[%dma_wait3A_93, %dma_wait3A_94] : memref<10000x128xf32, #tpu.memory_space<hbm>> -> memref<128x128xf32, #tpu.memory_space<hbm>>
        tpu.wait_dma2 semaphore(%arg11 : memref<!tpu.dma_semaphore, #tpu.memory_space<semaphore_mem>>) src(%dma_wait3A_95 : memref<128x128xf32, #tpu.memory_space<hbm>>) dst(%arg8 : memref<128x128xf32, #tpu.memory_space<vmem>>)
        "tpu.region"() ({
          %run_scoped3A = tpu.sem_alloc : memref<!tpu.dma_semaphore, #tpu.memory_space<semaphore_mem>>
          %dma_start3A_123 = arith.constant 0 : i32
          %dma_start3A_124 = tpu.memref_slice %arg7[%mul3A_89, %dma_start3A_123] : memref<32x128xi32, #tpu.memory_space<vmem>> -> memref<1x128xi32, #tpu.memory_space<vmem>>
          %dma_start3A_125 = tpu.memref_squeeze %dma_start3A_124 : memref<1x128xi32, #tpu.memory_space<vmem>> -> memref<128xi32, #tpu.memory_space<vmem>>
          %dma_start3A_126 = arith.constant 0 : i32
          %dma_start3A_127 = arith.constant 0 : i32
          %dma_start3A_128 = tpu.memref_slice %arg10[%dma_start3A_126, %dma_start3A_127] : memref<10240x128xf32, #tpu.memory_space<vmem_shared>> -> memref<10240x128xf32, #tpu.memory_space<vmem_shared>>
          tpu.enqueue_indirect_dma source(%arg8 : memref<128x128xf32, #tpu.memory_space<vmem>>) target(%dma_start3A_128 : memref<10240x128xf32, #tpu.memory_space<vmem_shared>>) offsets(%dma_start3A_125 : memref<128xi32, #tpu.memory_space<vmem>>) semaphore(%run_scoped3A : memref<!tpu.dma_semaphore, #tpu.memory_space<semaphore_mem>>) {add = true}
          %dma_wait3A_129 = arith.constant 0 : i32
          %dma_wait3A_130 = tpu.memref_slice %arg7[%mul3A_89, %dma_wait3A_129] : memref<32x128xi32, #tpu.memory_space<vmem>> -> memref<1x128xi32, #tpu.memory_space<vmem>>
          %dma_wait3A_131 = tpu.memref_squeeze %dma_wait3A_130 : memref<1x128xi32, #tpu.memory_space<vmem>> -> memref<128xi32, #tpu.memory_space<vmem>>
          %dma_wait3A_132 = arith.constant 0 : i32
          %dma_wait3A_133 = arith.constant 0 : i32
          %dma_wait3A_134 = tpu.memref_slice %arg10[%dma_wait3A_132, %dma_wait3A_133] : memref<10240x128xf32, #tpu.memory_space<vmem_shared>> -> memref<10240x128xf32, #tpu.memory_space<vmem_shared>>
          tpu.wait_indirect_dma semaphore(%run_scoped3A : memref<!tpu.dma_semaphore, #tpu.memory_space<semaphore_mem>>) src(%arg8 : memref<128x128xf32, #tpu.memory_space<vmem>>) dst(%dma_wait3A_134 : memref<10240x128xf32, #tpu.memory_space<vmem_shared>>)
          tpu.yield
        }) : () -> ()
        %add3A_96 = arith.constant 2 : i32
        %add3A_97 = arith.addi %mul3A_89, %add3A_96 : i32
        %rem3A = arith.constant 32 : i32
        %rem3A_98 = arith.remsi %add3A_97, %rem3A : i32
        %dma_start3A_99 = arith.constant 0 : i32
        %dma_start3A_100 = tpu.memref_slice %arg6[%rem3A_98, %dma_start3A_99] : memref<32x128xi32, #tpu.memory_space<vmem>> -> memref<1x128xi32, #tpu.memory_space<vmem>>
        %dma_start3A_101 = tpu.memref_squeeze %dma_start3A_100 : memref<1x128xi32, #tpu.memory_space<vmem>> -> memref<128xi32, #tpu.memory_space<vmem>>
        %dma_start3A_102 = arith.constant 0 : i32
        %dma_start3A_103 = arith.constant 0 : i32
        %dma_start3A_104 = tpu.memref_slice %arg2[%dma_start3A_102, %dma_start3A_103] : memref<10000x128xf32, #tpu.memory_space<hbm>> -> memref<10000x128xf32, #tpu.memory_space<hbm>>
        tpu.enqueue_indirect_dma source(%dma_start3A_104 : memref<10000x128xf32, #tpu.memory_space<hbm>>) target(%arg8 : memref<128x128xf32, #tpu.memory_space<vmem>>) offsets(%dma_start3A_101 : memref<128xi32, #tpu.memory_space<vmem>>) semaphore(%arg11 : memref<!tpu.dma_semaphore, #tpu.memory_space<semaphore_mem>>)
        %dma_wait3A_105 = arith.constant 0 : i32
        %dma_wait3A_106 = arith.constant 0 : i32
        %dma_wait3A_107 = tpu.memref_slice %arg2[%dma_wait3A_105, %dma_wait3A_106] : memref<10000x128xf32, #tpu.memory_space<hbm>> -> memref<128x128xf32, #tpu.memory_space<hbm>>
        %dma_wait3A_108 = arith.constant 0 : i32
        %dma_wait3A_109 = arith.constant 0 : i32
        %dma_wait3A_110 = tpu.memref_slice %arg2[%dma_wait3A_108, %dma_wait3A_109] : memref<10000x128xf32, #tpu.memory_space<hbm>> -> memref<128x128xf32, #tpu.memory_space<hbm>>
        tpu.wait_dma2 semaphore(%arg12 : memref<!tpu.dma_semaphore, #tpu.memory_space<semaphore_mem>>) src(%dma_wait3A_110 : memref<128x128xf32, #tpu.memory_space<hbm>>) dst(%arg9 : memref<128x128xf32, #tpu.memory_space<vmem>>)
        %add3A_111 = arith.constant 1 : i32
        %add3A_112 = arith.addi %mul3A_89, %add3A_111 : i32
        "tpu.region"() ({
          %run_scoped3A = tpu.sem_alloc : memref<!tpu.dma_semaphore, #tpu.memory_space<semaphore_mem>>
          %dma_start3A_123 = arith.constant 0 : i32
          %dma_start3A_124 = tpu.memref_slice %arg7[%add3A_112, %dma_start3A_123] : memref<32x128xi32, #tpu.memory_space<vmem>> -> memref<1x128xi32, #tpu.memory_space<vmem>>
          %dma_start3A_125 = tpu.memref_squeeze %dma_start3A_124 : memref<1x128xi32, #tpu.memory_space<vmem>> -> memref<128xi32, #tpu.memory_space<vmem>>
          %dma_start3A_126 = arith.constant 0 : i32
          %dma_start3A_127 = arith.constant 0 : i32
          %dma_start3A_128 = tpu.memref_slice %arg10[%dma_start3A_126, %dma_start3A_127] : memref<10240x128xf32, #tpu.memory_space<vmem_shared>> -> memref<10240x128xf32, #tpu.memory_space<vmem_shared>>
          tpu.enqueue_indirect_dma source(%arg9 : memref<128x128xf32, #tpu.memory_space<vmem>>) target(%dma_start3A_128 : memref<10240x128xf32, #tpu.memory_space<vmem_shared>>) offsets(%dma_start3A_125 : memref<128xi32, #tpu.memory_space<vmem>>) semaphore(%run_scoped3A : memref<!tpu.dma_semaphore, #tpu.memory_space<semaphore_mem>>) {add = true}
          %dma_wait3A_129 = arith.constant 0 : i32
          %dma_wait3A_130 = tpu.memref_slice %arg7[%add3A_112, %dma_wait3A_129] : memref<32x128xi32, #tpu.memory_space<vmem>> -> memref<1x128xi32, #tpu.memory_space<vmem>>
          %dma_wait3A_131 = tpu.memref_squeeze %dma_wait3A_130 : memref<1x128xi32, #tpu.memory_space<vmem>> -> memref<128xi32, #tpu.memory_space<vmem>>
          %dma_wait3A_132 = arith.constant 0 : i32
          %dma_wait3A_133 = arith.constant 0 : i32
          %dma_wait3A_134 = tpu.memref_slice %arg10[%dma_wait3A_132, %dma_wait3A_133] : memref<10240x128xf32, #tpu.memory_space<vmem_shared>> -> memref<10240x128xf32, #tpu.memory_space<vmem_shared>>
          tpu.wait_indirect_dma semaphore(%run_scoped3A : memref<!tpu.dma_semaphore, #tpu.memory_space<semaphore_mem>>) src(%arg9 : memref<128x128xf32, #tpu.memory_space<vmem>>) dst(%dma_wait3A_134 : memref<10240x128xf32, #tpu.memory_space<vmem_shared>>)
          tpu.yield
        }) : () -> ()
        %add3A_113 = arith.constant 3 : i32
        %add3A_114 = arith.addi %mul3A_89, %add3A_113 : i32
        %rem3A_115 = arith.constant 32 : i32
        %rem3A_116 = arith.remsi %add3A_114, %rem3A_115 : i32
        %dma_start3A_117 = arith.constant 0 : i32
        %dma_start3A_118 = tpu.memref_slice %arg6[%rem3A_116, %dma_start3A_117] : memref<32x128xi32, #tpu.memory_space<vmem>> -> memref<1x128xi32, #tpu.memory_space<vmem>>
        %dma_start3A_119 = tpu.memref_squeeze %dma_start3A_118 : memref<1x128xi32, #tpu.memory_space<vmem>> -> memref<128xi32, #tpu.memory_space<vmem>>
        %dma_start3A_120 = arith.constant 0 : i32
        %dma_start3A_121 = arith.constant 0 : i32
        %dma_start3A_122 = tpu.memref_slice %arg2[%dma_start3A_120, %dma_start3A_121] : memref<10000x128xf32, #tpu.memory_space<hbm>> -> memref<10000x128xf32, #tpu.memory_space<hbm>>
        tpu.enqueue_indirect_dma source(%dma_start3A_122 : memref<10000x128xf32, #tpu.memory_space<hbm>>) target(%arg9 : memref<128x128xf32, #tpu.memory_space<vmem>>) offsets(%dma_start3A_119 : memref<128xi32, #tpu.memory_space<vmem>>) semaphore(%arg12 : memref<!tpu.dma_semaphore, #tpu.memory_space<semaphore_mem>>)
      }
      %scan3A_75 = arith.constant 16 : i32
      %dma_wait3A = arith.constant 0 : i32
      %dma_wait3A_76 = arith.constant 0 : i32
      %dma_wait3A_77 = tpu.memref_slice %arg2[%dma_wait3A, %dma_wait3A_76] : memref<10000x128xf32, #tpu.memory_space<hbm>> -> memref<128x128xf32, #tpu.memory_space<hbm>>
      %dma_wait3A_78 = arith.constant 0 : i32
      %dma_wait3A_79 = arith.constant 0 : i32
      %dma_wait3A_80 = tpu.memref_slice %arg2[%dma_wait3A_78, %dma_wait3A_79] : memref<10000x128xf32, #tpu.memory_space<hbm>> -> memref<128x128xf32, #tpu.memory_space<hbm>>
      tpu.wait_dma2 semaphore(%arg11 : memref<!tpu.dma_semaphore, #tpu.memory_space<semaphore_mem>>) src(%dma_wait3A_80 : memref<128x128xf32, #tpu.memory_space<hbm>>) dst(%arg8 : memref<128x128xf32, #tpu.memory_space<vmem>>)
      %dma_wait3A_81 = arith.constant 0 : i32
      %dma_wait3A_82 = arith.constant 0 : i32
      %dma_wait3A_83 = tpu.memref_slice %arg2[%dma_wait3A_81, %dma_wait3A_82] : memref<10000x128xf32, #tpu.memory_space<hbm>> -> memref<128x128xf32, #tpu.memory_space<hbm>>
      %dma_wait3A_84 = arith.constant 0 : i32
      %dma_wait3A_85 = arith.constant 0 : i32
      %dma_wait3A_86 = tpu.memref_slice %arg2[%dma_wait3A_84, %dma_wait3A_85] : memref<10000x128xf32, #tpu.memory_space<hbm>> -> memref<128x128xf32, #tpu.memory_space<hbm>>
      tpu.wait_dma2 semaphore(%arg12 : memref<!tpu.dma_semaphore, #tpu.memory_space<semaphore_mem>>) src(%dma_wait3A_86 : memref<128x128xf32, #tpu.memory_space<hbm>>) dst(%arg9 : memref<128x128xf32, #tpu.memory_space<vmem>>)
    }
    %while3A_43 = arith.constant 1 : i32
    scf.for %while3A_52 = %while3A_41 to %while3A_37 step %while3A_43  : i32 {
      %mul3A_53 = arith.constant 32 : i32
      %mul3A_54 = arith.muli %while3A_52, %mul3A_53 : i32
      %add3A_55 = arith.addi %select_n3A_9, %mul3A_54 : i32
      %multiple_of3A_56 = tpu.assume_multiple %add3A_55, 8 : i32
      "tpu.region"() ({
        %run_scoped3A = tpu.sem_alloc : memref<!tpu.dma_semaphore, #tpu.memory_space<semaphore_mem>>
        %dma_start3A_87 = arith.constant 0 : i32
        %dma_start3A_88 = tpu.memref_slice %arg3[%multiple_of3A_56, %dma_start3A_87] : memref<2560x128xi32, #tpu.memory_space<hbm>> -> memref<32x128xi32, #tpu.memory_space<hbm>>
        %dma_start3A_89 = arith.constant 0 : i32
        %dma_start3A_90 = tpu.memref_slice %arg3[%multiple_of3A_56, %dma_start3A_89] : memref<2560x128xi32, #tpu.memory_space<hbm>> -> memref<32x128xi32, #tpu.memory_space<hbm>>
        tpu.enqueue_dma source(%dma_start3A_90 : memref<32x128xi32, #tpu.memory_space<hbm>>) target(%arg6 : memref<32x128xi32, #tpu.memory_space<vmem>>) target_semaphore(%run_scoped3A : memref<!tpu.dma_semaphore, #tpu.memory_space<semaphore_mem>>)
        %dma_wait3A_91 = arith.constant 0 : i32
        %dma_wait3A_92 = tpu.memref_slice %arg3[%multiple_of3A_56, %dma_wait3A_91] : memref<2560x128xi32, #tpu.memory_space<hbm>> -> memref<32x128xi32, #tpu.memory_space<hbm>>
        %dma_wait3A_93 = arith.constant 0 : i32
        %dma_wait3A_94 = tpu.memref_slice %arg3[%multiple_of3A_56, %dma_wait3A_93] : memref<2560x128xi32, #tpu.memory_space<hbm>> -> memref<32x128xi32, #tpu.memory_space<hbm>>
        tpu.wait_dma2 semaphore(%run_scoped3A : memref<!tpu.dma_semaphore, #tpu.memory_space<semaphore_mem>>) src(%dma_wait3A_94 : memref<32x128xi32, #tpu.memory_space<hbm>>) dst(%arg6 : memref<32x128xi32, #tpu.memory_space<vmem>>)
        tpu.yield
      }) : () -> ()
      "tpu.region"() ({
        %run_scoped3A = tpu.sem_alloc : memref<!tpu.dma_semaphore, #tpu.memory_space<semaphore_mem>>
        %dma_start3A_87 = arith.constant 0 : i32
        %dma_start3A_88 = tpu.memref_slice %arg4[%multiple_of3A_56, %dma_start3A_87] : memref<2560x128xi32, #tpu.memory_space<hbm>> -> memref<32x128xi32, #tpu.memory_space<hbm>>
        %dma_start3A_89 = arith.constant 0 : i32
        %dma_start3A_90 = tpu.memref_slice %arg4[%multiple_of3A_56, %dma_start3A_89] : memref<2560x128xi32, #tpu.memory_space<hbm>> -> memref<32x128xi32, #tpu.memory_space<hbm>>
        tpu.enqueue_dma source(%dma_start3A_90 : memref<32x128xi32, #tpu.memory_space<hbm>>) target(%arg7 : memref<32x128xi32, #tpu.memory_space<vmem>>) target_semaphore(%run_scoped3A : memref<!tpu.dma_semaphore, #tpu.memory_space<semaphore_mem>>)
        %dma_wait3A_91 = arith.constant 0 : i32
        %dma_wait3A_92 = tpu.memref_slice %arg4[%multiple_of3A_56, %dma_wait3A_91] : memref<2560x128xi32, #tpu.memory_space<hbm>> -> memref<32x128xi32, #tpu.memory_space<hbm>>
        %dma_wait3A_93 = arith.constant 0 : i32
        %dma_wait3A_94 = tpu.memref_slice %arg4[%multiple_of3A_56, %dma_wait3A_93] : memref<2560x128xi32, #tpu.memory_space<hbm>> -> memref<32x128xi32, #tpu.memory_space<hbm>>
        tpu.wait_dma2 semaphore(%run_scoped3A : memref<!tpu.dma_semaphore, #tpu.memory_space<semaphore_mem>>) src(%dma_wait3A_94 : memref<32x128xi32, #tpu.memory_space<hbm>>) dst(%arg7 : memref<32x128xi32, #tpu.memory_space<vmem>>)
        tpu.yield
      }) : () -> ()
      %dma_start3A = arith.constant 0 : i32
      %dma_start3A_57 = arith.constant 0 : i32
      %dma_start3A_58 = tpu.memref_slice %arg6[%dma_start3A, %dma_start3A_57] : memref<32x128xi32, #tpu.memory_space<vmem>> -> memref<1x128xi32, #tpu.memory_space<vmem>>
      %dma_start3A_59 = tpu.memref_squeeze %dma_start3A_58 : memref<1x128xi32, #tpu.memory_space<vmem>> -> memref<128xi32, #tpu.memory_space<vmem>>
      %dma_start3A_60 = arith.constant 0 : i32
      %dma_start3A_61 = arith.constant 0 : i32
      %dma_start3A_62 = tpu.memref_slice %arg2[%dma_start3A_60, %dma_start3A_61] : memref<10000x128xf32, #tpu.memory_space<hbm>> -> memref<10000x128xf32, #tpu.memory_space<hbm>>
      tpu.enqueue_indirect_dma source(%dma_start3A_62 : memref<10000x128xf32, #tpu.memory_space<hbm>>) target(%arg8 : memref<128x128xf32, #tpu.memory_space<vmem>>) offsets(%dma_start3A_59 : memref<128xi32, #tpu.memory_space<vmem>>) semaphore(%arg11 : memref<!tpu.dma_semaphore, #tpu.memory_space<semaphore_mem>>)
      %dma_start3A_63 = arith.constant 1 : i32
      %dma_start3A_64 = arith.constant 0 : i32
      %dma_start3A_65 = tpu.memref_slice %arg6[%dma_start3A_63, %dma_start3A_64] : memref<32x128xi32, #tpu.memory_space<vmem>> -> memref<1x128xi32, #tpu.memory_space<vmem>>
      %dma_start3A_66 = tpu.memref_squeeze %dma_start3A_65 : memref<1x128xi32, #tpu.memory_space<vmem>> -> memref<128xi32, #tpu.memory_space<vmem>>
      %dma_start3A_67 = arith.constant 0 : i32
      %dma_start3A_68 = arith.constant 0 : i32
      %dma_start3A_69 = tpu.memref_slice %arg2[%dma_start3A_67, %dma_start3A_68] : memref<10000x128xf32, #tpu.memory_space<hbm>> -> memref<10000x128xf32, #tpu.memory_space<hbm>>
      tpu.enqueue_indirect_dma source(%dma_start3A_69 : memref<10000x128xf32, #tpu.memory_space<hbm>>) target(%arg9 : memref<128x128xf32, #tpu.memory_space<vmem>>) offsets(%dma_start3A_66 : memref<128xi32, #tpu.memory_space<vmem>>) semaphore(%arg12 : memref<!tpu.dma_semaphore, #tpu.memory_space<semaphore_mem>>)
      %scan3A_70 = arith.constant 0 : i32
      %scan3A_71 = arith.constant 0 : i32
      %scan3A_72 = arith.constant 16 : i32
      %scan3A_73 = arith.addi %scan3A_71, %scan3A_72 : i32
      %scan3A_74 = arith.constant 1 : i32
      scf.for %scan3A_87 = %scan3A_71 to %scan3A_73 step %scan3A_74  : i32 {
        %mul3A_88 = arith.constant 2 : i32
        %mul3A_89 = arith.muli %scan3A_87, %mul3A_88 : i32
        %dma_wait3A_90 = arith.constant 0 : i32
        %dma_wait3A_91 = arith.constant 0 : i32
        %dma_wait3A_92 = tpu.memref_slice %arg2[%dma_wait3A_90, %dma_wait3A_91] : memref<10000x128xf32, #tpu.memory_space<hbm>> -> memref<128x128xf32, #tpu.memory_space<hbm>>
        %dma_wait3A_93 = arith.constant 0 : i32
        %dma_wait3A_94 = arith.constant 0 : i32
        %dma_wait3A_95 = tpu.memref_slice %arg2[%dma_wait3A_93, %dma_wait3A_94] : memref<10000x128xf32, #tpu.memory_space<hbm>> -> memref<128x128xf32, #tpu.memory_space<hbm>>
        tpu.wait_dma2 semaphore(%arg11 : memref<!tpu.dma_semaphore, #tpu.memory_space<semaphore_mem>>) src(%dma_wait3A_95 : memref<128x128xf32, #tpu.memory_space<hbm>>) dst(%arg8 : memref<128x128xf32, #tpu.memory_space<vmem>>)
        "tpu.region"() ({
          %run_scoped3A = tpu.sem_alloc : memref<!tpu.dma_semaphore, #tpu.memory_space<semaphore_mem>>
          %dma_start3A_123 = arith.constant 0 : i32
          %dma_start3A_124 = tpu.memref_slice %arg7[%mul3A_89, %dma_start3A_123] : memref<32x128xi32, #tpu.memory_space<vmem>> -> memref<1x128xi32, #tpu.memory_space<vmem>>
          %dma_start3A_125 = tpu.memref_squeeze %dma_start3A_124 : memref<1x128xi32, #tpu.memory_space<vmem>> -> memref<128xi32, #tpu.memory_space<vmem>>
          %dma_start3A_126 = arith.constant 0 : i32
          %dma_start3A_127 = arith.constant 0 : i32
          %dma_start3A_128 = tpu.memref_slice %arg10[%dma_start3A_126, %dma_start3A_127] : memref<10240x128xf32, #tpu.memory_space<vmem_shared>> -> memref<10240x128xf32, #tpu.memory_space<vmem_shared>>
          tpu.enqueue_indirect_dma source(%arg8 : memref<128x128xf32, #tpu.memory_space<vmem>>) target(%dma_start3A_128 : memref<10240x128xf32, #tpu.memory_space<vmem_shared>>) offsets(%dma_start3A_125 : memref<128xi32, #tpu.memory_space<vmem>>) semaphore(%run_scoped3A : memref<!tpu.dma_semaphore, #tpu.memory_space<semaphore_mem>>) {add = true}
          %dma_wait3A_129 = arith.constant 0 : i32
          %dma_wait3A_130 = tpu.memref_slice %arg7[%mul3A_89, %dma_wait3A_129] : memref<32x128xi32, #tpu.memory_space<vmem>> -> memref<1x128xi32, #tpu.memory_space<vmem>>
          %dma_wait3A_131 = tpu.memref_squeeze %dma_wait3A_130 : memref<1x128xi32, #tpu.memory_space<vmem>> -> memref<128xi32, #tpu.memory_space<vmem>>
          %dma_wait3A_132 = arith.constant 0 : i32
          %dma_wait3A_133 = arith.constant 0 : i32
          %dma_wait3A_134 = tpu.memref_slice %arg10[%dma_wait3A_132, %dma_wait3A_133] : memref<10240x128xf32, #tpu.memory_space<vmem_shared>> -> memref<10240x128xf32, #tpu.memory_space<vmem_shared>>
          tpu.wait_indirect_dma semaphore(%run_scoped3A : memref<!tpu.dma_semaphore, #tpu.memory_space<semaphore_mem>>) src(%arg8 : memref<128x128xf32, #tpu.memory_space<vmem>>) dst(%dma_wait3A_134 : memref<10240x128xf32, #tpu.memory_space<vmem_shared>>)
          tpu.yield
        }) : () -> ()
        %add3A_96 = arith.constant 2 : i32
        %add3A_97 = arith.addi %mul3A_89, %add3A_96 : i32
        %rem3A = arith.constant 32 : i32
        %rem3A_98 = arith.remsi %add3A_97, %rem3A : i32
        %dma_start3A_99 = arith.constant 0 : i32
        %dma_start3A_100 = tpu.memref_slice %arg6[%rem3A_98, %dma_start3A_99] : memref<32x128xi32, #tpu.memory_space<vmem>> -> memref<1x128xi32, #tpu.memory_space<vmem>>
        %dma_start3A_101 = tpu.memref_squeeze %dma_start3A_100 : memref<1x128xi32, #tpu.memory_space<vmem>> -> memref<128xi32, #tpu.memory_space<vmem>>
        %dma_start3A_102 = arith.constant 0 : i32
        %dma_start3A_103 = arith.constant 0 : i32
        %dma_start3A_104 = tpu.memref_slice %arg2[%dma_start3A_102, %dma_start3A_103] : memref<10000x128xf32, #tpu.memory_space<hbm>> -> memref<10000x128xf32, #tpu.memory_space<hbm>>
        tpu.enqueue_indirect_dma source(%dma_start3A_104 : memref<10000x128xf32, #tpu.memory_space<hbm>>) target(%arg8 : memref<128x128xf32, #tpu.memory_space<vmem>>) offsets(%dma_start3A_101 : memref<128xi32, #tpu.memory_space<vmem>>) semaphore(%arg11 : memref<!tpu.dma_semaphore, #tpu.memory_space<semaphore_mem>>)
        %dma_wait3A_105 = arith.constant 0 : i32
        %dma_wait3A_106 = arith.constant 0 : i32
        %dma_wait3A_107 = tpu.memref_slice %arg2[%dma_wait3A_105, %dma_wait3A_106] : memref<10000x128xf32, #tpu.memory_space<hbm>> -> memref<128x128xf32, #tpu.memory_space<hbm>>
        %dma_wait3A_108 = arith.constant 0 : i32
        %dma_wait3A_109 = arith.constant 0 : i32
        %dma_wait3A_110 = tpu.memref_slice %arg2[%dma_wait3A_108, %dma_wait3A_109] : memref<10000x128xf32, #tpu.memory_space<hbm>> -> memref<128x128xf32, #tpu.memory_space<hbm>>
        tpu.wait_dma2 semaphore(%arg12 : memref<!tpu.dma_semaphore, #tpu.memory_space<semaphore_mem>>) src(%dma_wait3A_110 : memref<128x128xf32, #tpu.memory_space<hbm>>) dst(%arg9 : memref<128x128xf32, #tpu.memory_space<vmem>>)
        %add3A_111 = arith.constant 1 : i32
        %add3A_112 = arith.addi %mul3A_89, %add3A_111 : i32
        "tpu.region"() ({
          %run_scoped3A = tpu.sem_alloc : memref<!tpu.dma_semaphore, #tpu.memory_space<semaphore_mem>>
          %dma_start3A_123 = arith.constant 0 : i32
          %dma_start3A_124 = tpu.memref_slice %arg7[%add3A_112, %dma_start3A_123] : memref<32x128xi32, #tpu.memory_space<vmem>> -> memref<1x128xi32, #tpu.memory_space<vmem>>
          %dma_start3A_125 = tpu.memref_squeeze %dma_start3A_124 : memref<1x128xi32, #tpu.memory_space<vmem>> -> memref<128xi32, #tpu.memory_space<vmem>>
          %dma_start3A_126 = arith.constant 0 : i32
          %dma_start3A_127 = arith.constant 0 : i32
          %dma_start3A_128 = tpu.memref_slice %arg10[%dma_start3A_126, %dma_start3A_127] : memref<10240x128xf32, #tpu.memory_space<vmem_shared>> -> memref<10240x128xf32, #tpu.memory_space<vmem_shared>>
          tpu.enqueue_indirect_dma source(%arg9 : memref<128x128xf32, #tpu.memory_space<vmem>>) target(%dma_start3A_128 : memref<10240x128xf32, #tpu.memory_space<vmem_shared>>) offsets(%dma_start3A_125 : memref<128xi32, #tpu.memory_space<vmem>>) semaphore(%run_scoped3A : memref<!tpu.dma_semaphore, #tpu.memory_space<semaphore_mem>>) {add = true}
          %dma_wait3A_129 = arith.constant 0 : i32
          %dma_wait3A_130 = tpu.memref_slice %arg7[%add3A_112, %dma_wait3A_129] : memref<32x128xi32, #tpu.memory_space<vmem>> -> memref<1x128xi32, #tpu.memory_space<vmem>>
          %dma_wait3A_131 = tpu.memref_squeeze %dma_wait3A_130 : memref<1x128xi32, #tpu.memory_space<vmem>> -> memref<128xi32, #tpu.memory_space<vmem>>
          %dma_wait3A_132 = arith.constant 0 : i32
          %dma_wait3A_133 = arith.constant 0 : i32
          %dma_wait3A_134 = tpu.memref_slice %arg10[%dma_wait3A_132, %dma_wait3A_133] : memref<10240x128xf32, #tpu.memory_space<vmem_shared>> -> memref<10240x128xf32, #tpu.memory_space<vmem_shared>>
          tpu.wait_indirect_dma semaphore(%run_scoped3A : memref<!tpu.dma_semaphore, #tpu.memory_space<semaphore_mem>>) src(%arg9 : memref<128x128xf32, #tpu.memory_space<vmem>>) dst(%dma_wait3A_134 : memref<10240x128xf32, #tpu.memory_space<vmem_shared>>)
          tpu.yield
        }) : () -> ()
        %add3A_113 = arith.constant 3 : i32
        %add3A_114 = arith.addi %mul3A_89, %add3A_113 : i32
        %rem3A_115 = arith.constant 32 : i32
        %rem3A_116 = arith.remsi %add3A_114, %rem3A_115 : i32
        %dma_start3A_117 = arith.constant 0 : i32
        %dma_start3A_118 = tpu.memref_slice %arg6[%rem3A_116, %dma_start3A_117] : memref<32x128xi32, #tpu.memory_space<vmem>> -> memref<1x128xi32, #tpu.memory_space<vmem>>
        %dma_start3A_119 = tpu.memref_squeeze %dma_start3A_118 : memref<1x128xi32, #tpu.memory_space<vmem>> -> memref<128xi32, #tpu.memory_space<vmem>>
        %dma_start3A_120 = arith.constant 0 : i32
        %dma_start3A_121 = arith.constant 0 : i32
        %dma_start3A_122 = tpu.memref_slice %arg2[%dma_start3A_120, %dma_start3A_121] : memref<10000x128xf32, #tpu.memory_space<hbm>> -> memref<10000x128xf32, #tpu.memory_space<hbm>>
        tpu.enqueue_indirect_dma source(%dma_start3A_122 : memref<10000x128xf32, #tpu.memory_space<hbm>>) target(%arg9 : memref<128x128xf32, #tpu.memory_space<vmem>>) offsets(%dma_start3A_119 : memref<128xi32, #tpu.memory_space<vmem>>) semaphore(%arg12 : memref<!tpu.dma_semaphore, #tpu.memory_space<semaphore_mem>>)
      }
      %scan3A_75 = arith.constant 16 : i32
      %dma_wait3A = arith.constant 0 : i32
      %dma_wait3A_76 = arith.constant 0 : i32
      %dma_wait3A_77 = tpu.memref_slice %arg2[%dma_wait3A, %dma_wait3A_76] : memref<10000x128xf32, #tpu.memory_space<hbm>> -> memref<128x128xf32, #tpu.memory_space<hbm>>
      %dma_wait3A_78 = arith.constant 0 : i32
      %dma_wait3A_79 = arith.constant 0 : i32
      %dma_wait3A_80 = tpu.memref_slice %arg2[%dma_wait3A_78, %dma_wait3A_79] : memref<10000x128xf32, #tpu.memory_space<hbm>> -> memref<128x128xf32, #tpu.memory_space<hbm>>
      tpu.wait_dma2 semaphore(%arg11 : memref<!tpu.dma_semaphore, #tpu.memory_space<semaphore_mem>>) src(%dma_wait3A_80 : memref<128x128xf32, #tpu.memory_space<hbm>>) dst(%arg8 : memref<128x128xf32, #tpu.memory_space<vmem>>)
      %dma_wait3A_81 = arith.constant 0 : i32
      %dma_wait3A_82 = arith.constant 0 : i32
      %dma_wait3A_83 = tpu.memref_slice %arg2[%dma_wait3A_81, %dma_wait3A_82] : memref<10000x128xf32, #tpu.memory_space<hbm>> -> memref<128x128xf32, #tpu.memory_space<hbm>>
      %dma_wait3A_84 = arith.constant 0 : i32
      %dma_wait3A_85 = arith.constant 0 : i32
      %dma_wait3A_86 = tpu.memref_slice %arg2[%dma_wait3A_84, %dma_wait3A_85] : memref<10000x128xf32, #tpu.memory_space<hbm>> -> memref<128x128xf32, #tpu.memory_space<hbm>>
      tpu.wait_dma2 semaphore(%arg12 : memref<!tpu.dma_semaphore, #tpu.memory_space<semaphore_mem>>) src(%dma_wait3A_86 : memref<128x128xf32, #tpu.memory_space<hbm>>) dst(%arg9 : memref<128x128xf32, #tpu.memory_space<vmem>>)
    }
    %barrier3A_44 = arith.constant 0 : index
    tpu.barrier barrier_id(%barrier3A_44)
    %mul3A_45 = arith.constant 10240 : i32
    %mul3A_46 = arith.muli %arg0, %mul3A_45 : i32
    %mul3A_47 = arith.constant 640 : i32
    %mul3A_48 = arith.muli %arg1, %mul3A_47 : i32
    %add3A_49 = arith.addi %mul3A_46, %mul3A_48 : i32
    %multiple_of3A = tpu.assume_multiple %add3A_49, 640 : i32
    %mul3A_50 = arith.constant 640 : i32
    %mul3A_51 = arith.muli %arg1, %mul3A_50 : i32
    "tpu.region"() ({
      %run_scoped3A = tpu.sem_alloc : memref<!tpu.dma_semaphore, #tpu.memory_space<semaphore_mem>>
      %dma_start3A = arith.constant 0 : i32
      %dma_start3A_52 = tpu.memref_slice %arg5[%multiple_of3A, %dma_start3A] : memref<20480x128xf32, #tpu.memory_space<hbm>> -> memref<640x128xf32, #tpu.memory_space<hbm>>
      %dma_start3A_53 = arith.constant 0 : i32
      %dma_start3A_54 = tpu.memref_slice %arg10[%mul3A_51, %dma_start3A_53] : memref<10240x128xf32, #tpu.memory_space<vmem_shared>> -> memref<640x128xf32, #tpu.memory_space<vmem_shared>>
      tpu.enqueue_dma source(%dma_start3A_54 : memref<640x128xf32, #tpu.memory_space<vmem_shared>>) target(%dma_start3A_52 : memref<640x128xf32, #tpu.memory_space<hbm>>) target_semaphore(%run_scoped3A : memref<!tpu.dma_semaphore, #tpu.memory_space<semaphore_mem>>)
      %dma_wait3A = arith.constant 0 : i32
      %dma_wait3A_55 = tpu.memref_slice %arg5[%multiple_of3A, %dma_wait3A] : memref<20480x128xf32, #tpu.memory_space<hbm>> -> memref<640x128xf32, #tpu.memory_space<hbm>>
      %dma_wait3A_56 = arith.constant 0 : i32
      %dma_wait3A_57 = tpu.memref_slice %arg10[%mul3A_51, %dma_wait3A_56] : memref<10240x128xf32, #tpu.memory_space<vmem_shared>> -> memref<640x128xf32, #tpu.memory_space<vmem_shared>>
      tpu.wait_dma2 semaphore(%run_scoped3A : memref<!tpu.dma_semaphore, #tpu.memory_space<semaphore_mem>>) src(%dma_wait3A_57 : memref<640x128xf32, #tpu.memory_space<vmem_shared>>) dst(%dma_wait3A_55 : memref<640x128xf32, #tpu.memory_space<hbm>>)
      tpu.yield
    }) : () -> ()
    return
  }
}

#map = affine_map<(d0, d1) -> (0, 0)>
module attributes {stable_mosaic.version = 14 : i64} {
  func.func @body(%arg0: i32, %arg1: i32, %arg2: memref<2560x128xi32, #tpu.memory_space<hbm>>, %arg3: memref<20480x128xf32, #tpu.memory_space<hbm>>, %arg4: memref<80x128xi32, #tpu.memory_space<vmem>>, %arg5: memref<128x128xf32, #tpu.memory_space<vmem>>, %arg6: memref<10240x128xf32, #tpu.memory_space<vmem_shared>>, %arg7: memref<!tpu.dma_semaphore, #tpu.memory_space<semaphore_mem>>) attributes {dimension_semantics = [#tpu.dimension_semantics<core_parallel>, #tpu.dimension_semantics<subcore_parallel>], iteration_bounds = array<i64: 2, 16>, scalar_prefetch = 0 : i64, scratch_operands = 4 : i64, tpu.core_type = #tpu.core_type<sc_vector_subcore>, window_params = [{transform_indices = #map}, {transform_indices = #map}]} {
    %broadcast_in_dim3A = arith.constant 0.000000e+00 : f32
    %broadcast_in_dim3A_0 = vector.broadcast %broadcast_in_dim3A : f32 to vector<16xf32>
    %broadcast_in_dim3A_1 = arith.constant 1.000000e+00 : f32
    %broadcast_in_dim3A_2 = vector.broadcast %broadcast_in_dim3A_1 : f32 to vector<16xf32>
    %mul3A = arith.constant 16 : i32
    %mul3A_3 = arith.muli %arg0, %mul3A : i32
    %add3A = arith.addi %mul3A_3, %arg1 : i32
    %mul3A_4 = arith.constant 80 : i32
    %mul3A_5 = arith.muli %add3A, %mul3A_4 : i32
    %multiple_of3A = tpu.assume_multiple %mul3A_5, 80 : i32
    "tpu.region"() ({
      %run_scoped3A = tpu.sem_alloc : memref<!tpu.dma_semaphore, #tpu.memory_space<semaphore_mem>>
      %dma_start3A = arith.constant 0 : i32
      %dma_start3A_52 = tpu.memref_slice %arg2[%multiple_of3A, %dma_start3A] : memref<2560x128xi32, #tpu.memory_space<hbm>> -> memref<80x128xi32, #tpu.memory_space<hbm>>
      %dma_start3A_53 = arith.constant 0 : i32
      %dma_start3A_54 = tpu.memref_slice %arg2[%multiple_of3A, %dma_start3A_53] : memref<2560x128xi32, #tpu.memory_space<hbm>> -> memref<80x128xi32, #tpu.memory_space<hbm>>
      tpu.enqueue_dma source(%dma_start3A_54 : memref<80x128xi32, #tpu.memory_space<hbm>>) target(%arg4 : memref<80x128xi32, #tpu.memory_space<vmem>>) target_semaphore(%run_scoped3A : memref<!tpu.dma_semaphore, #tpu.memory_space<semaphore_mem>>)
      %dma_wait3A = arith.constant 0 : i32
      %dma_wait3A_55 = tpu.memref_slice %arg2[%multiple_of3A, %dma_wait3A] : memref<2560x128xi32, #tpu.memory_space<hbm>> -> memref<80x128xi32, #tpu.memory_space<hbm>>
      %dma_wait3A_56 = arith.constant 0 : i32
      %dma_wait3A_57 = tpu.memref_slice %arg2[%multiple_of3A, %dma_wait3A_56] : memref<2560x128xi32, #tpu.memory_space<hbm>> -> memref<80x128xi32, #tpu.memory_space<hbm>>
      tpu.wait_dma2 semaphore(%run_scoped3A : memref<!tpu.dma_semaphore, #tpu.memory_space<semaphore_mem>>) src(%dma_wait3A_57 : memref<80x128xi32, #tpu.memory_space<hbm>>) dst(%arg4 : memref<80x128xi32, #tpu.memory_space<vmem>>)
      tpu.yield
    }) : () -> ()
    %scan3A = arith.constant 0 : i32
    %scan3A_6 = arith.constant 0 : i32
    %scan3A_7 = arith.constant 128 : i32
    %scan3A_8 = arith.addi %scan3A_6, %scan3A_7 : i32
    %scan3A_9 = arith.constant 1 : i32
    scf.for %scan3A_52 = %scan3A_6 to %scan3A_8 step %scan3A_9  : i32 {
      %swap3A = arith.index_cast %scan3A_52 : i32 to index
      %swap3A_53 = arith.constant 0 : index
      %swap3A_54 = tpu.vector_load %arg5[%swap3A, %swap3A_53] {strides = array<i32>} : memref<128x128xf32, #tpu.memory_space<vmem>>, vector<1x16xf32>,
      %swap3A_55 = vector.shape_cast %swap3A_54 : vector<1x16xf32> to vector<16xf32>
      %swap3A_56 = vector.shape_cast %broadcast_in_dim3A_0 : vector<16xf32> to vector<1x16xf32>
      tpu.vector_store %arg5[%swap3A, %swap3A_53], %swap3A_56 {strides = array<i32>} : memref<128x128xf32, #tpu.memory_space<vmem>>, vector<1x16xf32>,
      %swap3A_57 = arith.index_cast %scan3A_52 : i32 to index
      %swap3A_58 = arith.constant 16 : index
      %swap3A_59 = tpu.vector_load %arg5[%swap3A_57, %swap3A_58] {strides = array<i32>} : memref<128x128xf32, #tpu.memory_space<vmem>>, vector<1x16xf32>,
      %swap3A_60 = vector.shape_cast %swap3A_59 : vector<1x16xf32> to vector<16xf32>
      %swap3A_61 = vector.shape_cast %broadcast_in_dim3A_0 : vector<16xf32> to vector<1x16xf32>
      tpu.vector_store %arg5[%swap3A_57, %swap3A_58], %swap3A_61 {strides = array<i32>} : memref<128x128xf32, #tpu.memory_space<vmem>>, vector<1x16xf32>,
      %swap3A_62 = arith.index_cast %scan3A_52 : i32 to index
      %swap3A_63 = arith.constant 32 : index
      %swap3A_64 = tpu.vector_load %arg5[%swap3A_62, %swap3A_63] {strides = array<i32>} : memref<128x128xf32, #tpu.memory_space<vmem>>, vector<1x16xf32>,
      %swap3A_65 = vector.shape_cast %swap3A_64 : vector<1x16xf32> to vector<16xf32>
      %swap3A_66 = vector.shape_cast %broadcast_in_dim3A_0 : vector<16xf32> to vector<1x16xf32>
      tpu.vector_store %arg5[%swap3A_62, %swap3A_63], %swap3A_66 {strides = array<i32>} : memref<128x128xf32, #tpu.memory_space<vmem>>, vector<1x16xf32>,
      %swap3A_67 = arith.index_cast %scan3A_52 : i32 to index
      %swap3A_68 = arith.constant 48 : index
      %swap3A_69 = tpu.vector_load %arg5[%swap3A_67, %swap3A_68] {strides = array<i32>} : memref<128x128xf32, #tpu.memory_space<vmem>>, vector<1x16xf32>,
      %swap3A_70 = vector.shape_cast %swap3A_69 : vector<1x16xf32> to vector<16xf32>
      %swap3A_71 = vector.shape_cast %broadcast_in_dim3A_0 : vector<16xf32> to vector<1x16xf32>
      tpu.vector_store %arg5[%swap3A_67, %swap3A_68], %swap3A_71 {strides = array<i32>} : memref<128x128xf32, #tpu.memory_space<vmem>>, vector<1x16xf32>,
      %swap3A_72 = arith.index_cast %scan3A_52 : i32 to index
      %swap3A_73 = arith.constant 64 : index
      %swap3A_74 = tpu.vector_load %arg5[%swap3A_72, %swap3A_73] {strides = array<i32>} : memref<128x128xf32, #tpu.memory_space<vmem>>, vector<1x16xf32>,
      %swap3A_75 = vector.shape_cast %swap3A_74 : vector<1x16xf32> to vector<16xf32>
      %swap3A_76 = vector.shape_cast %broadcast_in_dim3A_0 : vector<16xf32> to vector<1x16xf32>
      tpu.vector_store %arg5[%swap3A_72, %swap3A_73], %swap3A_76 {strides = array<i32>} : memref<128x128xf32, #tpu.memory_space<vmem>>, vector<1x16xf32>,
      %swap3A_77 = arith.index_cast %scan3A_52 : i32 to index
      %swap3A_78 = arith.constant 80 : index
      %swap3A_79 = tpu.vector_load %arg5[%swap3A_77, %swap3A_78] {strides = array<i32>} : memref<128x128xf32, #tpu.memory_space<vmem>>, vector<1x16xf32>,
      %swap3A_80 = vector.shape_cast %swap3A_79 : vector<1x16xf32> to vector<16xf32>
      %swap3A_81 = vector.shape_cast %broadcast_in_dim3A_0 : vector<16xf32> to vector<1x16xf32>
      tpu.vector_store %arg5[%swap3A_77, %swap3A_78], %swap3A_81 {strides = array<i32>} : memref<128x128xf32, #tpu.memory_space<vmem>>, vector<1x16xf32>,
      %swap3A_82 = arith.index_cast %scan3A_52 : i32 to index
      %swap3A_83 = arith.constant 96 : index
      %swap3A_84 = tpu.vector_load %arg5[%swap3A_82, %swap3A_83] {strides = array<i32>} : memref<128x128xf32, #tpu.memory_space<vmem>>, vector<1x16xf32>,
      %swap3A_85 = vector.shape_cast %swap3A_84 : vector<1x16xf32> to vector<16xf32>
      %swap3A_86 = vector.shape_cast %broadcast_in_dim3A_0 : vector<16xf32> to vector<1x16xf32>
      tpu.vector_store %arg5[%swap3A_82, %swap3A_83], %swap3A_86 {strides = array<i32>} : memref<128x128xf32, #tpu.memory_space<vmem>>, vector<1x16xf32>,
      %swap3A_87 = arith.index_cast %scan3A_52 : i32 to index
      %swap3A_88 = arith.constant 112 : index
      %swap3A_89 = tpu.vector_load %arg5[%swap3A_87, %swap3A_88] {strides = array<i32>} : memref<128x128xf32, #tpu.memory_space<vmem>>, vector<1x16xf32>,
      %swap3A_90 = vector.shape_cast %swap3A_89 : vector<1x16xf32> to vector<16xf32>
      %swap3A_91 = vector.shape_cast %broadcast_in_dim3A_0 : vector<16xf32> to vector<1x16xf32>
      tpu.vector_store %arg5[%swap3A_87, %swap3A_88], %swap3A_91 {strides = array<i32>} : memref<128x128xf32, #tpu.memory_space<vmem>>, vector<1x16xf32>,
    }
    %scan3A_10 = arith.constant 128 : i32
    %mul3A_11 = arith.constant 640 : i32
    %mul3A_12 = arith.muli %arg1, %mul3A_11 : i32
    %add3A_13 = arith.constant 0 : i32
    %add3A_14 = arith.addi %mul3A_12, %add3A_13 : i32
    "tpu.region"() ({
      %run_scoped3A = tpu.sem_alloc : memref<!tpu.dma_semaphore, #tpu.memory_space<semaphore_mem>>
      %dma_start3A = arith.constant 0 : i32
      %dma_start3A_52 = tpu.memref_slice %arg6[%add3A_14, %dma_start3A] : memref<10240x128xf32, #tpu.memory_space<vmem_shared>> -> memref<128x128xf32, #tpu.memory_space<vmem_shared>>
      %dma_start3A_53 = arith.constant 0 : i32
      %dma_start3A_54 = tpu.memref_slice %arg6[%add3A_14, %dma_start3A_53] : memref<10240x128xf32, #tpu.memory_space<vmem_shared>> -> memref<128x128xf32, #tpu.memory_space<vmem_shared>>
      tpu.enqueue_dma source(%arg5 : memref<128x128xf32, #tpu.memory_space<vmem>>) target(%dma_start3A_54 : memref<128x128xf32, #tpu.memory_space<vmem_shared>>) target_semaphore(%run_scoped3A : memref<!tpu.dma_semaphore, #tpu.memory_space<semaphore_mem>>)
      %dma_wait3A = arith.constant 0 : i32
      %dma_wait3A_55 = tpu.memref_slice %arg6[%add3A_14, %dma_wait3A] : memref<10240x128xf32, #tpu.memory_space<vmem_shared>> -> memref<128x128xf32, #tpu.memory_space<vmem_shared>>
      %dma_wait3A_56 = arith.constant 0 : i32
      %dma_wait3A_57 = tpu.memref_slice %arg6[%add3A_14, %dma_wait3A_56] : memref<10240x128xf32, #tpu.memory_space<vmem_shared>> -> memref<128x128xf32, #tpu.memory_space<vmem_shared>>
      tpu.wait_dma2 semaphore(%run_scoped3A : memref<!tpu.dma_semaphore, #tpu.memory_space<semaphore_mem>>) src(%arg5 : memref<128x128xf32, #tpu.memory_space<vmem>>) dst(%dma_wait3A_57 : memref<128x128xf32, #tpu.memory_space<vmem_shared>>)
      tpu.yield
    }) : () -> ()
    %mul3A_15 = arith.constant 640 : i32
    %mul3A_16 = arith.muli %arg1, %mul3A_15 : i32
    %add3A_17 = arith.constant 128 : i32
    %add3A_18 = arith.addi %mul3A_16, %add3A_17 : i32
    "tpu.region"() ({
      %run_scoped3A = tpu.sem_alloc : memref<!tpu.dma_semaphore, #tpu.memory_space<semaphore_mem>>
      %dma_start3A = arith.constant 0 : i32
      %dma_start3A_52 = tpu.memref_slice %arg6[%add3A_18, %dma_start3A] : memref<10240x128xf32, #tpu.memory_space<vmem_shared>> -> memref<128x128xf32, #tpu.memory_space<vmem_shared>>
      %dma_start3A_53 = arith.constant 0 : i32
      %dma_start3A_54 = tpu.memref_slice %arg6[%add3A_18, %dma_start3A_53] : memref<10240x128xf32, #tpu.memory_space<vmem_shared>> -> memref<128x128xf32, #tpu.memory_space<vmem_shared>>
      tpu.enqueue_dma source(%arg5 : memref<128x128xf32, #tpu.memory_space<vmem>>) target(%dma_start3A_54 : memref<128x128xf32, #tpu.memory_space<vmem_shared>>) target_semaphore(%run_scoped3A : memref<!tpu.dma_semaphore, #tpu.memory_space<semaphore_mem>>)
      %dma_wait3A = arith.constant 0 : i32
      %dma_wait3A_55 = tpu.memref_slice %arg6[%add3A_18, %dma_wait3A] : memref<10240x128xf32, #tpu.memory_space<vmem_shared>> -> memref<128x128xf32, #tpu.memory_space<vmem_shared>>
      %dma_wait3A_56 = arith.constant 0 : i32
      %dma_wait3A_57 = tpu.memref_slice %arg6[%add3A_18, %dma_wait3A_56] : memref<10240x128xf32, #tpu.memory_space<vmem_shared>> -> memref<128x128xf32, #tpu.memory_space<vmem_shared>>
      tpu.wait_dma2 semaphore(%run_scoped3A : memref<!tpu.dma_semaphore, #tpu.memory_space<semaphore_mem>>) src(%arg5 : memref<128x128xf32, #tpu.memory_space<vmem>>) dst(%dma_wait3A_57 : memref<128x128xf32, #tpu.memory_space<vmem_shared>>)
      tpu.yield
    }) : () -> ()
    %mul3A_19 = arith.constant 640 : i32
    %mul3A_20 = arith.muli %arg1, %mul3A_19 : i32
    %add3A_21 = arith.constant 256 : i32
    %add3A_22 = arith.addi %mul3A_20, %add3A_21 : i32
    "tpu.region"() ({
      %run_scoped3A = tpu.sem_alloc : memref<!tpu.dma_semaphore, #tpu.memory_space<semaphore_mem>>
      %dma_start3A = arith.constant 0 : i32
      %dma_start3A_52 = tpu.memref_slice %arg6[%add3A_22, %dma_start3A] : memref<10240x128xf32, #tpu.memory_space<vmem_shared>> -> memref<128x128xf32, #tpu.memory_space<vmem_shared>>
      %dma_start3A_53 = arith.constant 0 : i32
      %dma_start3A_54 = tpu.memref_slice %arg6[%add3A_22, %dma_start3A_53] : memref<10240x128xf32, #tpu.memory_space<vmem_shared>> -> memref<128x128xf32, #tpu.memory_space<vmem_shared>>
      tpu.enqueue_dma source(%arg5 : memref<128x128xf32, #tpu.memory_space<vmem>>) target(%dma_start3A_54 : memref<128x128xf32, #tpu.memory_space<vmem_shared>>) target_semaphore(%run_scoped3A : memref<!tpu.dma_semaphore, #tpu.memory_space<semaphore_mem>>)
      %dma_wait3A = arith.constant 0 : i32
      %dma_wait3A_55 = tpu.memref_slice %arg6[%add3A_22, %dma_wait3A] : memref<10240x128xf32, #tpu.memory_space<vmem_shared>> -> memref<128x128xf32, #tpu.memory_space<vmem_shared>>
      %dma_wait3A_56 = arith.constant 0 : i32
      %dma_wait3A_57 = tpu.memref_slice %arg6[%add3A_22, %dma_wait3A_56] : memref<10240x128xf32, #tpu.memory_space<vmem_shared>> -> memref<128x128xf32, #tpu.memory_space<vmem_shared>>
      tpu.wait_dma2 semaphore(%run_scoped3A : memref<!tpu.dma_semaphore, #tpu.memory_space<semaphore_mem>>) src(%arg5 : memref<128x128xf32, #tpu.memory_space<vmem>>) dst(%dma_wait3A_57 : memref<128x128xf32, #tpu.memory_space<vmem_shared>>)
      tpu.yield
    }) : () -> ()
    %mul3A_23 = arith.constant 640 : i32
    %mul3A_24 = arith.muli %arg1, %mul3A_23 : i32
    %add3A_25 = arith.constant 384 : i32
    %add3A_26 = arith.addi %mul3A_24, %add3A_25 : i32
    "tpu.region"() ({
      %run_scoped3A = tpu.sem_alloc : memref<!tpu.dma_semaphore, #tpu.memory_space<semaphore_mem>>
      %dma_start3A = arith.constant 0 : i32
      %dma_start3A_52 = tpu.memref_slice %arg6[%add3A_26, %dma_start3A] : memref<10240x128xf32, #tpu.memory_space<vmem_shared>> -> memref<128x128xf32, #tpu.memory_space<vmem_shared>>
      %dma_start3A_53 = arith.constant 0 : i32
      %dma_start3A_54 = tpu.memref_slice %arg6[%add3A_26, %dma_start3A_53] : memref<10240x128xf32, #tpu.memory_space<vmem_shared>> -> memref<128x128xf32, #tpu.memory_space<vmem_shared>>
      tpu.enqueue_dma source(%arg5 : memref<128x128xf32, #tpu.memory_space<vmem>>) target(%dma_start3A_54 : memref<128x128xf32, #tpu.memory_space<vmem_shared>>) target_semaphore(%run_scoped3A : memref<!tpu.dma_semaphore, #tpu.memory_space<semaphore_mem>>)
      %dma_wait3A = arith.constant 0 : i32
      %dma_wait3A_55 = tpu.memref_slice %arg6[%add3A_26, %dma_wait3A] : memref<10240x128xf32, #tpu.memory_space<vmem_shared>> -> memref<128x128xf32, #tpu.memory_space<vmem_shared>>
      %dma_wait3A_56 = arith.constant 0 : i32
      %dma_wait3A_57 = tpu.memref_slice %arg6[%add3A_26, %dma_wait3A_56] : memref<10240x128xf32, #tpu.memory_space<vmem_shared>> -> memref<128x128xf32, #tpu.memory_space<vmem_shared>>
      tpu.wait_dma2 semaphore(%run_scoped3A : memref<!tpu.dma_semaphore, #tpu.memory_space<semaphore_mem>>) src(%arg5 : memref<128x128xf32, #tpu.memory_space<vmem>>) dst(%dma_wait3A_57 : memref<128x128xf32, #tpu.memory_space<vmem_shared>>)
      tpu.yield
    }) : () -> ()
    %mul3A_27 = arith.constant 640 : i32
    %mul3A_28 = arith.muli %arg1, %mul3A_27 : i32
    %add3A_29 = arith.constant 512 : i32
    %add3A_30 = arith.addi %mul3A_28, %add3A_29 : i32
    "tpu.region"() ({
      %run_scoped3A = tpu.sem_alloc : memref<!tpu.dma_semaphore, #tpu.memory_space<semaphore_mem>>
      %dma_start3A = arith.constant 0 : i32
      %dma_start3A_52 = tpu.memref_slice %arg6[%add3A_30, %dma_start3A] : memref<10240x128xf32, #tpu.memory_space<vmem_shared>> -> memref<128x128xf32, #tpu.memory_space<vmem_shared>>
      %dma_start3A_53 = arith.constant 0 : i32
      %dma_start3A_54 = tpu.memref_slice %arg6[%add3A_30, %dma_start3A_53] : memref<10240x128xf32, #tpu.memory_space<vmem_shared>> -> memref<128x128xf32, #tpu.memory_space<vmem_shared>>
      tpu.enqueue_dma source(%arg5 : memref<128x128xf32, #tpu.memory_space<vmem>>) target(%dma_start3A_54 : memref<128x128xf32, #tpu.memory_space<vmem_shared>>) target_semaphore(%run_scoped3A : memref<!tpu.dma_semaphore, #tpu.memory_space<semaphore_mem>>)
      %dma_wait3A = arith.constant 0 : i32
      %dma_wait3A_55 = tpu.memref_slice %arg6[%add3A_30, %dma_wait3A] : memref<10240x128xf32, #tpu.memory_space<vmem_shared>> -> memref<128x128xf32, #tpu.memory_space<vmem_shared>>
      %dma_wait3A_56 = arith.constant 0 : i32
      %dma_wait3A_57 = tpu.memref_slice %arg6[%add3A_30, %dma_wait3A_56] : memref<10240x128xf32, #tpu.memory_space<vmem_shared>> -> memref<128x128xf32, #tpu.memory_space<vmem_shared>>
      tpu.wait_dma2 semaphore(%run_scoped3A : memref<!tpu.dma_semaphore, #tpu.memory_space<semaphore_mem>>) src(%arg5 : memref<128x128xf32, #tpu.memory_space<vmem>>) dst(%dma_wait3A_57 : memref<128x128xf32, #tpu.memory_space<vmem_shared>>)
      tpu.yield
    }) : () -> ()
    %scan3A_31 = arith.constant 0 : i32
    %scan3A_32 = arith.constant 0 : i32
    %scan3A_33 = arith.constant 128 : i32
    %scan3A_34 = arith.addi %scan3A_32, %scan3A_33 : i32
    %scan3A_35 = arith.constant 1 : i32
    scf.for %scan3A_52 = %scan3A_32 to %scan3A_34 step %scan3A_35  : i32 {
      %swap3A = arith.index_cast %scan3A_52 : i32 to index
      %swap3A_53 = arith.constant 0 : index
      %swap3A_54 = tpu.vector_load %arg5[%swap3A, %swap3A_53] {strides = array<i32>} : memref<128x128xf32, #tpu.memory_space<vmem>>, vector<1x16xf32>,
      %swap3A_55 = vector.shape_cast %swap3A_54 : vector<1x16xf32> to vector<16xf32>
      %swap3A_56 = vector.shape_cast %broadcast_in_dim3A_2 : vector<16xf32> to vector<1x16xf32>
      tpu.vector_store %arg5[%swap3A, %swap3A_53], %swap3A_56 {strides = array<i32>} : memref<128x128xf32, #tpu.memory_space<vmem>>, vector<1x16xf32>,
      %swap3A_57 = arith.index_cast %scan3A_52 : i32 to index
      %swap3A_58 = arith.constant 16 : index
      %swap3A_59 = tpu.vector_load %arg5[%swap3A_57, %swap3A_58] {strides = array<i32>} : memref<128x128xf32, #tpu.memory_space<vmem>>, vector<1x16xf32>,
      %swap3A_60 = vector.shape_cast %swap3A_59 : vector<1x16xf32> to vector<16xf32>
      %swap3A_61 = vector.shape_cast %broadcast_in_dim3A_2 : vector<16xf32> to vector<1x16xf32>
      tpu.vector_store %arg5[%swap3A_57, %swap3A_58], %swap3A_61 {strides = array<i32>} : memref<128x128xf32, #tpu.memory_space<vmem>>, vector<1x16xf32>,
      %swap3A_62 = arith.index_cast %scan3A_52 : i32 to index
      %swap3A_63 = arith.constant 32 : index
      %swap3A_64 = tpu.vector_load %arg5[%swap3A_62, %swap3A_63] {strides = array<i32>} : memref<128x128xf32, #tpu.memory_space<vmem>>, vector<1x16xf32>,
      %swap3A_65 = vector.shape_cast %swap3A_64 : vector<1x16xf32> to vector<16xf32>
      %swap3A_66 = vector.shape_cast %broadcast_in_dim3A_2 : vector<16xf32> to vector<1x16xf32>
      tpu.vector_store %arg5[%swap3A_62, %swap3A_63], %swap3A_66 {strides = array<i32>} : memref<128x128xf32, #tpu.memory_space<vmem>>, vector<1x16xf32>,
      %swap3A_67 = arith.index_cast %scan3A_52 : i32 to index
      %swap3A_68 = arith.constant 48 : index
      %swap3A_69 = tpu.vector_load %arg5[%swap3A_67, %swap3A_68] {strides = array<i32>} : memref<128x128xf32, #tpu.memory_space<vmem>>, vector<1x16xf32>,
      %swap3A_70 = vector.shape_cast %swap3A_69 : vector<1x16xf32> to vector<16xf32>
      %swap3A_71 = vector.shape_cast %broadcast_in_dim3A_2 : vector<16xf32> to vector<1x16xf32>
      tpu.vector_store %arg5[%swap3A_67, %swap3A_68], %swap3A_71 {strides = array<i32>} : memref<128x128xf32, #tpu.memory_space<vmem>>, vector<1x16xf32>,
      %swap3A_72 = arith.index_cast %scan3A_52 : i32 to index
      %swap3A_73 = arith.constant 64 : index
      %swap3A_74 = tpu.vector_load %arg5[%swap3A_72, %swap3A_73] {strides = array<i32>} : memref<128x128xf32, #tpu.memory_space<vmem>>, vector<1x16xf32>,
      %swap3A_75 = vector.shape_cast %swap3A_74 : vector<1x16xf32> to vector<16xf32>
      %swap3A_76 = vector.shape_cast %broadcast_in_dim3A_2 : vector<16xf32> to vector<1x16xf32>
      tpu.vector_store %arg5[%swap3A_72, %swap3A_73], %swap3A_76 {strides = array<i32>} : memref<128x128xf32, #tpu.memory_space<vmem>>, vector<1x16xf32>,
      %swap3A_77 = arith.index_cast %scan3A_52 : i32 to index
      %swap3A_78 = arith.constant 80 : index
      %swap3A_79 = tpu.vector_load %arg5[%swap3A_77, %swap3A_78] {strides = array<i32>} : memref<128x128xf32, #tpu.memory_space<vmem>>, vector<1x16xf32>,
      %swap3A_80 = vector.shape_cast %swap3A_79 : vector<1x16xf32> to vector<16xf32>
      %swap3A_81 = vector.shape_cast %broadcast_in_dim3A_2 : vector<16xf32> to vector<1x16xf32>
      tpu.vector_store %arg5[%swap3A_77, %swap3A_78], %swap3A_81 {strides = array<i32>} : memref<128x128xf32, #tpu.memory_space<vmem>>, vector<1x16xf32>,
      %swap3A_82 = arith.index_cast %scan3A_52 : i32 to index
      %swap3A_83 = arith.constant 96 : index
      %swap3A_84 = tpu.vector_load %arg5[%swap3A_82, %swap3A_83] {strides = array<i32>} : memref<128x128xf32, #tpu.memory_space<vmem>>, vector<1x16xf32>,
      %swap3A_85 = vector.shape_cast %swap3A_84 : vector<1x16xf32> to vector<16xf32>
      %swap3A_86 = vector.shape_cast %broadcast_in_dim3A_2 : vector<16xf32> to vector<1x16xf32>
      tpu.vector_store %arg5[%swap3A_82, %swap3A_83], %swap3A_86 {strides = array<i32>} : memref<128x128xf32, #tpu.memory_space<vmem>>, vector<1x16xf32>,
      %swap3A_87 = arith.index_cast %scan3A_52 : i32 to index
      %swap3A_88 = arith.constant 112 : index
      %swap3A_89 = tpu.vector_load %arg5[%swap3A_87, %swap3A_88] {strides = array<i32>} : memref<128x128xf32, #tpu.memory_space<vmem>>, vector<1x16xf32>,
      %swap3A_90 = vector.shape_cast %swap3A_89 : vector<1x16xf32> to vector<16xf32>
      %swap3A_91 = vector.shape_cast %broadcast_in_dim3A_2 : vector<16xf32> to vector<1x16xf32>
      tpu.vector_store %arg5[%swap3A_87, %swap3A_88], %swap3A_91 {strides = array<i32>} : memref<128x128xf32, #tpu.memory_space<vmem>>, vector<1x16xf32>,
    }
    %scan3A_36 = arith.constant 128 : i32
    %barrier3A = arith.constant 0 : index
    tpu.barrier barrier_id(%barrier3A)
    %scan3A_37 = arith.constant 0 : i32
    %scan3A_38 = arith.constant 0 : i32
    %scan3A_39 = arith.constant 20 : i32
    %scan3A_40 = arith.addi %scan3A_38, %scan3A_39 : i32
    %scan3A_41 = arith.constant 1 : i32
    scf.for %scan3A_52 = %scan3A_38 to %scan3A_40 step %scan3A_41  : i32 {
      %mul3A_53 = arith.constant 4 : i32
      %mul3A_54 = arith.muli %scan3A_52, %mul3A_53 : i32
      %add3A_55 = arith.constant 0 : i32
      %add3A_56 = arith.addi %mul3A_54, %add3A_55 : i32
      %dma_start3A = arith.constant 0 : i32
      %dma_start3A_57 = tpu.memref_slice %arg4[%add3A_56, %dma_start3A] : memref<80x128xi32, #tpu.memory_space<vmem>> -> memref<1x128xi32, #tpu.memory_space<vmem>>
      %dma_start3A_58 = tpu.memref_squeeze %dma_start3A_57 : memref<1x128xi32, #tpu.memory_space<vmem>> -> memref<128xi32, #tpu.memory_space<vmem>>
      %dma_start3A_59 = arith.constant 0 : i32
      %dma_start3A_60 = arith.constant 0 : i32
      %dma_start3A_61 = tpu.memref_slice %arg6[%dma_start3A_59, %dma_start3A_60] : memref<10240x128xf32, #tpu.memory_space<vmem_shared>> -> memref<10240x128xf32, #tpu.memory_space<vmem_shared>>
      tpu.enqueue_indirect_dma source(%arg5 : memref<128x128xf32, #tpu.memory_space<vmem>>) target(%dma_start3A_61 : memref<10240x128xf32, #tpu.memory_space<vmem_shared>>) offsets(%dma_start3A_58 : memref<128xi32, #tpu.memory_space<vmem>>) semaphore(%arg7 : memref<!tpu.dma_semaphore, #tpu.memory_space<semaphore_mem>>) {add = true}
      %add3A_62 = arith.constant 1 : i32
      %add3A_63 = arith.addi %mul3A_54, %add3A_62 : i32
      %dma_start3A_64 = arith.constant 0 : i32
      %dma_start3A_65 = tpu.memref_slice %arg4[%add3A_63, %dma_start3A_64] : memref<80x128xi32, #tpu.memory_space<vmem>> -> memref<1x128xi32, #tpu.memory_space<vmem>>
      %dma_start3A_66 = tpu.memref_squeeze %dma_start3A_65 : memref<1x128xi32, #tpu.memory_space<vmem>> -> memref<128xi32, #tpu.memory_space<vmem>>
      %dma_start3A_67 = arith.constant 0 : i32
      %dma_start3A_68 = arith.constant 0 : i32
      %dma_start3A_69 = tpu.memref_slice %arg6[%dma_start3A_67, %dma_start3A_68] : memref<10240x128xf32, #tpu.memory_space<vmem_shared>> -> memref<10240x128xf32, #tpu.memory_space<vmem_shared>>
      tpu.enqueue_indirect_dma source(%arg5 : memref<128x128xf32, #tpu.memory_space<vmem>>) target(%dma_start3A_69 : memref<10240x128xf32, #tpu.memory_space<vmem_shared>>) offsets(%dma_start3A_66 : memref<128xi32, #tpu.memory_space<vmem>>) semaphore(%arg7 : memref<!tpu.dma_semaphore, #tpu.memory_space<semaphore_mem>>) {add = true}
      %add3A_70 = arith.constant 2 : i32
      %add3A_71 = arith.addi %mul3A_54, %add3A_70 : i32
      %dma_start3A_72 = arith.constant 0 : i32
      %dma_start3A_73 = tpu.memref_slice %arg4[%add3A_71, %dma_start3A_72] : memref<80x128xi32, #tpu.memory_space<vmem>> -> memref<1x128xi32, #tpu.memory_space<vmem>>
      %dma_start3A_74 = tpu.memref_squeeze %dma_start3A_73 : memref<1x128xi32, #tpu.memory_space<vmem>> -> memref<128xi32, #tpu.memory_space<vmem>>
      %dma_start3A_75 = arith.constant 0 : i32
      %dma_start3A_76 = arith.constant 0 : i32
      %dma_start3A_77 = tpu.memref_slice %arg6[%dma_start3A_75, %dma_start3A_76] : memref<10240x128xf32, #tpu.memory_space<vmem_shared>> -> memref<10240x128xf32, #tpu.memory_space<vmem_shared>>
      tpu.enqueue_indirect_dma source(%arg5 : memref<128x128xf32, #tpu.memory_space<vmem>>) target(%dma_start3A_77 : memref<10240x128xf32, #tpu.memory_space<vmem_shared>>) offsets(%dma_start3A_74 : memref<128xi32, #tpu.memory_space<vmem>>) semaphore(%arg7 : memref<!tpu.dma_semaphore, #tpu.memory_space<semaphore_mem>>) {add = true}
      %add3A_78 = arith.constant 3 : i32
      %add3A_79 = arith.addi %mul3A_54, %add3A_78 : i32
      %dma_start3A_80 = arith.constant 0 : i32
      %dma_start3A_81 = tpu.memref_slice %arg4[%add3A_79, %dma_start3A_80] : memref<80x128xi32, #tpu.memory_space<vmem>> -> memref<1x128xi32, #tpu.memory_space<vmem>>
      %dma_start3A_82 = tpu.memref_squeeze %dma_start3A_81 : memref<1x128xi32, #tpu.memory_space<vmem>> -> memref<128xi32, #tpu.memory_space<vmem>>
      %dma_start3A_83 = arith.constant 0 : i32
      %dma_start3A_84 = arith.constant 0 : i32
      %dma_start3A_85 = tpu.memref_slice %arg6[%dma_start3A_83, %dma_start3A_84] : memref<10240x128xf32, #tpu.memory_space<vmem_shared>> -> memref<10240x128xf32, #tpu.memory_space<vmem_shared>>
      tpu.enqueue_indirect_dma source(%arg5 : memref<128x128xf32, #tpu.memory_space<vmem>>) target(%dma_start3A_85 : memref<10240x128xf32, #tpu.memory_space<vmem_shared>>) offsets(%dma_start3A_82 : memref<128xi32, #tpu.memory_space<vmem>>) semaphore(%arg7 : memref<!tpu.dma_semaphore, #tpu.memory_space<semaphore_mem>>) {add = true}
      %dma_wait3A = arith.constant 0 : i32
      %dma_wait3A_86 = arith.constant 0 : i32
      %dma_wait3A_87 = tpu.memref_slice %arg6[%dma_wait3A, %dma_wait3A_86] : memref<10240x128xf32, #tpu.memory_space<vmem_shared>> -> memref<128x128xf32, #tpu.memory_space<vmem_shared>>
      %dma_wait3A_88 = arith.constant 0 : i32
      %dma_wait3A_89 = arith.constant 0 : i32
      %dma_wait3A_90 = tpu.memref_slice %arg6[%dma_wait3A_88, %dma_wait3A_89] : memref<10240x128xf32, #tpu.memory_space<vmem_shared>> -> memref<128x128xf32, #tpu.memory_space<vmem_shared>>
      tpu.wait_dma2 semaphore(%arg7 : memref<!tpu.dma_semaphore, #tpu.memory_space<semaphore_mem>>) src(%arg5 : memref<128x128xf32, #tpu.memory_space<vmem>>) dst(%dma_wait3A_90 : memref<128x128xf32, #tpu.memory_space<vmem_shared>>)
      %dma_wait3A_91 = arith.constant 0 : i32
      %dma_wait3A_92 = arith.constant 0 : i32
      %dma_wait3A_93 = tpu.memref_slice %arg6[%dma_wait3A_91, %dma_wait3A_92] : memref<10240x128xf32, #tpu.memory_space<vmem_shared>> -> memref<128x128xf32, #tpu.memory_space<vmem_shared>>
      %dma_wait3A_94 = arith.constant 0 : i32
      %dma_wait3A_95 = arith.constant 0 : i32
      %dma_wait3A_96 = tpu.memref_slice %arg6[%dma_wait3A_94, %dma_wait3A_95] : memref<10240x128xf32, #tpu.memory_space<vmem_shared>> -> memref<128x128xf32, #tpu.memory_space<vmem_shared>>
      tpu.wait_dma2 semaphore(%arg7 : memref<!tpu.dma_semaphore, #tpu.memory_space<semaphore_mem>>) src(%arg5 : memref<128x128xf32, #tpu.memory_space<vmem>>) dst(%dma_wait3A_96 : memref<128x128xf32, #tpu.memory_space<vmem_shared>>)
      %dma_wait3A_97 = arith.constant 0 : i32
      %dma_wait3A_98 = arith.constant 0 : i32
      %dma_wait3A_99 = tpu.memref_slice %arg6[%dma_wait3A_97, %dma_wait3A_98] : memref<10240x128xf32, #tpu.memory_space<vmem_shared>> -> memref<128x128xf32, #tpu.memory_space<vmem_shared>>
      %dma_wait3A_100 = arith.constant 0 : i32
      %dma_wait3A_101 = arith.constant 0 : i32
      %dma_wait3A_102 = tpu.memref_slice %arg6[%dma_wait3A_100, %dma_wait3A_101] : memref<10240x128xf32, #tpu.memory_space<vmem_shared>> -> memref<128x128xf32, #tpu.memory_space<vmem_shared>>
      tpu.wait_dma2 semaphore(%arg7 : memref<!tpu.dma_semaphore, #tpu.memory_space<semaphore_mem>>) src(%arg5 : memref<128x128xf32, #tpu.memory_space<vmem>>) dst(%dma_wait3A_102 : memref<128x128xf32, #tpu.memory_space<vmem_shared>>)
      %dma_wait3A_103 = arith.constant 0 : i32
      %dma_wait3A_104 = arith.constant 0 : i32
      %dma_wait3A_105 = tpu.memref_slice %arg6[%dma_wait3A_103, %dma_wait3A_104] : memref<10240x128xf32, #tpu.memory_space<vmem_shared>> -> memref<128x128xf32, #tpu.memory_space<vmem_shared>>
      %dma_wait3A_106 = arith.constant 0 : i32
      %dma_wait3A_107 = arith.constant 0 : i32
      %dma_wait3A_108 = tpu.memref_slice %arg6[%dma_wait3A_106, %dma_wait3A_107] : memref<10240x128xf32, #tpu.memory_space<vmem_shared>> -> memref<128x128xf32, #tpu.memory_space<vmem_shared>>
      tpu.wait_dma2 semaphore(%arg7 : memref<!tpu.dma_semaphore, #tpu.memory_space<semaphore_mem>>) src(%arg5 : memref<128x128xf32, #tpu.memory_space<vmem>>) dst(%dma_wait3A_108 : memref<128x128xf32, #tpu.memory_space<vmem_shared>>)
    }
    %scan3A_42 = arith.constant 20 : i32
    %barrier3A_43 = arith.constant 0 : index
    tpu.barrier barrier_id(%barrier3A_43)
    %mul3A_44 = arith.constant 10240 : i32
    %mul3A_45 = arith.muli %arg0, %mul3A_44 : i32
    %mul3A_46 = arith.constant 640 : i32
    %mul3A_47 = arith.muli %arg1, %mul3A_46 : i32
    %add3A_48 = arith.addi %mul3A_45, %mul3A_47 : i32
    %multiple_of3A_49 = tpu.assume_multiple %add3A_48, 640 : i32
    %mul3A_50 = arith.constant 640 : i32
    %mul3A_51 = arith.muli %arg1, %mul3A_50 : i32
    "tpu.region"() ({
      %run_scoped3A = tpu.sem_alloc : memref<!tpu.dma_semaphore, #tpu.memory_space<semaphore_mem>>
      %dma_start3A = arith.constant 0 : i32
      %dma_start3A_52 = tpu.memref_slice %arg3[%multiple_of3A_49, %dma_start3A] : memref<20480x128xf32, #tpu.memory_space<hbm>> -> memref<640x128xf32, #tpu.memory_space<hbm>>
      %dma_start3A_53 = arith.constant 0 : i32
      %dma_start3A_54 = tpu.memref_slice %arg6[%mul3A_51, %dma_start3A_53] : memref<10240x128xf32, #tpu.memory_space<vmem_shared>> -> memref<640x128xf32, #tpu.memory_space<vmem_shared>>
      tpu.enqueue_dma source(%dma_start3A_54 : memref<640x128xf32, #tpu.memory_space<vmem_shared>>) target(%dma_start3A_52 : memref<640x128xf32, #tpu.memory_space<hbm>>) target_semaphore(%run_scoped3A : memref<!tpu.dma_semaphore, #tpu.memory_space<semaphore_mem>>)
      %dma_wait3A = arith.constant 0 : i32
      %dma_wait3A_55 = tpu.memref_slice %arg3[%multiple_of3A_49, %dma_wait3A] : memref<20480x128xf32, #tpu.memory_space<hbm>> -> memref<640x128xf32, #tpu.memory_space<hbm>>
      %dma_wait3A_56 = arith.constant 0 : i32
      %dma_wait3A_57 = tpu.memref_slice %arg6[%mul3A_51, %dma_wait3A_56] : memref<10240x128xf32, #tpu.memory_space<vmem_shared>> -> memref<640x128xf32, #tpu.memory_space<vmem_shared>>
      tpu.wait_dma2 semaphore(%run_scoped3A : memref<!tpu.dma_semaphore, #tpu.memory_space<semaphore_mem>>) src(%dma_wait3A_57 : memref<640x128xf32, #tpu.memory_space<vmem_shared>>) dst(%dma_wait3A_55 : memref<640x128xf32, #tpu.memory_space<hbm>>)
      tpu.yield
    }) : () -> ()
    return
  }
}

module attributes {stable_mosaic.version = 14 : i64} {
  func.func @_combine_body(%arg0: i32, %arg1: memref<2x1000x128xf32, #tpu.memory_space<vmem>>, %arg2: memref<2x1000x128xf32, #tpu.memory_space<vmem>>, %arg3: memref<1000x128xf32, #tpu.memory_space<vmem>>, %arg4: memref<128x128xf32, #tpu.memory_space<vmem>>, %arg5: memref<128x128xf32, #tpu.memory_space<vmem>>, %arg6: memref<1x128xf32, #tpu.memory_space<vmem>>, %arg7: memref<1000x128xf32, #tpu.memory_space<vmem>>) attributes {dimension_semantics = [#tpu.dimension_semantics<arbitrary>], iteration_bounds = array<i64: 10>, scalar_prefetch = 0 : i64, scratch_operands = 0 : i64, tpu.core_type = #tpu.core_type<tc>, window_params = [{transform_indices = @transform_0, window_bounds = array<i64: 2, 1000, 128>}, {transform_indices = @transform_1, window_bounds = array<i64: 2, 1000, 128>}, {transform_indices = @transform_2, window_bounds = array<i64: 1000, 128>}, {pipeline_mode = #tpu.pipeline_mode<synchronous>, transform_indices = @transform_3, window_bounds = array<i64: 128, 128>}, {pipeline_mode = #tpu.pipeline_mode<synchronous>, transform_indices = @transform_4, window_bounds = array<i64: 128, 128>}, {pipeline_mode = #tpu.pipeline_mode<synchronous>, transform_indices = @transform_5, window_bounds = array<i64: 1, 128>}, {transform_indices = @transform_6, window_bounds = array<i64: 1000, 128>}]} {
    %get3A = arith.constant 0 : index
    %get3A_0 = arith.constant 0 : index
    %get3A_1 = arith.constant 0 : index
    %get3A_2 = vector.load %arg2[%get3A, %get3A_0, %get3A_1] : memref<2x1000x128xf32, #tpu.memory_space<vmem>>, vector<1x1000x1xf32>
    %get3A_3 = vector.shape_cast %get3A_2 : vector<1x1000x1xf32> to vector<1000x1xf32>
    %get3A_4 = arith.constant 1 : index
    %get3A_5 = arith.constant 0 : index
    %get3A_6 = arith.constant 0 : index
    %get3A_7 = vector.load %arg2[%get3A_4, %get3A_5, %get3A_6] : memref<2x1000x128xf32, #tpu.memory_space<vmem>>, vector<1x1000x1xf32>
    %get3A_8 = vector.shape_cast %get3A_7 : vector<1x1000x1xf32> to vector<1000x1xf32>
    %add3A = arith.addf %get3A_3, %get3A_8 : vector<1000x1xf32>
    %max3A = arith.constant 1.000000e+00 : f32
    %max3A_9 = vector.broadcast %max3A : f32 to vector<1000x1xf32>
    %max3A_10 = arith.maximumf %add3A, %max3A_9 : vector<1000x1xf32>
    %div3A = arith.constant 1.000000e+00 : f32
    %div3A_11 = vector.broadcast %div3A : f32 to vector<1000x1xf32>
    %div3A_12 = arith.divf %div3A_11, %max3A_10 : vector<1000x1xf32>
    %get3A_13 = arith.constant 0 : index
    %get3A_14 = arith.constant 0 : index
    %get3A_15 = arith.constant 0 : index
    %get3A_16 = vector.load %arg1[%get3A_13, %get3A_14, %get3A_15] : memref<2x1000x128xf32, #tpu.memory_space<vmem>>, vector<1x1000x128xf32>
    %get3A_17 = vector.shape_cast %get3A_16 : vector<1x1000x128xf32> to vector<1000x128xf32>
    %get3A_18 = arith.constant 1 : index
    %get3A_19 = arith.constant 0 : index
    %get3A_20 = arith.constant 0 : index
    %get3A_21 = vector.load %arg1[%get3A_18, %get3A_19, %get3A_20] : memref<2x1000x128xf32, #tpu.memory_space<vmem>>, vector<1x1000x128xf32>
    %get3A_22 = vector.shape_cast %get3A_21 : vector<1x1000x128xf32> to vector<1000x128xf32>
    %add3A_23 = arith.addf %get3A_17, %get3A_22 : vector<1000x128xf32>
    %mul3A = vector.broadcast %div3A_12 : vector<1000x1xf32> to vector<1000x128xf32>
    %mul3A_24 = arith.mulf %add3A_23, %mul3A : vector<1000x128xf32>
    %get3A_25 = arith.constant 0 : index
    %get3A_26 = arith.constant 0 : index
    %get3A_27 = vector.load %arg4[%get3A_25, %get3A_26] : memref<128x128xf32, #tpu.memory_space<vmem>>, vector<128x128xf32>
    %dot_general3A = arith.constant dense<0.000000e+00> : vector<1000x128xf32>
    %dot_general3A_28 = tpu.matmul %mul3A_24, %get3A_27, %dot_general3A {dimension_numbers = #tpu.dot_dimension_numbers<[1], [0], [0], [1], [0, 0, 1, 1], [], []>, transpose_lhs_hint = false} : vector<1000x128xf32>, vector<128x128xf32>, vector<1000x128xf32> -> vector<1000x128xf32>
    %get3A_29 = arith.constant 0 : index
    %get3A_30 = arith.constant 0 : index
    %get3A_31 = vector.load %arg6[%get3A_29, %get3A_30] : memref<1x128xf32, #tpu.memory_space<vmem>>, vector<1x128xf32>
    %add3A_32 = vector.broadcast %get3A_31 : vector<1x128xf32> to vector<1000x128xf32>
    %add3A_33 = arith.addf %dot_general3A_28, %add3A_32 : vector<1000x128xf32>
    %get3A_34 = arith.constant 0 : index
    %get3A_35 = arith.constant 0 : index
    %get3A_36 = vector.load %arg3[%get3A_34, %get3A_35] : memref<1000x128xf32, #tpu.memory_space<vmem>>, vector<1000x128xf32>
    %get3A_37 = arith.constant 0 : index
    %get3A_38 = arith.constant 0 : index
    %get3A_39 = vector.load %arg5[%get3A_37, %get3A_38] : memref<128x128xf32, #tpu.memory_space<vmem>>, vector<128x128xf32>
    %dot_general3A_40 = arith.constant dense<0.000000e+00> : vector<1000x128xf32>
    %dot_general3A_41 = tpu.matmul %get3A_36, %get3A_39, %dot_general3A_40 {dimension_numbers = #tpu.dot_dimension_numbers<[1], [0], [0], [1], [0, 0, 1, 1], [], []>, transpose_lhs_hint = false} : vector<1000x128xf32>, vector<128x128xf32>, vector<1000x128xf32> -> vector<1000x128xf32>
    %add3A_42 = arith.addf %add3A_33, %dot_general3A_41 : vector<1000x128xf32>
    %max3A_43 = arith.constant 0.000000e+00 : f32
    %max3A_44 = vector.broadcast %max3A_43 : f32 to vector<1000x128xf32>
    %max3A_45 = arith.maximumf %add3A_42, %max3A_44 : vector<1000x128xf32>
    %swap3A = arith.constant 0 : index
    %swap3A_46 = arith.constant 0 : index
    %swap3A_47 = vector.load %arg7[%swap3A, %swap3A_46] : memref<1000x128xf32, #tpu.memory_space<vmem>>, vector<1000x128xf32>
    tpu.vector_store %arg7[%swap3A, %swap3A_46], %max3A_45 {strides = array<i32>} : memref<1000x128xf32, #tpu.memory_space<vmem>>, vector<1000x128xf32>,
    return
  }
  func.func @transform_0(%arg0: i32) -> (i32, i32, i32) {
    %c0_i32 = arith.constant 0 : i32
    %c0_i32_0 = arith.constant 0 : i32
    %c0_i32_1 = arith.constant 0 : i32
    return %c0_i32, %arg0, %c0_i32_0 : i32, i32, i32
  }
  func.func @transform_1(%arg0: i32) -> (i32, i32, i32) {
    %c0_i32 = arith.constant 0 : i32
    %c0_i32_0 = arith.constant 0 : i32
    %c0_i32_1 = arith.constant 0 : i32
    return %c0_i32, %arg0, %c0_i32_0 : i32, i32, i32
  }
  func.func @transform_2(%arg0: i32) -> (i32, i32) {
    %c0_i32 = arith.constant 0 : i32
    %c0_i32_0 = arith.constant 0 : i32
    return %arg0, %c0_i32 : i32, i32
  }
  func.func @transform_3(%arg0: i32) -> (i32, i32) {
    %c0_i32 = arith.constant 0 : i32
    %c0_i32_0 = arith.constant 0 : i32
    %c0_i32_1 = arith.constant 0 : i32
    return %c0_i32, %c0_i32_0 : i32, i32
  }
  func.func @transform_4(%arg0: i32) -> (i32, i32) {
    %c0_i32 = arith.constant 0 : i32
    %c0_i32_0 = arith.constant 0 : i32
    %c0_i32_1 = arith.constant 0 : i32
    return %c0_i32, %c0_i32_0 : i32, i32
  }
  func.func @transform_5(%arg0: i32) -> (i32, i32) {
    %c0_i32 = arith.constant 0 : i32
    %c0_i32_0 = arith.constant 0 : i32
    %c0_i32_1 = arith.constant 0 : i32
    return %c0_i32, %c0_i32_0 : i32, i32
  }
  func.func @transform_6(%arg0: i32) -> (i32, i32) {
    %c0_i32 = arith.constant 0 : i32
    %c0_i32_0 = arith.constant 0 : i32
    return %arg0, %c0_i32 : i32, i32
  }
}

module attributes {stable_mosaic.version = 14 : i64} {
  func.func @_combine_body(%arg0: i32, %arg1: memref<2x1000x128xf32, #tpu.memory_space<vmem>>, %arg2: memref<2x1000x128xf32, #tpu.memory_space<vmem>>, %arg3: memref<1000x128xf32, #tpu.memory_space<vmem>>, %arg4: memref<128x128xf32, #tpu.memory_space<vmem>>, %arg5: memref<128x128xf32, #tpu.memory_space<vmem>>, %arg6: memref<1x128xf32, #tpu.memory_space<vmem>>, %arg7: memref<1000x128xf32, #tpu.memory_space<vmem>>) attributes {dimension_semantics = [#tpu.dimension_semantics<arbitrary>], iteration_bounds = array<i64: 10>, scalar_prefetch = 0 : i64, scratch_operands = 0 : i64, tpu.core_type = #tpu.core_type<tc>, window_params = [{transform_indices = @transform_0, window_bounds = array<i64: 2, 1000, 128>}, {transform_indices = @transform_1, window_bounds = array<i64: 2, 1000, 128>}, {transform_indices = @transform_2, window_bounds = array<i64: 1000, 128>}, {pipeline_mode = #tpu.pipeline_mode<synchronous>, transform_indices = @transform_3, window_bounds = array<i64: 128, 128>}, {pipeline_mode = #tpu.pipeline_mode<synchronous>, transform_indices = @transform_4, window_bounds = array<i64: 128, 128>}, {pipeline_mode = #tpu.pipeline_mode<synchronous>, transform_indices = @transform_5, window_bounds = array<i64: 1, 128>}, {transform_indices = @transform_6, window_bounds = array<i64: 1000, 128>}]} {
    %get3A = arith.constant 0 : index
    %get3A_0 = arith.constant 0 : index
    %get3A_1 = arith.constant 0 : index
    %get3A_2 = vector.load %arg2[%get3A, %get3A_0, %get3A_1] : memref<2x1000x128xf32, #tpu.memory_space<vmem>>, vector<1x1000x1xf32>
    %get3A_3 = vector.shape_cast %get3A_2 : vector<1x1000x1xf32> to vector<1000x1xf32>
    %get3A_4 = arith.constant 1 : index
    %get3A_5 = arith.constant 0 : index
    %get3A_6 = arith.constant 0 : index
    %get3A_7 = vector.load %arg2[%get3A_4, %get3A_5, %get3A_6] : memref<2x1000x128xf32, #tpu.memory_space<vmem>>, vector<1x1000x1xf32>
    %get3A_8 = vector.shape_cast %get3A_7 : vector<1x1000x1xf32> to vector<1000x1xf32>
    %add3A = arith.addf %get3A_3, %get3A_8 : vector<1000x1xf32>
    %max3A = arith.constant 1.000000e+00 : f32
    %max3A_9 = vector.broadcast %max3A : f32 to vector<1000x1xf32>
    %max3A_10 = arith.maximumf %add3A, %max3A_9 : vector<1000x1xf32>
    %div3A = arith.constant 1.000000e+00 : f32
    %div3A_11 = vector.broadcast %div3A : f32 to vector<1000x1xf32>
    %div3A_12 = arith.divf %div3A_11, %max3A_10 : vector<1000x1xf32>
    %get3A_13 = arith.constant 0 : index
    %get3A_14 = arith.constant 0 : index
    %get3A_15 = arith.constant 0 : index
    %get3A_16 = vector.load %arg1[%get3A_13, %get3A_14, %get3A_15] : memref<2x1000x128xf32, #tpu.memory_space<vmem>>, vector<1x1000x128xf32>
    %get3A_17 = vector.shape_cast %get3A_16 : vector<1x1000x128xf32> to vector<1000x128xf32>
    %get3A_18 = arith.constant 1 : index
    %get3A_19 = arith.constant 0 : index
    %get3A_20 = arith.constant 0 : index
    %get3A_21 = vector.load %arg1[%get3A_18, %get3A_19, %get3A_20] : memref<2x1000x128xf32, #tpu.memory_space<vmem>>, vector<1x1000x128xf32>
    %get3A_22 = vector.shape_cast %get3A_21 : vector<1x1000x128xf32> to vector<1000x128xf32>
    %add3A_23 = arith.addf %get3A_17, %get3A_22 : vector<1000x128xf32>
    %mul3A = vector.broadcast %div3A_12 : vector<1000x1xf32> to vector<1000x128xf32>
    %mul3A_24 = arith.mulf %add3A_23, %mul3A : vector<1000x128xf32>
    %get3A_25 = arith.constant 0 : index
    %get3A_26 = arith.constant 0 : index
    %get3A_27 = vector.load %arg4[%get3A_25, %get3A_26] : memref<128x128xf32, #tpu.memory_space<vmem>>, vector<128x128xf32>
    %dot_general3A = arith.constant dense<0.000000e+00> : vector<1000x128xf32>
    %dot_general3A_28 = tpu.matmul %mul3A_24, %get3A_27, %dot_general3A {dimension_numbers = #tpu.dot_dimension_numbers<[1], [0], [0], [1], [0, 0, 1, 1], [], []>, transpose_lhs_hint = false} : vector<1000x128xf32>, vector<128x128xf32>, vector<1000x128xf32> -> vector<1000x128xf32>
    %get3A_29 = arith.constant 0 : index
    %get3A_30 = arith.constant 0 : index
    %get3A_31 = vector.load %arg6[%get3A_29, %get3A_30] : memref<1x128xf32, #tpu.memory_space<vmem>>, vector<1x128xf32>
    %add3A_32 = vector.broadcast %get3A_31 : vector<1x128xf32> to vector<1000x128xf32>
    %add3A_33 = arith.addf %dot_general3A_28, %add3A_32 : vector<1000x128xf32>
    %get3A_34 = arith.constant 0 : index
    %get3A_35 = arith.constant 0 : index
    %get3A_36 = vector.load %arg3[%get3A_34, %get3A_35] : memref<1000x128xf32, #tpu.memory_space<vmem>>, vector<1000x128xf32>
    %get3A_37 = arith.constant 0 : index
    %get3A_38 = arith.constant 0 : index
    %get3A_39 = vector.load %arg5[%get3A_37, %get3A_38] : memref<128x128xf32, #tpu.memory_space<vmem>>, vector<128x128xf32>
    %dot_general3A_40 = arith.constant dense<0.000000e+00> : vector<1000x128xf32>
    %dot_general3A_41 = tpu.matmul %get3A_36, %get3A_39, %dot_general3A_40 {dimension_numbers = #tpu.dot_dimension_numbers<[1], [0], [0], [1], [0, 0, 1, 1], [], []>, transpose_lhs_hint = false} : vector<1000x128xf32>, vector<128x128xf32>, vector<1000x128xf32> -> vector<1000x128xf32>
    %add3A_42 = arith.addf %add3A_33, %dot_general3A_41 : vector<1000x128xf32>
    %swap3A = arith.constant 0 : index
    %swap3A_43 = arith.constant 0 : index
    %swap3A_44 = vector.load %arg7[%swap3A, %swap3A_43] : memref<1000x128xf32, #tpu.memory_space<vmem>>, vector<1000x128xf32>
    tpu.vector_store %arg7[%swap3A, %swap3A_43], %add3A_42 {strides = array<i32>} : memref<1000x128xf32, #tpu.memory_space<vmem>>, vector<1000x128xf32>,
    return
  }
  func.func @transform_0(%arg0: i32) -> (i32, i32, i32) {
    %c0_i32 = arith.constant 0 : i32
    %c0_i32_0 = arith.constant 0 : i32
    %c0_i32_1 = arith.constant 0 : i32
    return %c0_i32, %arg0, %c0_i32_0 : i32, i32, i32
  }
  func.func @transform_1(%arg0: i32) -> (i32, i32, i32) {
    %c0_i32 = arith.constant 0 : i32
    %c0_i32_0 = arith.constant 0 : i32
    %c0_i32_1 = arith.constant 0 : i32
    return %c0_i32, %arg0, %c0_i32_0 : i32, i32, i32
  }
  func.func @transform_2(%arg0: i32) -> (i32, i32) {
    %c0_i32 = arith.constant 0 : i32
    %c0_i32_0 = arith.constant 0 : i32
    return %arg0, %c0_i32 : i32, i32
  }
  func.func @transform_3(%arg0: i32) -> (i32, i32) {
    %c0_i32 = arith.constant 0 : i32
    %c0_i32_0 = arith.constant 0 : i32
    %c0_i32_1 = arith.constant 0 : i32
    return %c0_i32, %c0_i32_0 : i32, i32
  }
  func.func @transform_4(%arg0: i32) -> (i32, i32) {
    %c0_i32 = arith.constant 0 : i32
    %c0_i32_0 = arith.constant 0 : i32
    %c0_i32_1 = arith.constant 0 : i32
    return %c0_i32, %c0_i32_0 : i32, i32
  }
  func.func @transform_5(%arg0: i32) -> (i32, i32) {
    %c0_i32 = arith.constant 0 : i32
    %c0_i32_0 = arith.constant 0 : i32
    %c0_i32_1 = arith.constant 0 : i32
    return %c0_i32, %c0_i32_0 : i32, i32
  }
  func.func @transform_6(%arg0: i32) -> (i32, i32) {
    %c0_i32 = arith.constant 0 : i32
    %c0_i32_0 = arith.constant 0 : i32
    return %arg0, %c0_i32 : i32, i32
  }
}

</mosaic_0001>

<sc_bundles>
// kernel: kernel.10.cloned.1.call-start
scs
__scs_entry_jumppad:
0x0: {  	(pc) =	sbr.rel $0x88, $3  }
0x1: {  	(tag) =	ssettag $0x0;
	lr =	simm.s32 $0x1  }
0x2: {  	[smem:$0x3F99] =	sst lr;
	_ =	strace $0xD0000000  }
0x3: {  	_ = 	snop  }
0x4: {  	_ = 	snop  }
0x5: {  	_ = 	snop  }
0x6: {  	_ = 	snop  }
0x7: {  	_ = 	snop  }
__scs_overlays_trampoline_lowered:
0x8: {  	[smem:$0x3FA8] =	sst s0  }
0x9: {  	[smem:$0x3FA9] =	sst s1  }
0xa: {  	[smem:$0x3FAA] =	sst s2  }
0xb: {  	[smem:$0x3FAB] =	sst s3  }
0xc: {  	[smem:$0x3FAC] =	sst s4  }
0xd: {  	[smem:$0x3FAD] =	sst s5  }
0xe: {  	[smem:$0x3FAE] =	sst s6  }
0xf: {  	[smem:$0x3FAF] =	sst s7  }
0x10: {  	[smem:$0x3FB0] =	sst s8  }
0x11: {  	[smem:$0x3FB1] =	sst s9;
	s0 =	simm.s32 @!p0 $0x0  }
0x12: {  	s1 =	sld [smem:$0x3F97];
	s0 =	simm.s32 @p0 $0x1  }
0x13: {  	[smem:$0x3FB2] =	sst s0;
	s0 =	simm.s32 @!p1 $0x0  }
0x14: {  	s2 =	sld [smem:$0x3F96];
	s0 =	simm.s32 @p1 $0x1  }
0x15: {  	[smem:$0x3FB3] =	sst s0;
	s0 =	simm.s32 @!p2 $0x0  }
0x16: {  	s3 =	sld [smem:$0x3FDB];
	s0 =	simm.s32 @p2 $0x1  }
0x17: {  	s4 =	simm.s32 $0x1BF5;
	[smem:$0x3FB5] =	sst s0  }
0x18: {  	s0 =	sld [smem:$0x3F98];
	_ =	swait.ge [sflag:s4], $0x0  }
0x19: {  	s7 =	sld [smem:$0x3F99]  }
0x1a: {  	s8 =	sadd.s32 $0xFFFFE003, lr  }
0x1b: {  	s9 =	sadd.s32 $0xFFFFFEF7, lr;
	s5 =	simm.s32 $0xFFFFFFFF;
	p2 =	slt.u32 s8, $0xFFFFF086  }
0x1c: {  	p1 =	slt.u32 s9, $0xF7A;
	s5 =	simm.s32 @!p2 $0x0  }
0x1d: {  	s5 =	simm.s32 @p1 $0x1;
	p0 =	seq.s32 s7, s2  }
0x1e: {  	s7 =	smul.u32 @!p0 $0xF7A, s2;
	p2 =	seq.s32 @!p0 s5, $0x0  }
0x1f: {  	s9 =	smul.u32 $0xF7A, s1;
	s8 =	simm.s32 @!p0 $0x1BF5;
	p2 =	por !p2, p0  }
0x20: {  	[sflag:s8] =	ssyncset.s32 @!p0 $0xFFFFF086;
	s6 =	sadd.s32 @!p0 s3, s7;
	s7 =	simm.s32 @!p0 $0x108  }
0x21: {  	s3 =	sadd.s32 s3, s9;
	s6 =	sadd.s32 @!p0 $0x88, s6;
	s7 =	simm.s32 @p2 $0x1082  }
0x22: {  	[simem:s7], [sflag:s8] =	dma.local @!p0 [hbm:s6], $0xF7A  }
0x23: {  	s9 =	sor.u32 $0xD0000000, s2;
	s6 =	simm.s32 $0x108;
	_ =	swait.ge @!p0 [sflag:s8], $0x0  }
0x24: {  	s3 =	sadd.s32 $0x88, s3;
	s6 =	simm.s32 @!p1 $0x1082;
	[sflag:s4] =	ssyncset.s32 $0xFFFFF086  }
0x25: {  	[simem:s6], [sflag:s4] =	dma.local [hbm:s3], $0xF7A  }
0x26: {  	[smem:$0x3F99] =	sst s1;
	(tag) =	ssettag s2;
	_ =	strace s9  }
0x27: {  	s1 =	sld [smem:$0x3FA9]  }
0x28: {  	s2 =	sld [smem:$0x3FAA]  }
0x29: {  	s4 =	sld [smem:$0x3FAC]  }
0x2a: {  	p0 =	seq.s32 s5, $0x0;
	s5 =	sld [smem:$0x3FAD]  }
0x2b: {  	s6 =	sld [smem:$0x3FAE]  }
0x2c: {  	s7 =	sld [smem:$0x3FAF]  }
0x2d: {  	s3 =	simm.s32 $0x108;
	s8 =	sld [smem:$0x3FB0]  }
0x2e: {  	s3 =	simm.s32 @!p0 $0x1082;
	s9 =	sld [smem:$0x3FB1]  }
0x2f: {  	lr =	sadd.s32 s0, s3;
	s0 =	sld [smem:$0x3FA8]  }
0x30: {  	s3 =	sld [smem:$0x3FAB]  }
0x31: {  	[smem:$0x3FB4] =	sst s10  }
0x32: {  	s10 =	sld [smem:$0x3FB2];
	_ =	sdelay $0x3  }
0x33: {  	p0 =	seq.s32 s10, $0x1;
	s10 =	sld [smem:$0x3FB4];
	_ =	sdelay $0x3  }
0x34: {  	[smem:$0x3FB4] =	sst s10  }
0x35: {  	s10 =	sld [smem:$0x3FB3];
	_ =	sdelay $0x3  }
0x36: {  	p1 =	seq.s32 s10, $0x1;
	s10 =	sld [smem:$0x3FB4];
	_ =	sdelay $0x3  }
0x37: {  	[smem:$0x3FB4] =	sst s10  }
0x38: {  	s10 =	sld [smem:$0x3FB5]  }
0x39: {  	_ = 	snop;
	(pc) =	sbr.ind lr, $3  }
0x3a: {  	_ = 	snop  }
0x3b: {  	_ = 	snop  }
0x3c: {  	p2 =	seq.s32 s10, $0x1;
	s10 =	sld [smem:$0x3FB4]  }
0x3d: {  	_ =	shalt  }
0x3e: {  	_ =	shalt  }
0x3f: {  	_ =	shalt  }
0x40: {  	_ =	shalt  }
0x41: {  	_ =	shalt  }
0x42: {  	_ =	shalt  }
0x43: {  	_ =	shalt  }
0x44: {  	_ =	shalt  }
0x45: {  	_ =	shalt  }
0x46: {  	_ =	shalt  }
0x47: {  	_ =	shalt  }
0x48: {  	_ =	shalt  }
0x49: {  	_ =	shalt  }
0x4a: {  	_ =	shalt  }
0x4b: {  	_ =	shalt  }
0x4c: {  	_ =	shalt  }
0x4d: {  	_ =	shalt  }
0x4e: {  	_ =	shalt  }
0x4f: {  	_ =	shalt  }
0x50: {  	_ =	shalt  }
0x51: {  	_ =	shalt  }
0x52: {  	_ =	shalt  }
0x53: {  	_ =	shalt  }
0x54: {  	_ =	shalt  }
0x55: {  	_ =	shalt  }
0x56: {  	_ =	shalt  }
0x57: {  	_ =	shalt  }
0x58: {  	_ =	shalt  }
0x59: {  	_ =	shalt  }
0x5a: {  	_ =	shalt  }
0x5b: {  	_ =	shalt  }
0x5c: {  	_ =	shalt  }
0x5d: {  	_ =	shalt  }
0x5e: {  	_ =	shalt  }
0x5f: {  	_ =	shalt  }
0x60: {  	_ =	shalt  }
0x61: {  	_ =	shalt  }
0x62: {  	_ =	shalt  }
0x63: {  	_ =	shalt  }
0x64: {  	_ =	shalt  }
0x65: {  	_ =	shalt  }
0x66: {  	_ =	shalt  }
0x67: {  	_ =	shalt  }
0x68: {  	_ =	shalt  }
0x69: {  	_ =	shalt  }
0x6a: {  	_ =	shalt  }
0x6b: {  	_ =	shalt  }
0x6c: {  	_ =	shalt  }
0x6d: {  	_ =	shalt  }
0x6e: {  	_ =	shalt  }
0x6f: {  	_ =	shalt  }
0x70: {  	_ =	shalt  }
0x71: {  	_ =	shalt  }
0x72: {  	_ =	shalt  }
0x73: {  	_ =	shalt  }
0x74: {  	_ =	shalt  }
0x75: {  	_ =	shalt  }
0x76: {  	_ =	shalt  }
0x77: {  	_ =	shalt  }
0x78: {  	_ =	shalt  }
0x79: {  	_ =	shalt  }
0x7a: {  	_ =	shalt  }
0x7b: {  	_ =	shalt  }
0x7c: {  	_ =	shalt  }
0x7d: {  	_ =	shalt  }
0x7e: {  	_ =	shalt  }
0x7f: {  	_ =	shalt  }
0x80: {  	_ =	shalt  }
0x81: {  	_ =	shalt  }
0x82: {  	_ =	shalt  }
0x83: {  	_ =	shalt  }
0x84: {  	_ =	shalt  }
0x85: {  	_ =	shalt  }
0x86: {  	_ =	shalt  }
0x87: {  	_ =	shalt  }
.Lfunc_end0:
.L_simem_size_0:
called_computation.1_lowered:
.L_overlay_start_0:
0x88: {  	s2 =	sld [smem:$0x3FD9]  }
0x89: {  	s3 =	sld [smem:$0x3FFE];
	_ =	sdelay $0x1  }
0x8a: {  	s1 =	srdreg.scid  }
0x8b: {  	s0 =	sand.u32 $0x1, s1  }
0x8c: {  	s17 =	sshll.u32 s0, $0xA;
	s2 =	sadd.s32 s3, s2  }
0x8d: {  	s2 =	sadd.s32 s2, s17  }
0x8e: {  	[smem:$0x3FC0] =	sst s2  }
0x8f: {  	_ = 	snop  }
0x90: {  	s2 =	sld [smem:$0x3FC9];
	(tm) =	ssettm $0x1  }
0x91: {  	s18 =	sld [smem:$0x3FFB];
	_ =	sdelay $0x3  }
0x92: {  	_ =	strace s18  }
0x93: {  	s3 =	sld [smem:$0x3FFC];
	_ =	sdelay $0x3  }
0x94: {  	_ =	strace s3  }
0x95: {  	s3 =	sld [smem:$0x3FFD];
	_ =	sdelay $0x3  }
0x96: {  	_ =	strace s3  }
0x97: {  	_ =	strace $0x8FFFFFFF  }
0x98: {  	s19 =	sld [smem:$0x3FDB];
	_ =	sdelay $0x1  }
0x99: {  	s4 =	simm.s32 $_scs_section_size  }
0x9a: {  	s5 =	simm.s32 $_size__tile_overlayer_lowered;
	s6 =	simm.s32 $_tile_overlayer_lowered  }
0x9b: {  	s22 =	simm.s32 $0x1BFF;
	s21 =	sshll.u32 s6, $0x1;
	s3 =	sadd.s32 s4, s19  }
0x9c: {  	s7 =	simm.s32 $0x0;
	s20 =	sshll.u32 s5, $0x1;
	s5 =	sadd.s32 s21, s3  }
0x9d: {  	[timem:s7], [sflag:s22] =	dma.local [hbm:s5], s20  }
0x9e: {  	_ =	swait.ge [sflag:s22], s20  }
0x9f: {  	s4 =	ssub.s32 $0x0, s20;
	[sflag:s22] =	ssyncset.done $0x0  }
0xa0: {  	[sflag:s22] =	ssyncadd.s32 s4;
	_ =	sdelay $0x1  }
0xa1: {  	s23 =	simm.s32 $0x1B8B  }
0xa2: {  	_ =	swait.ge [sflag:s23], $0x1  }
0xa3: {  	[sflag:s23] =	ssyncset.done $0x0  }
0xa4: {  	s25 =	simm.s32 $0x1B8E;
	s24 =	sld [smem:$0x3FFE];
	[sflag:s23] =	ssyncadd.s32 $0xFFFFFFFF  }
0xa5: {  	s26 =	simm.s32 $execute0_lowered;
	[smem:$0x3FD2] =	sst s25  }
0xa6: {  	s5 =	sshll.u32 s26, $0x1;
	_ =	strace $0x80000046;
	[dreg:$0x1] =	wrdreg $0xFFFFFFFF  }
0xa7: {  	s28 =	simm.s32 $_size_execute0_lowered;
	s3 =	sadd.s32 s3, s5;
	[dreg:$0x0] =	wrdreg $0x0  }
0xa8: {  	s5 =	sshll.u32 s28, $0x1;
	[dreg:$0x2] =	wrdreg s3  }
0xa9: {  	[dreg:$0x3] =	wrdreg s5  }
0xaa: {  	[dreg:$0x4] =	wrdreg $0xC0  }
0xab: {  	_ =	task [dreg:s7], $0x5FFFF  }
0xac: {  	[dreg:$0x1] =	wrdreg $0xFFFFFFFF  }
0xad: {  	[dreg:$0x0] =	wrdreg $0x60  }
0xae: {  	[dreg:$0x2] =	wrdreg s2  }
0xaf: {  	[dreg:$0x3] =	wrdreg s24  }
0xb0: {  	[dreg:$0x4] =	wrdreg $0xA0000  }
0xb1: {  	[dreg:$0x5] =	wrdreg $0xA  }
0xb2: {  	_ =	task.clear_ibuf [dreg:s7], $0x6FFFF;
	_ =	strace $0x90000046  }
0xb3: {  	s29 =	simm.s32 $0xA;
	_ =	strace $0x80000048  }
0xb4: {  	_ =	swait.ge [sflag:s29], $0x1  }
0xb5: {  	[sflag:s29] =	ssyncadd.s32 $0xFFFFFFFF  }
0xb6: {  	_ =	strace $0x90000048  }
0xb7: {  	_ =	sfence  }
0xb8: {  	s30 =	sld [smem:$0x0];
	_ =	sdelay $0x2  }
0xb9: {  	s31 =	sshll.u32 s1, $0xD;
	s1 =	sshrl.u32 s1, $0x2  }
0xba: {  	s3 =	sand.u32 $0x4000, s31;
	s1 =	sadd.s32 s1, s30  }
0xbb: {  	s0 =	sor.u32 s3, s0;
	s1 =	sshll.u32 s1, $0x11  }
0xbc: {  	s0 =	sor.u32 s1, s0  }
0xbd: {  	s0 =	sadd.s32 $0x8F2B, s0  }
0xbe: {  	[sflag:s0] =	ssyncadd.remote.s32 $0x1  }
0xbf: {  	_ =	sfence.sel $0xFFFF  }
0xc0: {  	[dreg:$0x0] =	wrdreg $0xFFFFFFFF;
	(pc) =	sbr.abs _section_cstart, $3  }
0xc1: {  	[dreg:$0x1] =	wrdreg $0xFFFFFFFF  }
0xc2: {  	_ =	task.clear_ibuf [dreg:s7], $0x2FFFF;
	_ =	strace $0x9FFFFFFF  }
0xc3: {  	(tm) =	ssettm $0x7FFFFFFF  }
tec
execute0_lowered:
.L_overlay_start_1:
0x0: {  	(tag) =	ssettag $0x1  }
0x1: {  	s1 =	rddreg [dreg:$0x0]  }
0x2: {  	s7 =	rddreg [dreg:$0x1];
	s2 =	srdreg.scid  }
0x3: {  	s0 =	stileid.u32;
	s3 =	rddreg [dreg:$0x2]  }
0x4: {  	s4 =	simm.s32 $0x0;
	s15 =	simm.s32 $0x2000;
	s16 =	simm.s32 $0x3  }
0x5: {  	s17 =	simm.s32 $0x1000;
	s18 =	simm.s32 $0x80;
	s19 =	simm.s32 $0x6000  }
0x6: {  	s20 =	simm.s32 $0x1;
	s21 =	sand.u32 $0x1, s2;
	s2 =	rddreg [dreg:$0x3]  }
0x7: {  	s6 =	smul.u32 $0x280, s0;
	[smem:$0x7FF] =	sst s4;
	s5 =	sadd.s32 $0xBE00, s7  }
0x8: {  	s10 =	smul.u32 $0x50000, s0;
	s30 =	sshll.u32 s0, $0xC;
	s22 =	sshll.u32 s0, $0x6  }
0x9: {  	s8 =	smul.u32 $0x2800, s21;
	_ =	strace $0x80000047;
	s9 =	ssub.s32 $0x2, s21  }
0xa: {  	p0 =	seq.s32 s21, $0x0;
	s22 =	sor.u32 $0x1C03, s22;
	s11 =	sshrl.u32 s9, $0x1  }
0xb: {  	s31 =	sshrl.u32 s10, $0x2;
	s10 =	sshll.u32 s0, $0xE;
	s6 =	sadd.s32 s6, s8  }
0xc: {  	s14 =	ssub.s32 s9, s11;
	s8 =	sshll.u32 s6, $0x4;
	s6 =	sadd.s32 $0x1E00, s7  }
0xd: {  	s13 =	sadd.s32 s8, s7;
	s7 =	sor.u32 $0x40000, s30;
	s8 =	sadd.s32 s31, s3  }
0xe: {  	s14 =	smax.u32 s14, $0x1;
	s7 =	smov.u32 @p0 s10;
	s9 =	sadd.s32 $0x4000, s8  }
0xf: {  	s10 =	sadd.s32 $0x8000, s8;
	s11 =	sadd.s32 $0xC000, s8;
	s12 =	sadd.s32 $0x10000, s8  }
0x10: {  	v0 =	vimm.f32 $0.0e+00;
	s13 =	sadd.s32 $0x15E00, s13;
	p0 =	sne.s32 s21, $0x0;
	s21 =	simm.s32 $0x2  }
.LBB2_1:
0x11: {  	s23 =	simm.s32 $0x0;
	s24 =	simm.s32 $0x200  }
.LBB2_2:
0x12: {  	p1 =	sne.s32 s24, $0xFE00;
	[tilespmem:s23+$0x2070] =	vst v0  }
0x13: {  	[tilespmem:s23+$0x2000] =	vst v0  }
0x14: {  	[tilespmem:s23+$0x2010] =	vst v0  }
.Ltmp0:
0x15: {  	[tilespmem:s23+$0x2020] =	vst v0;
	(pc) =	sbr.rel @p1 .LBB2_2-.Ltmp0, $4  }
0x16: {  	[tilespmem:s23+$0x2030] =	vst v0  }
0x17: {  	[tilespmem:s23+$0x2040] =	vst v0  }
0x18: {  	[tilespmem:s23+$0x2050] =	vst v0  }
0x19: {  	[tilespmem:s23+$0x2060] =	vst v0;
	s23 =	sshra.s32 s24, $0x2;
	s24 =	sadd.s32 $0x200, s24  }
0x1a: {  	[tilespmem:s23+$0x2070] =	vst v0  }
0x1b: {  	[tilespmem:s23+$0x2000] =	vst v0  }
0x1c: {  	[tilespmem:s23+$0x2010] =	vst v0  }
0x1d: {  	[tilespmem:s23+$0x2020] =	vst v0  }
0x1e: {  	[tilespmem:s23+$0x2030] =	vst v0  }
0x1f: {  	[tilespmem:s23+$0x2040] =	vst v0  }
0x20: {  	[tilespmem:s23+$0x2050] =	vst v0  }
0x21: {  	[tilespmem:s23+$0x2060] =	vst v0  }
0x22: {  	[spmem:s8] =	stream.linear.scatter [tilespmem:s15], [sflag:$0x3], $0x4000, $0x38;
	[tilespmem:$0x1E000] =	vst v63  }
0x23: {  	_ =	swait.ge [sflag:s16], $0x4000  }
0x24: {  	[sflag:s16] =	ssyncset.done $0x0  }
0x25: {  	[sflag:s16] =	ssyncadd.s32 $0xFFFFC000  }
0x26: {  	[spmem:s9] =	stream.linear.scatter [tilespmem:s15], [sflag:$0x3], $0x4000, $0x38;
	[tilespmem:$0x1E000] =	vst v63  }
0x27: {  	_ =	swait.ge [sflag:s16], $0x4000  }
0x28: {  	[sflag:s16] =	ssyncset.done $0x0  }
0x29: {  	[sflag:s16] =	ssyncadd.s32 $0xFFFFC000  }
0x2a: {  	[spmem:s10] =	stream.linear.scatter [tilespmem:s15], [sflag:$0x3], $0x4000, $0x38;
	[tilespmem:$0x1E000] =	vst v63  }
0x2b: {  	_ =	swait.ge [sflag:s16], $0x4000  }
0x2c: {  	[sflag:s16] =	ssyncset.done $0x0  }
0x2d: {  	[sflag:s16] =	ssyncadd.s32 $0xFFFFC000  }
0x2e: {  	[spmem:s11] =	stream.linear.scatter [tilespmem:s15], [sflag:$0x3], $0x4000, $0x38;
	[tilespmem:$0x1E000] =	vst v63  }
0x2f: {  	_ =	swait.ge [sflag:s16], $0x4000  }
0x30: {  	[sflag:s16] =	ssyncset.done $0x0  }
0x31: {  	[sflag:s16] =	ssyncadd.s32 $0xFFFFC000  }
0x32: {  	[spmem:s12] =	stream.linear.scatter [tilespmem:s15], [sflag:$0x3], $0x4000, $0x38;
	[tilespmem:$0x1E000] =	vst v63  }
0x33: {  	_ =	swait.ge [sflag:s16], $0x4000  }
0x34: {  	[sflag:s16] =	ssyncset.done $0x0  }
0x35: {  	[sflag:s16] =	ssyncadd.s32 $0xFFFFC000  }
0x36: {  	s23 =	simm.s32 $0x0;
	s24 =	simm.s32 $0x0;
	[bflag:$0x0] =	sbarrier.arrive $0xFFFF  }
.LBB2_4:
0x37: {  	s25 =	sshll.u32 s24, $0xC  }
0x38: {  	s25 =	sadd.s32 s7, s25  }
0x39: {  	s25 =	sshrl.u32 s25, $0x3  }
0x3a: {  	s26 =	sadd.s32 s5, s25  }
0x3b: {  	[tilespmem:s23], [sflag:$0x3] =	stream.linear.gather [hbm4b:s26+s23], $0x1000, $0x38;
	[tilespmem:$0x1E000] =	vst v63  }
0x3c: {  	_ =	swait.ge [sflag:s16], $0x1000  }
0x3d: {  	[sflag:s16] =	ssyncset.done $0x0  }
0x3e: {  	s25 =	sadd.s32 s6, s25;
	[sflag:s16] =	ssyncadd.s32 $0xFFFFF000  }
0x3f: {  	[tilespmem:s17], [sflag:$0x3] =	stream.linear.gather [hbm4b:s25+s23], $0x1000, $0x38;
	[tilespmem:$0x1E000] =	vst v63  }
0x40: {  	_ =	swait.ge [sflag:s16], $0x1000  }
0x41: {  	[sflag:s16] =	ssyncset.done $0x0  }
0x42: {  	[sflag:s16] =	ssyncadd.s32 $0xFFFFF000  }
0x43: {  	[tilespmem:s15], [sflag:$0x1] =	stream.indirect.gather [hbm4b:s1+s18], $0x80, s23, s18, $0xb8;
	[tilespmem:$0x1E000] =	vst v63  }
0x44: {  	_ = 	snop  }
0x45: {  	[tilespmem:s19], [sflag:$0x2] =	stream.indirect.gather [hbm4b:s1+s18], $0x80, s18, s18, $0xb8;
	[tilespmem:$0x1E000] =	vst v63  }
0x46: {  	_ =	swait.ge [sflag:s20], $0x4000  }
0x47: {  	[sflag:s20] =	ssyncset.done $0x0  }
0x48: {  	s28 =	simm.s32 $0x1000;
	[sflag:s20] =	ssyncadd.s32 $0xFFFFC000  }
0x49: {  	[spmem:s3] =	stream.indirect.scatter.add.f32 [tilespmem:s15], [sflag:$0x3], $0x80, s28, s18, $0xb8;
	[tilespmem:$0x1E000] =	vst v63  }
0x4a: {  	s25 =	simm.s32 $0x400;
	_ =	swait.ge [sflag:s16], $0x4000  }
0x4b: {  	s29 =	sand.u32 $0x3C00, s25;
	[sflag:s16] =	ssyncset.done $0x0  }
0x4c: {  	s26 =	sshrl.u32 s29, $0x2;
	[sflag:s16] =	ssyncadd.s32 $0xFFFFC000  }
0x4d: {  	[tilespmem:s15], [sflag:$0x1] =	stream.indirect.gather [hbm4b:s1+s18], $0x80, s26, s18, $0xb8;
	[tilespmem:$0x1E000] =	vst v63  }
0x4e: {  	_ =	swait.ge [sflag:s21], $0x4000  }
0x4f: {  	[sflag:s21] =	ssyncset.done $0x0  }
0x50: {  	s30 =	simm.s32 $0x1080;
	[sflag:s21] =	ssyncadd.s32 $0xFFFFC000  }
0x51: {  	[spmem:s3] =	stream.indirect.scatter.add.f32 [tilespmem:s19], [sflag:$0x3], $0x80, s30, s18, $0xb8;
	[tilespmem:$0x1E000] =	vst v63  }
0x52: {  	s31 =	simm.s32 $0x600;
	_ =	swait.ge [sflag:s16], $0x4000  }
0x53: {  	s26 =	sand.u32 $0x3E00, s31;
	[sflag:s16] =	ssyncset.done $0x0  }
0x54: {  	s26 =	sshrl.u32 s26, $0x2;
	[sflag:s16] =	ssyncadd.s32 $0xFFFFC000  }
.LBB2_5:
0x55: {  	[tilespmem:s19], [sflag:$0x2] =	stream.indirect.gather [hbm4b:s1+s18], $0x80, s26, s18, $0xb8;
	[tilespmem:$0x1E000] =	vst v63  }
0x56: {  	s26 =	smov.u32 s25  }
0x57: {  	p1 =	sne.s32 s25, $0x3C00;
	s25 =	sadd.s32 $0x400, s25;
	_ =	swait.ge [sflag:s20], $0x4000  }
0x58: {  	s28 =	sshra.s32 s26, $0x2;
	s29 =	sand.u32 $0x3C00, s25;
	[sflag:s20] =	ssyncset.done $0x0  }
0x59: {  	s30 =	sadd.s32 $0x1000, s28;
	[sflag:s20] =	ssyncadd.s32 $0xFFFFC000  }
0x5a: {  	[spmem:s3] =	stream.indirect.scatter.add.f32 [tilespmem:s15], [sflag:$0x3], $0x80, s30, s18, $0xb8;
	[tilespmem:$0x1E000] =	vst v63  }
0x5b: {  	_ =	swait.ge [sflag:s16], $0x4000  }
0x5c: {  	[sflag:s16] =	ssyncset.done $0x0  }
0x5d: {  	s29 =	sshrl.u32 s29, $0x2;
	[sflag:s16] =	ssyncadd.s32 $0xFFFFC000  }
0x5e: {  	[tilespmem:s15], [sflag:$0x1] =	stream.indirect.gather [hbm4b:s1+s18], $0x80, s29, s18, $0xb8;
	[tilespmem:$0x1E000] =	vst v63  }
0x5f: {  	_ =	swait.ge [sflag:s21], $0x4000  }
0x60: {  	[sflag:s21] =	ssyncset.done $0x0  }
.Ltmp1:
0x61: {  	s28 =	sadd.s32 $0x1080, s28;
	[sflag:s21] =	ssyncadd.s32 $0xFFFFC000;
	(pc) =	sbr.rel @p1 .LBB2_5-.Ltmp1, $4  }
0x62: {  	[spmem:s3] =	stream.indirect.scatter.add.f32 [tilespmem:s19], [sflag:$0x3], $0x80, s28, s18, $0xb8;
	[tilespmem:$0x1E000] =	vst v63  }
0x63: {  	s26 =	sadd.s32 $0x600, s26;
	_ =	swait.ge [sflag:s16], $0x4000  }
0x64: {  	s26 =	sand.u32 $0x3E00, s26;
	[sflag:s16] =	ssyncset.done $0x0  }
0x65: {  	s26 =	sshrl.u32 s26, $0x2;
	[sflag:s16] =	ssyncadd.s32 $0xFFFFC000  }
0x66: {  	[tilespmem:s19], [sflag:$0x2] =	stream.indirect.gather [hbm4b:s1+s18], $0x80, s26, s18, $0xb8;
	[tilespmem:$0x1E000] =	vst v63  }
0x67: {  	p1 =	slt.u32 @!p0 s24, $0x3  }
0x68: {  	_ =	swait.ge [sflag:s20], $0x4000;
	p1 =	por p0, !p1  }
.Ltmp2:
0x69: {  	[sflag:s20] =	ssyncset.done $0x0;
	(pc) =	sbr.rel @!p1 .LBB2_4-.Ltmp2, $4  }
0x6a: {  	[sflag:s20] =	ssyncadd.s32 $0xFFFFC000  }
0x6b: {  	_ =	swait.ge [sflag:s21], $0x4000  }
0x6c: {  	[sflag:s21] =	ssyncset.done $0x0  }
0x6d: {  	s24 =	sadd.s32 $0x1, s24;
	[sflag:s21] =	ssyncadd.s32 $0xFFFFC000  }
0x6e: {  	s4 =	sadd.s32 $0x1, s4  }
0x6f: {  	p1 =	sne.s32 s4, s14  }
.Ltmp3:
0x70: {  	[bflag:$0x0] =	sbarrier.arrive $0xFFFF;
	s23 =	sshrl.u32 s8, $0x3;
	(pc) =	sbr.rel @p1 .LBB2_1-.Ltmp3, $4  }
0x71: {  	[hbm:s13], [sflag:s22] =	dma.local [spmem:s23], $0x2800  }
0x72: {  	_ =	swait.ge [sflag:s16], $0x2800  }
0x73: {  	[sflag:s16] =	ssyncset.done $0x0  }
0x74: {  	[sflag:s16] =	ssyncadd.s32 $0xFFFFD800  }
0x75: {  	_ =	sfence.sel $0x180000  }
0x76: {  	[bflag:$0x0] =	sbarrier.arrive $0xFFFF  }
0x77: {  	p0 =	sne.s32 s0, $0x0;
	_ =	strace $0x90000047  }
0x78: {  	s0 =	sadd.s32 @!p0 $0x100000, s2;
	[bflag:$0x2] =	sbarrier.arrive $0xFFFF  }
0x79: {  	[sflag:s0] =	ssyncadd.tile.s32 @!p0 $0x1;
	_ =	shalt  }
.Lfunc_end2:
_tile_overlayer_lowered:
.L_overlay_start_2:
0x7a: {  	(tag) =	ssettag $0x2  }
0x7b: {  	s0 =	rddreg [dreg:$0x0];
	s2 =	stileid.u32  }
0x7c: {  	s1 =	rddreg [dreg:$0x1];
	p0 =	sne.s32 s2, $0x0  }
0x7d: {  	s3 =	rddreg [dreg:$0x2];
	[bflag:$0x3] =	sbarrier.arrive $0xFFFF;
	s2 =	simm.s32 @!p0 $0x1C03  }
0x7e: {  	[timem:s3], [sflag:s2] =	dma.local @!p0 [hbm:s0], s1  }
0x7f: {  	s0 =	simm.s32 @!p0 $0x3  }
0x80: {  	_ =	swait.ge @!p0 [sflag:s0], s1  }
0x81: {  	s1 =	ssub.s32 @!p0 $0x0, s1;
	[sflag:s0] =	ssyncset.done @!p0 $0x0  }
0x82: {  	[sflag:s0] =	ssyncadd.s32 @!p0 s1  }
0x83: {  	[bflag:$0x3] =	sbarrier.arrive $0xFFFF  }
0x84: {  	_ =	shalt  }

// kernel: kernel.13.cloned.1.call-start
scs
__scs_entry_jumppad:
0x0: {  	(pc) =	sbr.rel $0x88, $3  }
0x1: {  	(tag) =	ssettag $0x0;
	lr =	simm.s32 $0x1  }
0x2: {  	[smem:$0x3F99] =	sst lr;
	_ =	strace $0xD0000000  }
0x3: {  	_ = 	snop  }
0x4: {  	_ = 	snop  }
0x5: {  	_ = 	snop  }
0x6: {  	_ = 	snop  }
0x7: {  	_ = 	snop  }
__scs_overlays_trampoline_lowered:
0x8: {  	[smem:$0x3FA8] =	sst s0  }
0x9: {  	[smem:$0x3FA9] =	sst s1  }
0xa: {  	[smem:$0x3FAA] =	sst s2  }
0xb: {  	[smem:$0x3FAB] =	sst s3  }
0xc: {  	[smem:$0x3FAC] =	sst s4  }
0xd: {  	[smem:$0x3FAD] =	sst s5  }
0xe: {  	[smem:$0x3FAE] =	sst s6  }
0xf: {  	[smem:$0x3FAF] =	sst s7  }
0x10: {  	[smem:$0x3FB0] =	sst s8  }
0x11: {  	[smem:$0x3FB1] =	sst s9;
	s0 =	simm.s32 @!p0 $0x0  }
0x12: {  	s1 =	sld [smem:$0x3F97];
	s0 =	simm.s32 @p0 $0x1  }
0x13: {  	[smem:$0x3FB2] =	sst s0;
	s0 =	simm.s32 @!p1 $0x0  }
0x14: {  	s2 =	sld [smem:$0x3F96];
	s0 =	simm.s32 @p1 $0x1  }
0x15: {  	[smem:$0x3FB3] =	sst s0;
	s0 =	simm.s32 @!p2 $0x0  }
0x16: {  	s3 =	sld [smem:$0x3FDB];
	s0 =	simm.s32 @p2 $0x1  }
0x17: {  	s4 =	simm.s32 $0x1BF5;
	[smem:$0x3FB5] =	sst s0  }
0x18: {  	s0 =	sld [smem:$0x3F98];
	_ =	swait.ge [sflag:s4], $0x0  }
0x19: {  	s7 =	sld [smem:$0x3F99]  }
0x1a: {  	s8 =	sadd.s32 $0xFFFFE003, lr  }
0x1b: {  	s9 =	sadd.s32 $0xFFFFFEF7, lr;
	s5 =	simm.s32 $0xFFFFFFFF;
	p2 =	slt.u32 s8, $0xFFFFF086  }
0x1c: {  	p1 =	slt.u32 s9, $0xF7A;
	s5 =	simm.s32 @!p2 $0x0  }
0x1d: {  	s5 =	simm.s32 @p1 $0x1;
	p0 =	seq.s32 s7, s2  }
0x1e: {  	s7 =	smul.u32 @!p0 $0xF7A, s2;
	p2 =	seq.s32 @!p0 s5, $0x0  }
0x1f: {  	s9 =	smul.u32 $0xF7A, s1;
	s8 =	simm.s32 @!p0 $0x1BF5;
	p2 =	por !p2, p0  }
0x20: {  	[sflag:s8] =	ssyncset.s32 @!p0 $0xFFFFF086;
	s6 =	sadd.s32 @!p0 s3, s7;
	s7 =	simm.s32 @!p0 $0x108  }
0x21: {  	s3 =	sadd.s32 s3, s9;
	s6 =	sadd.s32 @!p0 $0x88, s6;
	s7 =	simm.s32 @p2 $0x1082  }
0x22: {  	[simem:s7], [sflag:s8] =	dma.local @!p0 [hbm:s6], $0xF7A  }
0x23: {  	s9 =	sor.u32 $0xD0000000, s2;
	s6 =	simm.s32 $0x108;
	_ =	swait.ge @!p0 [sflag:s8], $0x0  }
0x24: {  	s3 =	sadd.s32 $0x88, s3;
	s6 =	simm.s32 @!p1 $0x1082;
	[sflag:s4] =	ssyncset.s32 $0xFFFFF086  }
0x25: {  	[simem:s6], [sflag:s4] =	dma.local [hbm:s3], $0xF7A  }
0x26: {  	[smem:$0x3F99] =	sst s1;
	(tag) =	ssettag s2;
	_ =	strace s9  }
0x27: {  	s1 =	sld [smem:$0x3FA9]  }
0x28: {  	s2 =	sld [smem:$0x3FAA]  }
0x29: {  	s4 =	sld [smem:$0x3FAC]  }
0x2a: {  	p0 =	seq.s32 s5, $0x0;
	s5 =	sld [smem:$0x3FAD]  }
0x2b: {  	s6 =	sld [smem:$0x3FAE]  }
0x2c: {  	s7 =	sld [smem:$0x3FAF]  }
0x2d: {  	s3 =	simm.s32 $0x108;
	s8 =	sld [smem:$0x3FB0]  }
0x2e: {  	s3 =	simm.s32 @!p0 $0x1082;
	s9 =	sld [smem:$0x3FB1]  }
0x2f: {  	lr =	sadd.s32 s0, s3;
	s0 =	sld [smem:$0x3FA8]  }
0x30: {  	s3 =	sld [smem:$0x3FAB]  }
0x31: {  	[smem:$0x3FB4] =	sst s10  }
0x32: {  	s10 =	sld [smem:$0x3FB2];
	_ =	sdelay $0x3  }
0x33: {  	p0 =	seq.s32 s10, $0x1;
	s10 =	sld [smem:$0x3FB4];
	_ =	sdelay $0x3  }
0x34: {  	[smem:$0x3FB4] =	sst s10  }
0x35: {  	s10 =	sld [smem:$0x3FB3];
	_ =	sdelay $0x3  }
0x36: {  	p1 =	seq.s32 s10, $0x1;
	s10 =	sld [smem:$0x3FB4];
	_ =	sdelay $0x3  }
0x37: {  	[smem:$0x3FB4] =	sst s10  }
0x38: {  	s10 =	sld [smem:$0x3FB5]  }
0x39: {  	_ = 	snop;
	(pc) =	sbr.ind lr, $3  }
0x3a: {  	_ = 	snop  }
0x3b: {  	_ = 	snop  }
0x3c: {  	p2 =	seq.s32 s10, $0x1;
	s10 =	sld [smem:$0x3FB4]  }
0x3d: {  	_ =	shalt  }
0x3e: {  	_ =	shalt  }
0x3f: {  	_ =	shalt  }
0x40: {  	_ =	shalt  }
0x41: {  	_ =	shalt  }
0x42: {  	_ =	shalt  }
0x43: {  	_ =	shalt  }
0x44: {  	_ =	shalt  }
0x45: {  	_ =	shalt  }
0x46: {  	_ =	shalt  }
0x47: {  	_ =	shalt  }
0x48: {  	_ =	shalt  }
0x49: {  	_ =	shalt  }
0x4a: {  	_ =	shalt  }
0x4b: {  	_ =	shalt  }
0x4c: {  	_ =	shalt  }
0x4d: {  	_ =	shalt  }
0x4e: {  	_ =	shalt  }
0x4f: {  	_ =	shalt  }
0x50: {  	_ =	shalt  }
0x51: {  	_ =	shalt  }
0x52: {  	_ =	shalt  }
0x53: {  	_ =	shalt  }
0x54: {  	_ =	shalt  }
0x55: {  	_ =	shalt  }
0x56: {  	_ =	shalt  }
0x57: {  	_ =	shalt  }
0x58: {  	_ =	shalt  }
0x59: {  	_ =	shalt  }
0x5a: {  	_ =	shalt  }
0x5b: {  	_ =	shalt  }
0x5c: {  	_ =	shalt  }
0x5d: {  	_ =	shalt  }
0x5e: {  	_ =	shalt  }
0x5f: {  	_ =	shalt  }
0x60: {  	_ =	shalt  }
0x61: {  	_ =	shalt  }
0x62: {  	_ =	shalt  }
0x63: {  	_ =	shalt  }
0x64: {  	_ =	shalt  }
0x65: {  	_ =	shalt  }
0x66: {  	_ =	shalt  }
0x67: {  	_ =	shalt  }
0x68: {  	_ =	shalt  }
0x69: {  	_ =	shalt  }
0x6a: {  	_ =	shalt  }
0x6b: {  	_ =	shalt  }
0x6c: {  	_ =	shalt  }
0x6d: {  	_ =	shalt  }
0x6e: {  	_ =	shalt  }
0x6f: {  	_ =	shalt  }
0x70: {  	_ =	shalt  }
0x71: {  	_ =	shalt  }
0x72: {  	_ =	shalt  }
0x73: {  	_ =	shalt  }
0x74: {  	_ =	shalt  }
0x75: {  	_ =	shalt  }
0x76: {  	_ =	shalt  }
0x77: {  	_ =	shalt  }
0x78: {  	_ =	shalt  }
0x79: {  	_ =	shalt  }
0x7a: {  	_ =	shalt  }
0x7b: {  	_ =	shalt  }
0x7c: {  	_ =	shalt  }
0x7d: {  	_ =	shalt  }
0x7e: {  	_ =	shalt  }
0x7f: {  	_ =	shalt  }
0x80: {  	_ =	shalt  }
0x81: {  	_ =	shalt  }
0x82: {  	_ =	shalt  }
0x83: {  	_ =	shalt  }
0x84: {  	_ =	shalt  }
0x85: {  	_ =	shalt  }
0x86: {  	_ =	shalt  }
0x87: {  	_ =	shalt  }
.Lfunc_end0:
.L_simem_size_0:
called_computation.2_lowered:
.L_overlay_start_0:
0x88: {  	s2 =	sld [smem:$0x3FD9]  }
0x89: {  	s3 =	sld [smem:$0x3FFE];
	_ =	sdelay $0x1  }
0x8a: {  	s1 =	srdreg.scid  }
0x8b: {  	s0 =	sand.u32 $0x1, s1  }
0x8c: {  	s17 =	sshll.u32 s0, $0xA;
	s2 =	sadd.s32 s3, s2  }
0x8d: {  	s2 =	sadd.s32 s2, s17  }
0x8e: {  	[smem:$0x3FC0] =	sst s2  }
0x8f: {  	_ = 	snop  }
0x90: {  	s2 =	sld [smem:$0x3FD0];
	(tm) =	ssettm $0x1  }
0x91: {  	s18 =	sld [smem:$0x3FFB];
	_ =	sdelay $0x3  }
0x92: {  	_ =	strace s18  }
0x93: {  	s3 =	sld [smem:$0x3FFC];
	_ =	sdelay $0x3  }
0x94: {  	_ =	strace s3  }
0x95: {  	s3 =	sld [smem:$0x3FFD];
	_ =	sdelay $0x3  }
0x96: {  	_ =	strace s3  }
0x97: {  	_ =	strace $0x8FFFFFFF  }
0x98: {  	s19 =	sld [smem:$0x3FDB];
	_ =	sdelay $0x1  }
0x99: {  	s4 =	simm.s32 $_scs_section_size  }
0x9a: {  	s5 =	simm.s32 $_size__tile_overlayer_lowered;
	s6 =	simm.s32 $_tile_overlayer_lowered  }
0x9b: {  	s22 =	simm.s32 $0x1BFF;
	s21 =	sshll.u32 s6, $0x1;
	s3 =	sadd.s32 s4, s19  }
0x9c: {  	s7 =	simm.s32 $0x0;
	s20 =	sshll.u32 s5, $0x1;
	s5 =	sadd.s32 s21, s3  }
0x9d: {  	[timem:s7], [sflag:s22] =	dma.local [hbm:s5], s20  }
0x9e: {  	_ =	swait.ge [sflag:s22], s20  }
0x9f: {  	s4 =	ssub.s32 $0x0, s20;
	[sflag:s22] =	ssyncset.done $0x0  }
0xa0: {  	[sflag:s22] =	ssyncadd.s32 s4;
	_ =	sdelay $0x1  }
0xa1: {  	s23 =	simm.s32 $0x1B8B  }
0xa2: {  	_ =	swait.ge [sflag:s23], $0x1  }
0xa3: {  	[sflag:s23] =	ssyncset.done $0x0  }
0xa4: {  	s25 =	simm.s32 $0x1B8E;
	s24 =	sld [smem:$0x3FFE];
	[sflag:s23] =	ssyncadd.s32 $0xFFFFFFFF  }
0xa5: {  	s26 =	simm.s32 $execute0_lowered;
	[smem:$0x3FD2] =	sst s25  }
0xa6: {  	s5 =	sshll.u32 s26, $0x1;
	_ =	strace $0x8000004C;
	[dreg:$0x1] =	wrdreg $0xFFFFFFFF  }
0xa7: {  	s28 =	simm.s32 $_size_execute0_lowered;
	s3 =	sadd.s32 s3, s5;
	[dreg:$0x0] =	wrdreg $0x0  }
0xa8: {  	s5 =	sshll.u32 s28, $0x1;
	[dreg:$0x2] =	wrdreg s3  }
0xa9: {  	[dreg:$0x3] =	wrdreg s5  }
0xaa: {  	[dreg:$0x4] =	wrdreg $0xC0  }
0xab: {  	_ =	task [dreg:s7], $0x5FFFF  }
0xac: {  	[dreg:$0x1] =	wrdreg $0xFFFFFFFF  }
0xad: {  	[dreg:$0x0] =	wrdreg $0x60  }
0xae: {  	[dreg:$0x2] =	wrdreg s2  }
0xaf: {  	[dreg:$0x3] =	wrdreg s24  }
0xb0: {  	[dreg:$0x4] =	wrdreg $0xA0000  }
0xb1: {  	[dreg:$0x5] =	wrdreg $0x9  }
0xb2: {  	_ =	task.clear_ibuf [dreg:s7], $0x6FFFF;
	_ =	strace $0x9000004C  }
0xb3: {  	s29 =	simm.s32 $0x9;
	_ =	strace $0x8000004E  }
0xb4: {  	_ =	swait.ge [sflag:s29], $0x1  }
0xb5: {  	[sflag:s29] =	ssyncadd.s32 $0xFFFFFFFF  }
0xb6: {  	_ =	strace $0x9000004E  }
0xb7: {  	_ =	sfence  }
0xb8: {  	s30 =	sld [smem:$0x0];
	_ =	sdelay $0x2  }
0xb9: {  	s31 =	sshll.u32 s1, $0xD;
	s1 =	sshrl.u32 s1, $0x2  }
0xba: {  	s3 =	sand.u32 $0x4000, s31;
	s1 =	sadd.s32 s1, s30  }
0xbb: {  	s0 =	sor.u32 s3, s0;
	s1 =	sshll.u32 s1, $0x11  }
0xbc: {  	s0 =	sor.u32 s1, s0  }
0xbd: {  	s0 =	sadd.s32 $0x8F2B, s0  }
0xbe: {  	[sflag:s0] =	ssyncadd.remote.s32 $0x1  }
0xbf: {  	_ =	sfence.sel $0xFFFF  }
0xc0: {  	[dreg:$0x0] =	wrdreg $0xFFFFFFFF;
	(pc) =	sbr.abs _section_cstart, $3  }
0xc1: {  	[dreg:$0x1] =	wrdreg $0xFFFFFFFF  }
0xc2: {  	_ =	task.clear_ibuf [dreg:s7], $0x2FFFF;
	_ =	strace $0x9FFFFFFF  }
0xc3: {  	(tm) =	ssettm $0x7FFFFFFF  }
tec
execute0_lowered:
.L_overlay_start_1:
0x0: {  	(tag) =	ssettag $0x1  }
0x1: {  	s1 =	rddreg [dreg:$0x0]  }
0x2: {  	s7 =	rddreg [dreg:$0x1];
	s2 =	srdreg.scid  }
0x3: {  	s0 =	stileid.u32;
	s3 =	rddreg [dreg:$0x2]  }
0x4: {  	s4 =	simm.s32 $0x0;
	s15 =	simm.s32 $0x2000;
	s16 =	simm.s32 $0x3  }
0x5: {  	s17 =	simm.s32 $0x1000;
	s18 =	simm.s32 $0x80;
	s19 =	simm.s32 $0x6000  }
0x6: {  	s20 =	simm.s32 $0x1;
	s21 =	sand.u32 $0x1, s2;
	s2 =	rddreg [dreg:$0x3]  }
0x7: {  	s6 =	smul.u32 $0x280, s0;
	[smem:$0x7FF] =	sst s4;
	s5 =	sadd.s32 $0xBE00, s7  }
0x8: {  	s10 =	smul.u32 $0x50000, s0;
	s30 =	sshll.u32 s0, $0xC;
	s22 =	sshll.u32 s0, $0x6  }
0x9: {  	s8 =	smul.u32 $0x2800, s21;
	_ =	strace $0x8000004D;
	s9 =	ssub.s32 $0x2, s21  }
0xa: {  	p0 =	seq.s32 s21, $0x0;
	s22 =	sor.u32 $0x1C03, s22;
	s11 =	sshrl.u32 s9, $0x1  }
0xb: {  	s31 =	sshrl.u32 s10, $0x2;
	s10 =	sshll.u32 s0, $0xE;
	s6 =	sadd.s32 s6, s8  }
0xc: {  	s14 =	ssub.s32 s9, s11;
	s8 =	sshll.u32 s6, $0x4;
	s6 =	sadd.s32 $0x1E00, s7  }
0xd: {  	s13 =	sadd.s32 s8, s7;
	s7 =	sor.u32 $0x40000, s30;
	s8 =	sadd.s32 s31, s3  }
0xe: {  	s14 =	smax.u32 s14, $0x1;
	s7 =	smov.u32 @p0 s10;
	s9 =	sadd.s32 $0x4000, s8  }
0xf: {  	s10 =	sadd.s32 $0x8000, s8;
	s11 =	sadd.s32 $0xC000, s8;
	s12 =	sadd.s32 $0x10000, s8  }
0x10: {  	v0 =	vimm.f32 $0.0e+00;
	s13 =	sadd.s32 $0x64000, s13;
	p0 =	sne.s32 s21, $0x0;
	s21 =	simm.s32 $0x2  }
.LBB2_1:
0x11: {  	s23 =	simm.s32 $0x0;
	s24 =	simm.s32 $0x200  }
.LBB2_2:
0x12: {  	p1 =	sne.s32 s24, $0xFE00;
	[tilespmem:s23+$0x2070] =	vst v0  }
0x13: {  	[tilespmem:s23+$0x2000] =	vst v0  }
0x14: {  	[tilespmem:s23+$0x2010] =	vst v0  }
.Ltmp0:
0x15: {  	[tilespmem:s23+$0x2020] =	vst v0;
	(pc) =	sbr.rel @p1 .LBB2_2-.Ltmp0, $4  }
0x16: {  	[tilespmem:s23+$0x2030] =	vst v0  }
0x17: {  	[tilespmem:s23+$0x2040] =	vst v0  }
0x18: {  	[tilespmem:s23+$0x2050] =	vst v0  }
0x19: {  	[tilespmem:s23+$0x2060] =	vst v0;
	s23 =	sshra.s32 s24, $0x2;
	s24 =	sadd.s32 $0x200, s24  }
0x1a: {  	[tilespmem:s23+$0x2070] =	vst v0  }
0x1b: {  	[tilespmem:s23+$0x2000] =	vst v0  }
0x1c: {  	[tilespmem:s23+$0x2010] =	vst v0  }
0x1d: {  	[tilespmem:s23+$0x2020] =	vst v0  }
0x1e: {  	[tilespmem:s23+$0x2030] =	vst v0  }
0x1f: {  	[tilespmem:s23+$0x2040] =	vst v0  }
0x20: {  	[tilespmem:s23+$0x2050] =	vst v0  }
0x21: {  	[tilespmem:s23+$0x2060] =	vst v0  }
0x22: {  	[spmem:s8] =	stream.linear.scatter [tilespmem:s15], [sflag:$0x3], $0x4000, $0x38;
	[tilespmem:$0x1E000] =	vst v63  }
0x23: {  	_ =	swait.ge [sflag:s16], $0x4000  }
0x24: {  	[sflag:s16] =	ssyncset.done $0x0  }
0x25: {  	[sflag:s16] =	ssyncadd.s32 $0xFFFFC000  }
0x26: {  	[spmem:s9] =	stream.linear.scatter [tilespmem:s15], [sflag:$0x3], $0x4000, $0x38;
	[tilespmem:$0x1E000] =	vst v63  }
0x27: {  	_ =	swait.ge [sflag:s16], $0x4000  }
0x28: {  	[sflag:s16] =	ssyncset.done $0x0  }
0x29: {  	[sflag:s16] =	ssyncadd.s32 $0xFFFFC000  }
0x2a: {  	[spmem:s10] =	stream.linear.scatter [tilespmem:s15], [sflag:$0x3], $0x4000, $0x38;
	[tilespmem:$0x1E000] =	vst v63  }
0x2b: {  	_ =	swait.ge [sflag:s16], $0x4000  }
0x2c: {  	[sflag:s16] =	ssyncset.done $0x0  }
0x2d: {  	[sflag:s16] =	ssyncadd.s32 $0xFFFFC000  }
0x2e: {  	[spmem:s11] =	stream.linear.scatter [tilespmem:s15], [sflag:$0x3], $0x4000, $0x38;
	[tilespmem:$0x1E000] =	vst v63  }
0x2f: {  	_ =	swait.ge [sflag:s16], $0x4000  }
0x30: {  	[sflag:s16] =	ssyncset.done $0x0  }
0x31: {  	[sflag:s16] =	ssyncadd.s32 $0xFFFFC000  }
0x32: {  	[spmem:s12] =	stream.linear.scatter [tilespmem:s15], [sflag:$0x3], $0x4000, $0x38;
	[tilespmem:$0x1E000] =	vst v63  }
0x33: {  	_ =	swait.ge [sflag:s16], $0x4000  }
0x34: {  	[sflag:s16] =	ssyncset.done $0x0  }
0x35: {  	[sflag:s16] =	ssyncadd.s32 $0xFFFFC000  }
0x36: {  	s23 =	simm.s32 $0x0;
	s24 =	simm.s32 $0x0;
	[bflag:$0x0] =	sbarrier.arrive $0xFFFF  }
.LBB2_4:
0x37: {  	s25 =	sshll.u32 s24, $0xC  }
0x38: {  	s25 =	sadd.s32 s7, s25  }
0x39: {  	s25 =	sshrl.u32 s25, $0x3  }
0x3a: {  	s26 =	sadd.s32 s5, s25  }
0x3b: {  	[tilespmem:s23], [sflag:$0x3] =	stream.linear.gather [hbm4b:s26+s23], $0x1000, $0x38;
	[tilespmem:$0x1E000] =	vst v63  }
0x3c: {  	_ =	swait.ge [sflag:s16], $0x1000  }
0x3d: {  	[sflag:s16] =	ssyncset.done $0x0  }
0x3e: {  	s25 =	sadd.s32 s6, s25;
	[sflag:s16] =	ssyncadd.s32 $0xFFFFF000  }
0x3f: {  	[tilespmem:s17], [sflag:$0x3] =	stream.linear.gather [hbm4b:s25+s23], $0x1000, $0x38;
	[tilespmem:$0x1E000] =	vst v63  }
0x40: {  	_ =	swait.ge [sflag:s16], $0x1000  }
0x41: {  	[sflag:s16] =	ssyncset.done $0x0  }
0x42: {  	[sflag:s16] =	ssyncadd.s32 $0xFFFFF000  }
0x43: {  	[tilespmem:s15], [sflag:$0x1] =	stream.indirect.gather [hbm4b:s1+s18], $0x80, s23, s18, $0xb8;
	[tilespmem:$0x1E000] =	vst v63  }
0x44: {  	_ = 	snop  }
0x45: {  	[tilespmem:s19], [sflag:$0x2] =	stream.indirect.gather [hbm4b:s1+s18], $0x80, s18, s18, $0xb8;
	[tilespmem:$0x1E000] =	vst v63  }
0x46: {  	_ =	swait.ge [sflag:s20], $0x4000  }
0x47: {  	[sflag:s20] =	ssyncset.done $0x0  }
0x48: {  	s28 =	simm.s32 $0x1000;
	[sflag:s20] =	ssyncadd.s32 $0xFFFFC000  }
0x49: {  	[spmem:s3] =	stream.indirect.scatter.add.f32 [tilespmem:s15], [sflag:$0x3], $0x80, s28, s18, $0xb8;
	[tilespmem:$0x1E000] =	vst v63  }
0x4a: {  	s25 =	simm.s32 $0x400;
	_ =	swait.ge [sflag:s16], $0x4000  }
0x4b: {  	s29 =	sand.u32 $0x3C00, s25;
	[sflag:s16] =	ssyncset.done $0x0  }
0x4c: {  	s26 =	sshrl.u32 s29, $0x2;
	[sflag:s16] =	ssyncadd.s32 $0xFFFFC000  }
0x4d: {  	[tilespmem:s15], [sflag:$0x1] =	stream.indirect.gather [hbm4b:s1+s18], $0x80, s26, s18, $0xb8;
	[tilespmem:$0x1E000] =	vst v63  }
0x4e: {  	_ =	swait.ge [sflag:s21], $0x4000  }
0x4f: {  	[sflag:s21] =	ssyncset.done $0x0  }
0x50: {  	s30 =	simm.s32 $0x1080;
	[sflag:s21] =	ssyncadd.s32 $0xFFFFC000  }
0x51: {  	[spmem:s3] =	stream.indirect.scatter.add.f32 [tilespmem:s19], [sflag:$0x3], $0x80, s30, s18, $0xb8;
	[tilespmem:$0x1E000] =	vst v63  }
0x52: {  	s31 =	simm.s32 $0x600;
	_ =	swait.ge [sflag:s16], $0x4000  }
0x53: {  	s26 =	sand.u32 $0x3E00, s31;
	[sflag:s16] =	ssyncset.done $0x0  }
0x54: {  	s26 =	sshrl.u32 s26, $0x2;
	[sflag:s16] =	ssyncadd.s32 $0xFFFFC000  }
.LBB2_5:
0x55: {  	[tilespmem:s19], [sflag:$0x2] =	stream.indirect.gather [hbm4b:s1+s18], $0x80, s26, s18, $0xb8;
	[tilespmem:$0x1E000] =	vst v63  }
0x56: {  	s26 =	smov.u32 s25  }
0x57: {  	p1 =	sne.s32 s25, $0x3C00;
	s25 =	sadd.s32 $0x400, s25;
	_ =	swait.ge [sflag:s20], $0x4000  }
0x58: {  	s28 =	sshra.s32 s26, $0x2;
	s29 =	sand.u32 $0x3C00, s25;
	[sflag:s20] =	ssyncset.done $0x0  }
0x59: {  	s30 =	sadd.s32 $0x1000, s28;
	[sflag:s20] =	ssyncadd.s32 $0xFFFFC000  }
0x5a: {  	[spmem:s3] =	stream.indirect.scatter.add.f32 [tilespmem:s15], [sflag:$0x3], $0x80, s30, s18, $0xb8;
	[tilespmem:$0x1E000] =	vst v63  }
0x5b: {  	_ =	swait.ge [sflag:s16], $0x4000  }
0x5c: {  	[sflag:s16] =	ssyncset.done $0x0  }
0x5d: {  	s29 =	sshrl.u32 s29, $0x2;
	[sflag:s16] =	ssyncadd.s32 $0xFFFFC000  }
0x5e: {  	[tilespmem:s15], [sflag:$0x1] =	stream.indirect.gather [hbm4b:s1+s18], $0x80, s29, s18, $0xb8;
	[tilespmem:$0x1E000] =	vst v63  }
0x5f: {  	_ =	swait.ge [sflag:s21], $0x4000  }
0x60: {  	[sflag:s21] =	ssyncset.done $0x0  }
.Ltmp1:
0x61: {  	s28 =	sadd.s32 $0x1080, s28;
	[sflag:s21] =	ssyncadd.s32 $0xFFFFC000;
	(pc) =	sbr.rel @p1 .LBB2_5-.Ltmp1, $4  }
0x62: {  	[spmem:s3] =	stream.indirect.scatter.add.f32 [tilespmem:s19], [sflag:$0x3], $0x80, s28, s18, $0xb8;
	[tilespmem:$0x1E000] =	vst v63  }
0x63: {  	s26 =	sadd.s32 $0x600, s26;
	_ =	swait.ge [sflag:s16], $0x4000  }
0x64: {  	s26 =	sand.u32 $0x3E00, s26;
	[sflag:s16] =	ssyncset.done $0x0  }
0x65: {  	s26 =	sshrl.u32 s26, $0x2;
	[sflag:s16] =	ssyncadd.s32 $0xFFFFC000  }
0x66: {  	[tilespmem:s19], [sflag:$0x2] =	stream.indirect.gather [hbm4b:s1+s18], $0x80, s26, s18, $0xb8;
	[tilespmem:$0x1E000] =	vst v63  }
0x67: {  	p1 =	slt.u32 @!p0 s24, $0x3  }
0x68: {  	_ =	swait.ge [sflag:s20], $0x4000;
	p1 =	por p0, !p1  }
.Ltmp2:
0x69: {  	[sflag:s20] =	ssyncset.done $0x0;
	(pc) =	sbr.rel @!p1 .LBB2_4-.Ltmp2, $4  }
0x6a: {  	[sflag:s20] =	ssyncadd.s32 $0xFFFFC000  }
0x6b: {  	_ =	swait.ge [sflag:s21], $0x4000  }
0x6c: {  	[sflag:s21] =	ssyncset.done $0x0  }
0x6d: {  	s24 =	sadd.s32 $0x1, s24;
	[sflag:s21] =	ssyncadd.s32 $0xFFFFC000  }
0x6e: {  	s4 =	sadd.s32 $0x1, s4  }
0x6f: {  	p1 =	sne.s32 s4, s14  }
.Ltmp3:
0x70: {  	[bflag:$0x0] =	sbarrier.arrive $0xFFFF;
	s23 =	sshrl.u32 s8, $0x3;
	(pc) =	sbr.rel @p1 .LBB2_1-.Ltmp3, $4  }
0x71: {  	[hbm:s13], [sflag:s22] =	dma.local [spmem:s23], $0x2800  }
0x72: {  	_ =	swait.ge [sflag:s16], $0x2800  }
0x73: {  	[sflag:s16] =	ssyncset.done $0x0  }
0x74: {  	[sflag:s16] =	ssyncadd.s32 $0xFFFFD800  }
0x75: {  	_ =	sfence.sel $0x180000  }
0x76: {  	[bflag:$0x0] =	sbarrier.arrive $0xFFFF  }
0x77: {  	p0 =	sne.s32 s0, $0x0;
	_ =	strace $0x9000004D  }
0x78: {  	s0 =	sadd.s32 @!p0 $0x100000, s2;
	[bflag:$0x2] =	sbarrier.arrive $0xFFFF  }
0x79: {  	[sflag:s0] =	ssyncadd.tile.s32 @!p0 $0x1;
	_ =	shalt  }
.Lfunc_end2:
_tile_overlayer_lowered:
.L_overlay_start_2:
0x7a: {  	(tag) =	ssettag $0x2  }
0x7b: {  	s0 =	rddreg [dreg:$0x0];
	s2 =	stileid.u32  }
0x7c: {  	s1 =	rddreg [dreg:$0x1];
	p0 =	sne.s32 s2, $0x0  }
0x7d: {  	s3 =	rddreg [dreg:$0x2];
	[bflag:$0x3] =	sbarrier.arrive $0xFFFF;
	s2 =	simm.s32 @!p0 $0x1C03  }
0x7e: {  	[timem:s3], [sflag:s2] =	dma.local @!p0 [hbm:s0], s1  }
0x7f: {  	s0 =	simm.s32 @!p0 $0x3  }
0x80: {  	_ =	swait.ge @!p0 [sflag:s0], s1  }
0x81: {  	s1 =	ssub.s32 @!p0 $0x0, s1;
	[sflag:s0] =	ssyncset.done @!p0 $0x0  }
0x82: {  	[sflag:s0] =	ssyncadd.s32 @!p0 s1  }
0x83: {  	[bflag:$0x3] =	sbarrier.arrive $0xFFFF  }
0x84: {  	_ =	shalt  }

// kernel: kernel.7.cloned.1.call-start
scs
__scs_entry_jumppad:
0x0: {  	(pc) =	sbr.rel $0x88, $3  }
0x1: {  	(tag) =	ssettag $0x0;
	lr =	simm.s32 $0x1  }
0x2: {  	[smem:$0x3F99] =	sst lr;
	_ =	strace $0xD0000000  }
0x3: {  	_ = 	snop  }
0x4: {  	_ = 	snop  }
0x5: {  	_ = 	snop  }
0x6: {  	_ = 	snop  }
0x7: {  	_ = 	snop  }
__scs_overlays_trampoline_lowered:
0x8: {  	[smem:$0x3FA8] =	sst s0  }
0x9: {  	[smem:$0x3FA9] =	sst s1  }
0xa: {  	[smem:$0x3FAA] =	sst s2  }
0xb: {  	[smem:$0x3FAB] =	sst s3  }
0xc: {  	[smem:$0x3FAC] =	sst s4  }
0xd: {  	[smem:$0x3FAD] =	sst s5  }
0xe: {  	[smem:$0x3FAE] =	sst s6  }
0xf: {  	[smem:$0x3FAF] =	sst s7  }
0x10: {  	[smem:$0x3FB0] =	sst s8  }
0x11: {  	[smem:$0x3FB1] =	sst s9;
	s0 =	simm.s32 @!p0 $0x0  }
0x12: {  	s1 =	sld [smem:$0x3F97];
	s0 =	simm.s32 @p0 $0x1  }
0x13: {  	[smem:$0x3FB2] =	sst s0;
	s0 =	simm.s32 @!p1 $0x0  }
0x14: {  	s2 =	sld [smem:$0x3F96];
	s0 =	simm.s32 @p1 $0x1  }
0x15: {  	[smem:$0x3FB3] =	sst s0;
	s0 =	simm.s32 @!p2 $0x0  }
0x16: {  	s3 =	sld [smem:$0x3FDB];
	s0 =	simm.s32 @p2 $0x1  }
0x17: {  	s4 =	simm.s32 $0x1BF5;
	[smem:$0x3FB5] =	sst s0  }
0x18: {  	s0 =	sld [smem:$0x3F98];
	_ =	swait.ge [sflag:s4], $0x0  }
0x19: {  	s7 =	sld [smem:$0x3F99]  }
0x1a: {  	s8 =	sadd.s32 $0xFFFFE003, lr  }
0x1b: {  	s9 =	sadd.s32 $0xFFFFFEF7, lr;
	s5 =	simm.s32 $0xFFFFFFFF;
	p2 =	slt.u32 s8, $0xFFFFF086  }
0x1c: {  	p1 =	slt.u32 s9, $0xF7A;
	s5 =	simm.s32 @!p2 $0x0  }
0x1d: {  	s5 =	simm.s32 @p1 $0x1;
	p0 =	seq.s32 s7, s2  }
0x1e: {  	s7 =	smul.u32 @!p0 $0xF7A, s2;
	p2 =	seq.s32 @!p0 s5, $0x0  }
0x1f: {  	s9 =	smul.u32 $0xF7A, s1;
	s8 =	simm.s32 @!p0 $0x1BF5;
	p2 =	por !p2, p0  }
0x20: {  	[sflag:s8] =	ssyncset.s32 @!p0 $0xFFFFF086;
	s6 =	sadd.s32 @!p0 s3, s7;
	s7 =	simm.s32 @!p0 $0x108  }
0x21: {  	s3 =	sadd.s32 s3, s9;
	s6 =	sadd.s32 @!p0 $0x88, s6;
	s7 =	simm.s32 @p2 $0x1082  }
0x22: {  	[simem:s7], [sflag:s8] =	dma.local @!p0 [hbm:s6], $0xF7A  }
0x23: {  	s9 =	sor.u32 $0xD0000000, s2;
	s6 =	simm.s32 $0x108;
	_ =	swait.ge @!p0 [sflag:s8], $0x0  }
0x24: {  	s3 =	sadd.s32 $0x88, s3;
	s6 =	simm.s32 @!p1 $0x1082;
	[sflag:s4] =	ssyncset.s32 $0xFFFFF086  }
0x25: {  	[simem:s6], [sflag:s4] =	dma.local [hbm:s3], $0xF7A  }
0x26: {  	[smem:$0x3F99] =	sst s1;
	(tag) =	ssettag s2;
	_ =	strace s9  }
0x27: {  	s1 =	sld [smem:$0x3FA9]  }
0x28: {  	s2 =	sld [smem:$0x3FAA]  }
0x29: {  	s4 =	sld [smem:$0x3FAC]  }
0x2a: {  	p0 =	seq.s32 s5, $0x0;
	s5 =	sld [smem:$0x3FAD]  }
0x2b: {  	s6 =	sld [smem:$0x3FAE]  }
0x2c: {  	s7 =	sld [smem:$0x3FAF]  }
0x2d: {  	s3 =	simm.s32 $0x108;
	s8 =	sld [smem:$0x3FB0]  }
0x2e: {  	s3 =	simm.s32 @!p0 $0x1082;
	s9 =	sld [smem:$0x3FB1]  }
0x2f: {  	lr =	sadd.s32 s0, s3;
	s0 =	sld [smem:$0x3FA8]  }
0x30: {  	s3 =	sld [smem:$0x3FAB]  }
0x31: {  	[smem:$0x3FB4] =	sst s10  }
0x32: {  	s10 =	sld [smem:$0x3FB2];
	_ =	sdelay $0x3  }
0x33: {  	p0 =	seq.s32 s10, $0x1;
	s10 =	sld [smem:$0x3FB4];
	_ =	sdelay $0x3  }
0x34: {  	[smem:$0x3FB4] =	sst s10  }
0x35: {  	s10 =	sld [smem:$0x3FB3];
	_ =	sdelay $0x3  }
0x36: {  	p1 =	seq.s32 s10, $0x1;
	s10 =	sld [smem:$0x3FB4];
	_ =	sdelay $0x3  }
0x37: {  	[smem:$0x3FB4] =	sst s10  }
0x38: {  	s10 =	sld [smem:$0x3FB5]  }
0x39: {  	_ = 	snop;
	(pc) =	sbr.ind lr, $3  }
0x3a: {  	_ = 	snop  }
0x3b: {  	_ = 	snop  }
0x3c: {  	p2 =	seq.s32 s10, $0x1;
	s10 =	sld [smem:$0x3FB4]  }
0x3d: {  	_ =	shalt  }
0x3e: {  	_ =	shalt  }
0x3f: {  	_ =	shalt  }
0x40: {  	_ =	shalt  }
0x41: {  	_ =	shalt  }
0x42: {  	_ =	shalt  }
0x43: {  	_ =	shalt  }
0x44: {  	_ =	shalt  }
0x45: {  	_ =	shalt  }
0x46: {  	_ =	shalt  }
0x47: {  	_ =	shalt  }
0x48: {  	_ =	shalt  }
0x49: {  	_ =	shalt  }
0x4a: {  	_ =	shalt  }
0x4b: {  	_ =	shalt  }
0x4c: {  	_ =	shalt  }
0x4d: {  	_ =	shalt  }
0x4e: {  	_ =	shalt  }
0x4f: {  	_ =	shalt  }
0x50: {  	_ =	shalt  }
0x51: {  	_ =	shalt  }
0x52: {  	_ =	shalt  }
0x53: {  	_ =	shalt  }
0x54: {  	_ =	shalt  }
0x55: {  	_ =	shalt  }
0x56: {  	_ =	shalt  }
0x57: {  	_ =	shalt  }
0x58: {  	_ =	shalt  }
0x59: {  	_ =	shalt  }
0x5a: {  	_ =	shalt  }
0x5b: {  	_ =	shalt  }
0x5c: {  	_ =	shalt  }
0x5d: {  	_ =	shalt  }
0x5e: {  	_ =	shalt  }
0x5f: {  	_ =	shalt  }
0x60: {  	_ =	shalt  }
0x61: {  	_ =	shalt  }
0x62: {  	_ =	shalt  }
0x63: {  	_ =	shalt  }
0x64: {  	_ =	shalt  }
0x65: {  	_ =	shalt  }
0x66: {  	_ =	shalt  }
0x67: {  	_ =	shalt  }
0x68: {  	_ =	shalt  }
0x69: {  	_ =	shalt  }
0x6a: {  	_ =	shalt  }
0x6b: {  	_ =	shalt  }
0x6c: {  	_ =	shalt  }
0x6d: {  	_ =	shalt  }
0x6e: {  	_ =	shalt  }
0x6f: {  	_ =	shalt  }
0x70: {  	_ =	shalt  }
0x71: {  	_ =	shalt  }
0x72: {  	_ =	shalt  }
0x73: {  	_ =	shalt  }
0x74: {  	_ =	shalt  }
0x75: {  	_ =	shalt  }
0x76: {  	_ =	shalt  }
0x77: {  	_ =	shalt  }
0x78: {  	_ =	shalt  }
0x79: {  	_ =	shalt  }
0x7a: {  	_ =	shalt  }
0x7b: {  	_ =	shalt  }
0x7c: {  	_ =	shalt  }
0x7d: {  	_ =	shalt  }
0x7e: {  	_ =	shalt  }
0x7f: {  	_ =	shalt  }
0x80: {  	_ =	shalt  }
0x81: {  	_ =	shalt  }
0x82: {  	_ =	shalt  }
0x83: {  	_ =	shalt  }
0x84: {  	_ =	shalt  }
0x85: {  	_ =	shalt  }
0x86: {  	_ =	shalt  }
0x87: {  	_ =	shalt  }
.Lfunc_end0:
.L_simem_size_0:
called_computation_lowered:
.L_overlay_start_0:
0x88: {  	s2 =	sld [smem:$0x3FD9]  }
0x89: {  	s3 =	sld [smem:$0x3FFE];
	_ =	sdelay $0x1  }
0x8a: {  	s1 =	srdreg.scid  }
0x8b: {  	s0 =	sand.u32 $0x1, s1  }
0x8c: {  	s17 =	sshll.u32 s0, $0xA;
	s2 =	sadd.s32 s3, s2  }
0x8d: {  	s2 =	sadd.s32 s2, s17  }
0x8e: {  	[smem:$0x3FC0] =	sst s2  }
0x8f: {  	_ = 	snop  }
0x90: {  	(tm) =	ssettm $0x1  }
0x91: {  	s18 =	sld [smem:$0x3FFB];
	_ =	sdelay $0x3  }
0x92: {  	_ =	strace s18  }
0x93: {  	s2 =	sld [smem:$0x3FFC];
	_ =	sdelay $0x3  }
0x94: {  	_ =	strace s2  }
0x95: {  	s2 =	sld [smem:$0x3FFD];
	_ =	sdelay $0x3  }
0x96: {  	_ =	strace s2  }
0x97: {  	_ =	strace $0x8FFFFFFF  }
0x98: {  	s19 =	sld [smem:$0x3FDB];
	_ =	sdelay $0x1  }
0x99: {  	s20 =	simm.s32 $_scs_section_size  }
0x9a: {  	s4 =	simm.s32 $_size__tile_overlayer_lowered;
	s5 =	simm.s32 $_tile_overlayer_lowered  }
0x9b: {  	s6 =	simm.s32 $0x1BFF;
	s21 =	sshll.u32 s5, $0x1;
	s3 =	sadd.s32 s20, s19  }
0x9c: {  	s22 =	simm.s32 $0x0;
	s4 =	sshll.u32 s4, $0x1;
	s5 =	sadd.s32 s21, s3  }
0x9d: {  	[timem:s22], [sflag:s6] =	dma.local [hbm:s5], s4  }
0x9e: {  	_ =	swait.ge [sflag:s6], s4  }
0x9f: {  	s4 =	ssub.s32 $0x0, s4;
	[sflag:s6] =	ssyncset.done $0x0  }
0xa0: {  	[sflag:s6] =	ssyncadd.s32 s4;
	_ =	sdelay $0x1  }
0xa1: {  	s23 =	simm.s32 $0x1B8B  }
0xa2: {  	_ =	swait.ge [sflag:s23], $0x1  }
0xa3: {  	[sflag:s23] =	ssyncset.done $0x0  }
0xa4: {  	[sflag:s23] =	ssyncadd.s32 $0xFFFFFFFF  }
0xa5: {  	s4 =	sld [smem:$0x0]  }
0xa6: {  	s5 =	sand.u32 $0xFFFFFFFE, s1  }
0xa7: {  	p0 =	sne.s32 s1, s5  }
0xa8: {  	s5 =	sshll.u32 @p0 s5, $0xE  }
0xa9: {  	s5 =	sadd.s32 @p0 $0x11B8D, s5;
	s6 =	sshll.u32 @p0 s4, $0x11  }
0xaa: {  	s5 =	sor.u32 @p0 s6, s5  }
0xab: {  	[sflag:s5] =	ssyncadd.remote.s32 @p0 $0x1;
	_ =	sdelay $0x1  }
0xac: {  	s5 =	simm.s32 @p0 $0x1B8D  }
0xad: {  	_ =	swait.eq @p0 [sflag:s5], $0x1  }
0xae: {  	[sflag:s5] =	ssyncadd.s32 @p0 $0xFFFFFFFF  }
0xaf: {  	s6 =	sshll.u32 @!p0 s1, $0xE  }
0xb0: {  	s6 =	sor.u32 @!p0 $0x4000, s6;
	s5 =	simm.s32 @!p0 $0x1B8D  }
0xb1: {  	s4 =	sshll.u32 @!p0 s4, $0x11;
	s6 =	sadd.s32 @!p0 $0x11B8D, s6;
	_ =	swait.eq @!p0 [sflag:s5], $0x1  }
0xb2: {  	s4 =	sor.u32 @!p0 s4, s6;
	[sflag:s5] =	ssyncadd.s32 @!p0 $0xFFFFFFFF  }
0xb3: {  	s25 =	simm.s32 $0x1B8E;
	s24 =	sld [smem:$0x3FFE];
	[sflag:s4] =	ssyncadd.remote.s32 @!p0 $0x1  }
0xb4: {  	s26 =	simm.s32 $execute0_lowered;
	[smem:$0x3FD2] =	sst s25  }
0xb5: {  	s5 =	sshll.u32 s26, $0x1;
	_ =	strace $0x80000049;
	[dreg:$0x1] =	wrdreg $0xFFFFFFFF  }
0xb6: {  	s28 =	simm.s32 $_size_execute0_lowered;
	s3 =	sadd.s32 s3, s5;
	[dreg:$0x0] =	wrdreg $0x0  }
0xb7: {  	s5 =	sshll.u32 s28, $0x1;
	[dreg:$0x2] =	wrdreg s3  }
0xb8: {  	[dreg:$0x3] =	wrdreg s5  }
0xb9: {  	[dreg:$0x4] =	wrdreg $0xC0  }
0xba: {  	_ =	task [dreg:s22], $0x5FFFF  }
0xbb: {  	[dreg:$0x1] =	wrdreg $0xFFFFFFFF  }
0xbc: {  	[dreg:$0x0] =	wrdreg $0x60  }
0xbd: {  	[dreg:$0x2] =	wrdreg s24  }
0xbe: {  	[dreg:$0x3] =	wrdreg $0x68000  }
0xbf: {  	[dreg:$0x4] =	wrdreg $0x9  }
0xc0: {  	_ =	task.clear_ibuf [dreg:s22], $0x5FFFF;
	_ =	strace $0x90000049  }
0xc1: {  	s29 =	simm.s32 $0x9;
	_ =	strace $0x8000004B  }
0xc2: {  	_ =	swait.ge [sflag:s29], $0x1  }
0xc3: {  	[sflag:s29] =	ssyncadd.s32 $0xFFFFFFFF  }
0xc4: {  	_ =	strace $0x9000004B  }
0xc5: {  	_ =	sfence  }
0xc6: {  	s30 =	sld [smem:$0x0];
	_ =	sdelay $0x2  }
0xc7: {  	s31 =	sshll.u32 s1, $0xD;
	s1 =	sshrl.u32 s1, $0x2  }
0xc8: {  	s4 =	sand.u32 $0x4000, s31;
	s1 =	sadd.s32 s1, s30  }
0xc9: {  	s0 =	sor.u32 s4, s0;
	s1 =	sshll.u32 s1, $0x11  }
0xca: {  	s0 =	sor.u32 s1, s0  }
0xcb: {  	s0 =	sadd.s32 $0x8F2B, s0  }
0xcc: {  	[sflag:s0] =	ssyncadd.remote.s32 $0x1  }
0xcd: {  	_ =	sfence.sel $0xFFFF  }
0xce: {  	[dreg:$0x0] =	wrdreg $0xFFFFFFFF;
	(pc) =	sbr.abs _section_cstart, $3  }
0xcf: {  	[dreg:$0x1] =	wrdreg $0xFFFFFFFF  }
0xd0: {  	_ =	task.clear_ibuf [dreg:s22], $0x2FFFF;
	_ =	strace $0x9FFFFFFF  }
0xd1: {  	(tm) =	ssettm $0x7FFFFFFF  }
tec
execute0_lowered:
.L_overlay_start_1:
0x0: {  	(tag) =	ssettag $0x1  }
0x1: {  	s5 =	rddreg [dreg:$0x0]  }
0x2: {  	s0 =	srdreg.scid;
	s2 =	rddreg [dreg:$0x1]  }
0x3: {  	s3 =	simm.s32 $0x0;
	s12 =	simm.s32 $0x2;
	s13 =	simm.s32 $0x2800  }
0x4: {  	s14 =	simm.s32 $0x80;
	s4 =	sand.u32 $0x1, s0;
	s0 =	stileid.u32  }
0x5: {  	s15 =	simm.s32 $0x1;
	s18 =	simm.s32 $0x0;
	s7 =	smul.u32 $0x280, s0  }
0x6: {  	[smem:$0x7FF] =	sst s3;
	s1 =	sshll.u32 s4, $0x4;
	s8 =	smul.u32 $0x2800, s4  }
0x7: {  	s9 =	smul.u32 $0x50000, s0;
	s4 =	ssub.s32 $0x2, s4;
	s16 =	sshll.u32 s0, $0x6  }
0x8: {  	s1 =	sor.u32 s0, s1;
	s31 =	sshrl.u32 s4, $0x1;
	s16 =	sor.u32 $0x1C02, s16  }
0x9: {  	s6 =	smul.u32 $0x500, s1;
	s1 =	rddreg [dreg:$0x2];
	_ =	strace $0x8000004A  }
0xa: {  	s7 =	sadd.s32 s7, s8;
	s9 =	sshrl.u32 s9, $0x2;
	s11 =	ssub.s32 s4, s31  }
0xb: {  	s7 =	sshll.u32 s7, $0x4;
	s4 =	sadd.s32 s9, s2;
	s11 =	smax.u32 s11, $0x1  }
0xc: {  	s6 =	sadd.s32 s6, s5;
	s10 =	sadd.s32 s7, s5;
	s7 =	sadd.s32 $0x8000, s4  }
0xd: {  	s8 =	sadd.s32 $0xC000, s4;
	s9 =	sadd.s32 $0x10000, s4;
	s17 =	sshrl.u32 s4, $0x3  }
0xe: {  	v0 =	vimm.f32 $0.0e+00;
	v1 =	vimm.f32 $1.000000000e+00;
	s5 =	sadd.s32 $0x1E00, s6;
	s6 =	sadd.s32 $0x4000, s4;
	s10 =	sadd.s32 $0x65E00, s10  }
.LBB2_1:
0xf: {  	[tilespmem:s3], [sflag:$0x2] =	stream.linear.gather [hbm4b:s5+s3], $0x2800, $0x38;
	[tilespmem:$0x1A800] =	vst v63  }
0x10: {  	_ =	swait.ge [sflag:s12], $0x2800  }
0x11: {  	[sflag:s12] =	ssyncset.done $0x0  }
0x12: {  	s19 =	simm.s32 $0x0;
	s20 =	simm.s32 $0x200;
	[sflag:s12] =	ssyncadd.s32 $0xFFFFD800  }
.LBB2_2:
0x13: {  	p0 =	sne.s32 s20, $0xFE00;
	[tilespmem:s19+$0x2870] =	vst v0  }
0x14: {  	[tilespmem:s19+$0x2800] =	vst v0  }
0x15: {  	[tilespmem:s19+$0x2810] =	vst v0  }
.Ltmp0:
0x16: {  	[tilespmem:s19+$0x2820] =	vst v0;
	(pc) =	sbr.rel @p0 .LBB2_2-.Ltmp0, $4  }
0x17: {  	[tilespmem:s19+$0x2830] =	vst v0  }
0x18: {  	[tilespmem:s19+$0x2840] =	vst v0  }
0x19: {  	[tilespmem:s19+$0x2850] =	vst v0  }
0x1a: {  	[tilespmem:s19+$0x2860] =	vst v0;
	s19 =	sshra.s32 s20, $0x2;
	s20 =	sadd.s32 $0x200, s20  }
0x1b: {  	[tilespmem:s19+$0x2870] =	vst v0  }
0x1c: {  	[tilespmem:s19+$0x2800] =	vst v0  }
0x1d: {  	[tilespmem:s19+$0x2810] =	vst v0  }
0x1e: {  	[tilespmem:s19+$0x2820] =	vst v0  }
0x1f: {  	[tilespmem:s19+$0x2830] =	vst v0  }
0x20: {  	[tilespmem:s19+$0x2840] =	vst v0  }
0x21: {  	[tilespmem:s19+$0x2850] =	vst v0  }
0x22: {  	[tilespmem:s19+$0x2860] =	vst v0  }
0x23: {  	[spmem:s4] =	stream.linear.scatter [tilespmem:s13], [sflag:$0x2], $0x4000, $0x38;
	[tilespmem:$0x1A800] =	vst v63  }
0x24: {  	_ =	swait.ge [sflag:s12], $0x4000  }
0x25: {  	[sflag:s12] =	ssyncset.done $0x0  }
0x26: {  	[sflag:s12] =	ssyncadd.s32 $0xFFFFC000  }
0x27: {  	[spmem:s6] =	stream.linear.scatter [tilespmem:s13], [sflag:$0x2], $0x4000, $0x38;
	[tilespmem:$0x1A800] =	vst v63  }
0x28: {  	_ =	swait.ge [sflag:s12], $0x4000  }
0x29: {  	[sflag:s12] =	ssyncset.done $0x0  }
0x2a: {  	[sflag:s12] =	ssyncadd.s32 $0xFFFFC000  }
0x2b: {  	[spmem:s7] =	stream.linear.scatter [tilespmem:s13], [sflag:$0x2], $0x4000, $0x38;
	[tilespmem:$0x1A800] =	vst v63  }
0x2c: {  	_ =	swait.ge [sflag:s12], $0x4000  }
0x2d: {  	[sflag:s12] =	ssyncset.done $0x0  }
0x2e: {  	[sflag:s12] =	ssyncadd.s32 $0xFFFFC000  }
0x2f: {  	[spmem:s8] =	stream.linear.scatter [tilespmem:s13], [sflag:$0x2], $0x4000, $0x38;
	[tilespmem:$0x1A800] =	vst v63  }
0x30: {  	_ =	swait.ge [sflag:s12], $0x4000  }
0x31: {  	[sflag:s12] =	ssyncset.done $0x0  }
0x32: {  	[sflag:s12] =	ssyncadd.s32 $0xFFFFC000  }
0x33: {  	[spmem:s9] =	stream.linear.scatter [tilespmem:s13], [sflag:$0x2], $0x4000, $0x38;
	[tilespmem:$0x1A800] =	vst v63  }
0x34: {  	_ =	swait.ge [sflag:s12], $0x4000  }
0x35: {  	[sflag:s12] =	ssyncset.done $0x0  }
0x36: {  	s19 =	simm.s32 $0x0;
	s20 =	simm.s32 $0x200;
	[sflag:s12] =	ssyncadd.s32 $0xFFFFC000  }
.LBB2_4:
0x37: {  	p0 =	sne.s32 s20, $0xFE00;
	[tilespmem:s19+$0x2870] =	vst v1  }
0x38: {  	[tilespmem:s19+$0x2800] =	vst v1  }
0x39: {  	[tilespmem:s19+$0x2810] =	vst v1  }
.Ltmp1:
0x3a: {  	[tilespmem:s19+$0x2820] =	vst v1;
	(pc) =	sbr.rel @p0 .LBB2_4-.Ltmp1, $4  }
0x3b: {  	[tilespmem:s19+$0x2830] =	vst v1  }
0x3c: {  	[tilespmem:s19+$0x2840] =	vst v1  }
0x3d: {  	[tilespmem:s19+$0x2850] =	vst v1  }
0x3e: {  	[tilespmem:s19+$0x2860] =	vst v1;
	s19 =	sshra.s32 s20, $0x2;
	s20 =	sadd.s32 $0x200, s20  }
0x3f: {  	[tilespmem:s19+$0x2870] =	vst v1  }
0x40: {  	[tilespmem:s19+$0x2800] =	vst v1  }
0x41: {  	[tilespmem:s19+$0x2810] =	vst v1  }
0x42: {  	[tilespmem:s19+$0x2820] =	vst v1  }
0x43: {  	[tilespmem:s19+$0x2830] =	vst v1  }
0x44: {  	[tilespmem:s19+$0x2840] =	vst v1  }
0x45: {  	[tilespmem:s19+$0x2850] =	vst v1  }
0x46: {  	[tilespmem:s19+$0x2860] =	vst v1  }
0x47: {  	s28 =	simm.s32 $0x0;
	[bflag:$0x0] =	sbarrier.arrive $0xFFFF  }
0x48: {  	[spmem:s2] =	stream.indirect.scatter.add.f32 [tilespmem:s13], [sflag:$0x1], $0x80, s28, s14, $0xb8;
	[tilespmem:$0x1A800] =	vst v63  }
0x49: {  	s29 =	simm.s32 $0x80  }
0x4a: {  	[spmem:s2] =	stream.indirect.scatter.add.f32 [tilespmem:s13], [sflag:$0x1], $0x80, s29, s14, $0xb8;
	[tilespmem:$0x1A800] =	vst v63  }
0x4b: {  	s30 =	simm.s32 $0x100  }
0x4c: {  	[spmem:s2] =	stream.indirect.scatter.add.f32 [tilespmem:s13], [sflag:$0x1], $0x80, s30, s14, $0xb8;
	[tilespmem:$0x1A800] =	vst v63  }
0x4d: {  	s31 =	simm.s32 $0x180  }
0x4e: {  	[spmem:s2] =	stream.indirect.scatter.add.f32 [tilespmem:s13], [sflag:$0x1], $0x80, s31, s14, $0xb8;
	[tilespmem:$0x1A800] =	vst v63  }
0x4f: {  	_ =	swait.ge [sflag:s15], $0x4000  }
0x50: {  	[sflag:s15] =	ssyncset.done $0x0  }
0x51: {  	[sflag:s15] =	ssyncadd.s32 $0xFFFFC000  }
0x52: {  	_ =	swait.ge [sflag:s15], $0x4000  }
0x53: {  	[sflag:s15] =	ssyncset.done $0x0  }
0x54: {  	[sflag:s15] =	ssyncadd.s32 $0xFFFFC000  }
0x55: {  	_ =	swait.ge [sflag:s15], $0x4000  }
0x56: {  	[sflag:s15] =	ssyncset.done $0x0  }
0x57: {  	[sflag:s15] =	ssyncadd.s32 $0xFFFFC000  }
0x58: {  	_ =	swait.ge [sflag:s15], $0x4000  }
0x59: {  	s19 =	simm.s32 $0x800;
	s20 =	simm.s32 $0x1000;
	[sflag:s15] =	ssyncset.done $0x0  }
.LBB2_6:
0x5a: {  	s21 =	sshra.s32 s19, $0x2  }
0x5b: {  	[sflag:s15] =	ssyncadd.s32 $0xFFFFC000;
	s19 =	smov.u32 s20;
	s22 =	sadd.s32 $0x800, s20  }
0x5c: {  	[spmem:s2] =	stream.indirect.scatter.add.f32 [tilespmem:s13], [sflag:$0x1], $0x80, s21, s14, $0xb8;
	[tilespmem:$0x1A800] =	vst v63  }
0x5d: {  	p0 =	sne.s32 s20, $0x9800;
	s20 =	sadd.s32 $0x80, s21  }
0x5e: {  	[spmem:s2] =	stream.indirect.scatter.add.f32 [tilespmem:s13], [sflag:$0x1], $0x80, s20, s14, $0xb8;
	[tilespmem:$0x1A800] =	vst v63  }
0x5f: {  	s20 =	sadd.s32 $0x100, s21  }
0x60: {  	[spmem:s2] =	stream.indirect.scatter.add.f32 [tilespmem:s13], [sflag:$0x1], $0x80, s20, s14, $0xb8;
	[tilespmem:$0x1A800] =	vst v63  }
0x61: {  	s20 =	sadd.s32 $0x180, s21  }
0x62: {  	[spmem:s2] =	stream.indirect.scatter.add.f32 [tilespmem:s13], [sflag:$0x1], $0x80, s20, s14, $0xb8;
	[tilespmem:$0x1A800] =	vst v63  }
0x63: {  	_ =	swait.ge [sflag:s15], $0x4000  }
0x64: {  	[sflag:s15] =	ssyncset.done $0x0  }
0x65: {  	[sflag:s15] =	ssyncadd.s32 $0xFFFFC000  }
0x66: {  	_ =	swait.ge [sflag:s15], $0x4000  }
0x67: {  	[sflag:s15] =	ssyncset.done $0x0  }
0x68: {  	[sflag:s15] =	ssyncadd.s32 $0xFFFFC000  }
.Ltmp2:
0x69: {  	_ =	swait.ge [sflag:s15], $0x4000;
	(pc) =	sbr.rel @p0 .LBB2_6-.Ltmp2, $4  }
0x6a: {  	[sflag:s15] =	ssyncset.done $0x0  }
0x6b: {  	[sflag:s15] =	ssyncadd.s32 $0xFFFFC000  }
0x6c: {  	_ =	swait.ge [sflag:s15], $0x4000  }
0x6d: {  	s20 =	smov.u32 s22;
	[sflag:s15] =	ssyncset.done $0x0  }
0x6e: {  	s19 =	sshra.s32 s19, $0x2;
	[sflag:s15] =	ssyncadd.s32 $0xFFFFC000  }
0x6f: {  	[spmem:s2] =	stream.indirect.scatter.add.f32 [tilespmem:s13], [sflag:$0x1], $0x80, s19, s14, $0xb8;
	[tilespmem:$0x1A800] =	vst v63  }
0x70: {  	s20 =	sadd.s32 $0x80, s19  }
0x71: {  	[spmem:s2] =	stream.indirect.scatter.add.f32 [tilespmem:s13], [sflag:$0x1], $0x80, s20, s14, $0xb8;
	[tilespmem:$0x1A800] =	vst v63  }
0x72: {  	s31 =	sadd.s32 $0x100, s19  }
0x73: {  	[spmem:s2] =	stream.indirect.scatter.add.f32 [tilespmem:s13], [sflag:$0x1], $0x80, s31, s14, $0xb8;
	[tilespmem:$0x1A800] =	vst v63  }
0x74: {  	s19 =	sadd.s32 $0x180, s19  }
0x75: {  	[spmem:s2] =	stream.indirect.scatter.add.f32 [tilespmem:s13], [sflag:$0x1], $0x80, s19, s14, $0xb8;
	[tilespmem:$0x1A800] =	vst v63  }
0x76: {  	_ =	swait.ge [sflag:s15], $0x4000  }
0x77: {  	[sflag:s15] =	ssyncset.done $0x0  }
0x78: {  	[sflag:s15] =	ssyncadd.s32 $0xFFFFC000  }
0x79: {  	_ =	swait.ge [sflag:s15], $0x4000  }
0x7a: {  	[sflag:s15] =	ssyncset.done $0x0  }
0x7b: {  	[sflag:s15] =	ssyncadd.s32 $0xFFFFC000  }
0x7c: {  	_ =	swait.ge [sflag:s15], $0x4000  }
0x7d: {  	[sflag:s15] =	ssyncset.done $0x0  }
0x7e: {  	[sflag:s15] =	ssyncadd.s32 $0xFFFFC000  }
0x7f: {  	_ =	swait.ge [sflag:s15], $0x4000  }
0x80: {  	s18 =	sadd.s32 $0x1, s18;
	[sflag:s15] =	ssyncset.done $0x0  }
0x81: {  	p0 =	sne.s32 s18, s11;
	[sflag:s15] =	ssyncadd.s32 $0xFFFFC000  }
.Ltmp3:
0x82: {  	[bflag:$0x0] =	sbarrier.arrive $0xFFFF;
	(pc) =	sbr.rel @p0 .LBB2_1-.Ltmp3, $4  }
0x83: {  	[hbm:s10], [sflag:s16] =	dma.local [spmem:s17], $0x2800  }
0x84: {  	_ =	swait.ge [sflag:s12], $0x2800  }
0x85: {  	[sflag:s12] =	ssyncset.done $0x0  }
0x86: {  	[sflag:s12] =	ssyncadd.s32 $0xFFFFD800  }
0x87: {  	_ =	sfence.sel $0x180000  }
0x88: {  	[bflag:$0x0] =	sbarrier.arrive $0xFFFF  }
0x89: {  	p0 =	sne.s32 s0, $0x0;
	_ =	strace $0x9000004A  }
0x8a: {  	s0 =	sadd.s32 @!p0 $0x100000, s1;
	[bflag:$0x2] =	sbarrier.arrive $0xFFFF  }
0x8b: {  	[sflag:s0] =	ssyncadd.tile.s32 @!p0 $0x1;
	_ =	shalt  }
.Lfunc_end2:
_tile_overlayer_lowered:
.L_overlay_start_2:
0x8c: {  	(tag) =	ssettag $0x2  }
0x8d: {  	s0 =	rddreg [dreg:$0x0];
	s2 =	stileid.u32  }
0x8e: {  	s1 =	rddreg [dreg:$0x1];
	p0 =	sne.s32 s2, $0x0  }
0x8f: {  	s3 =	rddreg [dreg:$0x2];
	[bflag:$0x3] =	sbarrier.arrive $0xFFFF;
	s2 =	simm.s32 @!p0 $0x1C02  }
0x90: {  	[timem:s3], [sflag:s2] =	dma.local @!p0 [hbm:s0], s1  }
0x91: {  	s0 =	simm.s32 @!p0 $0x2  }
0x92: {  	_ =	swait.ge @!p0 [sflag:s0], s1  }
0x93: {  	s1 =	ssub.s32 @!p0 $0x0, s1;
	[sflag:s0] =	ssyncset.done @!p0 $0x0  }
0x94: {  	[sflag:s0] =	ssyncadd.s32 @!p0 s1  }
0x95: {  	[bflag:$0x3] =	sbarrier.arrive $0xFFFF  }
0x96: {  	_ =	shalt  }

</sc_bundles>
